<compile_context>
chip_gen: v7x
topology: tpu7x:2x2x1
jax: 0.10.2.dev20260603
libtpu: 0.0.44.dev20260713+nightly
codegen_flags: <defaults>
</compile_context>

<pallas_src>
import functools

import jax
import jax.numpy as jnp
from jax import lax
from jax.experimental import pallas as pl
from jax.experimental.pallas import tpu as pltpu
from jax.experimental.pallas import tpu_sc as plsc

B = 1024
S = 200
HALF = S // 2
D = 128
NW = 32
SEQ_PER_W = B // NW
NBUF = 4
LANES = 16
D_CHUNKS = D // LANES
ROW_UNROLL = 4


def _emb_body(resp_ref, pos_ref, table_ref, out_ref, pos_v, ibuf,
              rows, gsems, osems, isems, psem):
    wid = lax.axis_index("s") * 2 + lax.axis_index("c")
    wb = wid * SEQ_PER_W

    def start_idx(lc, k):
        pltpu.async_copy(resp_ref.at[wb + lc], ibuf.at[k], isems[k])

    def wait_idx(lc, k):
        pltpu.make_async_copy(resp_ref.at[wb + lc], ibuf.at[k],
                              isems[k]).wait()

    def start_gather(lc, k, b):
        for h in range(2):
            pltpu.async_copy(table_ref.at[ibuf.at[k, h]],
                             rows[b].at[pl.ds(h * HALF, HALF)], gsems[b])

    def wait_gather(lc, k, b):
        for h in range(2):
            pltpu.make_async_copy(table_ref.at[ibuf.at[k, h]],
                                  rows[b].at[pl.ds(h * HALF, HALF)],
                                  gsems[b]).wait()

    def start_write(lc, b):
        pltpu.async_copy(rows[b], out_ref.at[wb + lc], osems[b])

    def wait_write(lc, b):
        pltpu.make_async_copy(rows[b], out_ref.at[wb + lc], osems[b]).wait()

    def add_rows(b):
        r_v = rows[b]

        def row_body(rr, carry):
            r = rr * ROW_UNROLL
            for u in range(ROW_UNROLL):
                for i in range(D_CHUNKS):
                    sl = pl.ds(i * LANES, LANES)
                    plsc.addupdate(r_v.at[r + u, sl], pos_v[r + u, sl])
            return carry

        lax.fori_loop(0, S // ROW_UNROLL, row_body, None)

    start_idx(0, 0)
    start_idx(1, 1)
    start_idx(2, 2)
    pltpu.async_copy(pos_ref, pos_v, psem)
    wait_idx(0, 0)
    start_gather(0, 0, 0)
    wait_idx(1, 1)
    start_gather(1, 1, 1)
    pltpu.make_async_copy(pos_ref, pos_v, psem).wait()

    def group_body(g, carry):
        for b in range(NBUF):
            c = NBUF * g + b
            b2 = (b + 2) % NBUF

            @pl.when(c + 3 < SEQ_PER_W)
            def _(c=c, b=b):
                start_idx(c + 3, (b + 3) % NBUF)

            @pl.when(c + 2 < SEQ_PER_W)
            def _(c=c, b2=b2):
                @pl.when(c >= 2)
                def _():
                    wait_write(c - 2, b2)
                wait_idx(c + 2, b2)
                start_gather(c + 2, b2, b2)

            wait_gather(c, b, b)
            add_rows(b)
            start_write(c, b)
        return carry

    lax.fori_loop(0, SEQ_PER_W // NBUF, group_body, None)

    wait_write(SEQ_PER_W - 2, 2)
    wait_write(SEQ_PER_W - 1, 3)


@jax.jit
def _emb(resp, position_table, response_table):
    mesh = plsc.VectorSubcoreMesh(core_axis_name="c", subcore_axis_name="s")
    kfn = functools.partial(
        pl.kernel,
        out_type=jax.ShapeDtypeStruct((B, S, D), jnp.float32),
        mesh=mesh,
        scratch_types=[
            pltpu.VMEM((S, D), jnp.float32),
            pltpu.VMEM((NBUF, 2, HALF), jnp.int32),
            tuple(pltpu.VMEM((S, D), jnp.float32) for _ in range(NBUF)),
            tuple(pltpu.SemaphoreType.DMA for _ in range(NBUF)),
            tuple(pltpu.SemaphoreType.DMA for _ in range(NBUF)),
            tuple(pltpu.SemaphoreType.DMA for _ in range(NBUF)),
            pltpu.SemaphoreType.DMA,
        ],
    )(_emb_body)
    return kfn(resp, position_table, response_table)


def kernel(response, position_table, response_table):
    resp = response.astype(jnp.int32).reshape(B, 2, HALF)
    return _emb(resp, position_table, response_table)

# --- scband reference (transcript-rebuilt; emitter-appended) ---
"""Pipeline reference for scband-decoder-embedding-54932631715849 (READ-ONLY COPY).

The authoritative reference and input builder live on the scoring server;
editing this copy changes nothing except your own understanding.
"""

import jax, jax.numpy as jnp
import numpy as np

N_RESPONSE = 100000
N_DIMS = 128
SEQ_LEN = 200
BATCH = 1024


def setup_inputs(seed: int = 0) -> dict:
    key = jax.random.key(seed)
    k1, k2, k3 = jax.random.split(key, 3)
    response = jax.random.randint(k1, (BATCH, SEQ_LEN), 0, N_RESPONSE, dtype=jnp.int64 if jax.config.jax_enable_x64 else jnp.int32)
    position_table = jax.random.normal(k2, (SEQ_LEN, N_DIMS), dtype=jnp.float32)
    response_table = jax.random.normal(k3, (N_RESPONSE, N_DIMS), dtype=jnp.float32)
    return {"response": response, "position_table": position_table, "response_table": response_table}


def reference(response, position_table, response_table):
    # seq = arange(seq_len)[None, :]
    seq = jnp.arange(SEQ_LEN)[None, :]
    pos = jnp.take(position_table, seq, axis=0)        # [1, seq_len, n_dims]
    res = jnp.take(response_table, response, axis=0)    # [B, seq_len, n_dims]
    return pos + res

if __name__ == "__main__":
    import jax
    _d = setup_inputs()
    print(jax.jit(kernel)(*tuple(_d.values())))

</pallas_src>

<mosaic_0001>
#map = affine_map<(d0, d1) -> (0, 0, 0)>
#map1 = affine_map<(d0, d1) -> (0, 0)>
module attributes {stable_mosaic.version = 14 : i64} {
  func.func @_emb_body(%arg0: i32, %arg1: i32, %arg2: memref<1024x2x100xi32, #tpu.memory_space<hbm>>, %arg3: memref<200x128xf32, #tpu.memory_space<hbm>>, %arg4: memref<100000x128xf32, #tpu.memory_space<hbm>>, %arg5: memref<1024x200x128xf32, #tpu.memory_space<hbm>>, %arg6: memref<200x128xf32, #tpu.memory_space<vmem>>, %arg7: memref<4x2x100xi32, #tpu.memory_space<vmem>>, %arg8: memref<200x128xf32, #tpu.memory_space<vmem>>, %arg9: memref<200x128xf32, #tpu.memory_space<vmem>>, %arg10: memref<200x128xf32, #tpu.memory_space<vmem>>, %arg11: memref<200x128xf32, #tpu.memory_space<vmem>>, %arg12: memref<!tpu.dma_semaphore, #tpu.memory_space<semaphore_mem>>, %arg13: memref<!tpu.dma_semaphore, #tpu.memory_space<semaphore_mem>>, %arg14: memref<!tpu.dma_semaphore, #tpu.memory_space<semaphore_mem>>, %arg15: memref<!tpu.dma_semaphore, #tpu.memory_space<semaphore_mem>>, %arg16: memref<!tpu.dma_semaphore, #tpu.memory_space<semaphore_mem>>, %arg17: memref<!tpu.dma_semaphore, #tpu.memory_space<semaphore_mem>>, %arg18: memref<!tpu.dma_semaphore, #tpu.memory_space<semaphore_mem>>, %arg19: memref<!tpu.dma_semaphore, #tpu.memory_space<semaphore_mem>>, %arg20: memref<!tpu.dma_semaphore, #tpu.memory_space<semaphore_mem>>, %arg21: memref<!tpu.dma_semaphore, #tpu.memory_space<semaphore_mem>>, %arg22: memref<!tpu.dma_semaphore, #tpu.memory_space<semaphore_mem>>, %arg23: memref<!tpu.dma_semaphore, #tpu.memory_space<semaphore_mem>>, %arg24: memref<!tpu.dma_semaphore, #tpu.memory_space<semaphore_mem>>) attributes {dimension_semantics = [#tpu.dimension_semantics<core_parallel>, #tpu.dimension_semantics<subcore_parallel>], iteration_bounds = array<i64: 2, 16>, scalar_prefetch = 0 : i64, scratch_operands = 19 : i64, tpu.core_type = #tpu.core_type<sc_vector_subcore>, window_params = [{transform_indices = #map}, {transform_indices = #map1}, {transform_indices = #map1}, {transform_indices = #map}]} {
    %mul3A = arith.constant 2 : i32
    %mul3A_0 = arith.muli %arg1, %mul3A : i32
    %add3A = arith.addi %mul3A_0, %arg0 : i32
    %mul3A_1 = arith.constant 32 : i32
    %mul3A_2 = arith.muli %add3A, %mul3A_1 : i32
    %add3A_3 = arith.constant 0 : i32
    %add3A_4 = arith.addi %mul3A_2, %add3A_3 : i32
    %dma_start3A = arith.constant 0 : i32
    %dma_start3A_5 = arith.constant 0 : i32
    %dma_start3A_6 = arith.constant 0 : i32
    %dma_start3A_7 = tpu.memref_slice %arg7[%dma_start3A, %dma_start3A_5, %dma_start3A_6] : memref<4x2x100xi32, #tpu.memory_space<vmem>> -> memref<1x2x100xi32, #tpu.memory_space<vmem>>
    %dma_start3A_8 = tpu.memref_squeeze %dma_start3A_7 : memref<1x2x100xi32, #tpu.memory_space<vmem>> -> memref<2x100xi32, #tpu.memory_space<vmem>>
    %dma_start3A_9 = arith.constant 0 : i32
    %dma_start3A_10 = arith.constant 0 : i32
    %dma_start3A_11 = tpu.memref_slice %arg2[%add3A_4, %dma_start3A_9, %dma_start3A_10] : memref<1024x2x100xi32, #tpu.memory_space<hbm>> -> memref<1x2x100xi32, #tpu.memory_space<hbm>>
    %dma_start3A_12 = tpu.memref_squeeze %dma_start3A_11 : memref<1x2x100xi32, #tpu.memory_space<hbm>> -> memref<2x100xi32, #tpu.memory_space<hbm>>
    %dma_start3A_13 = arith.constant 0 : i32
    %dma_start3A_14 = arith.constant 0 : i32
    %dma_start3A_15 = tpu.memref_slice %arg7[%dma_start3A, %dma_start3A_13, %dma_start3A_14] : memref<4x2x100xi32, #tpu.memory_space<vmem>> -> memref<1x2x100xi32, #tpu.memory_space<vmem>>
    %dma_start3A_16 = tpu.memref_squeeze %dma_start3A_15 : memref<1x2x100xi32, #tpu.memory_space<vmem>> -> memref<2x100xi32, #tpu.memory_space<vmem>>
    %dma_start3A_17 = arith.constant 0 : i32
    %dma_start3A_18 = arith.constant 0 : i32
    %dma_start3A_19 = tpu.memref_slice %arg2[%add3A_4, %dma_start3A_17, %dma_start3A_18] : memref<1024x2x100xi32, #tpu.memory_space<hbm>> -> memref<1x2x100xi32, #tpu.memory_space<hbm>>
    %dma_start3A_20 = tpu.memref_squeeze %dma_start3A_19 : memref<1x2x100xi32, #tpu.memory_space<hbm>> -> memref<2x100xi32, #tpu.memory_space<hbm>>
    tpu.enqueue_dma source(%dma_start3A_20 : memref<2x100xi32, #tpu.memory_space<hbm>>) target(%dma_start3A_16 : memref<2x100xi32, #tpu.memory_space<vmem>>) target_semaphore(%arg20 : memref<!tpu.dma_semaphore, #tpu.memory_space<semaphore_mem>>)
    %add3A_21 = arith.constant 1 : i32
    %add3A_22 = arith.addi %mul3A_2, %add3A_21 : i32
    %dma_start3A_23 = arith.constant 1 : i32
    %dma_start3A_24 = arith.constant 0 : i32
    %dma_start3A_25 = arith.constant 0 : i32
    %dma_start3A_26 = tpu.memref_slice %arg7[%dma_start3A_23, %dma_start3A_24, %dma_start3A_25] : memref<4x2x100xi32, #tpu.memory_space<vmem>> -> memref<1x2x100xi32, #tpu.memory_space<vmem>>
    %dma_start3A_27 = tpu.memref_squeeze %dma_start3A_26 : memref<1x2x100xi32, #tpu.memory_space<vmem>> -> memref<2x100xi32, #tpu.memory_space<vmem>>
    %dma_start3A_28 = arith.constant 0 : i32
    %dma_start3A_29 = arith.constant 0 : i32
    %dma_start3A_30 = tpu.memref_slice %arg2[%add3A_22, %dma_start3A_28, %dma_start3A_29] : memref<1024x2x100xi32, #tpu.memory_space<hbm>> -> memref<1x2x100xi32, #tpu.memory_space<hbm>>
    %dma_start3A_31 = tpu.memref_squeeze %dma_start3A_30 : memref<1x2x100xi32, #tpu.memory_space<hbm>> -> memref<2x100xi32, #tpu.memory_space<hbm>>
    %dma_start3A_32 = arith.constant 0 : i32
    %dma_start3A_33 = arith.constant 0 : i32
    %dma_start3A_34 = tpu.memref_slice %arg7[%dma_start3A_23, %dma_start3A_32, %dma_start3A_33] : memref<4x2x100xi32, #tpu.memory_space<vmem>> -> memref<1x2x100xi32, #tpu.memory_space<vmem>>
    %dma_start3A_35 = tpu.memref_squeeze %dma_start3A_34 : memref<1x2x100xi32, #tpu.memory_space<vmem>> -> memref<2x100xi32, #tpu.memory_space<vmem>>
    %dma_start3A_36 = arith.constant 0 : i32
    %dma_start3A_37 = arith.constant 0 : i32
    %dma_start3A_38 = tpu.memref_slice %arg2[%add3A_22, %dma_start3A_36, %dma_start3A_37] : memref<1024x2x100xi32, #tpu.memory_space<hbm>> -> memref<1x2x100xi32, #tpu.memory_space<hbm>>
    %dma_start3A_39 = tpu.memref_squeeze %dma_start3A_38 : memref<1x2x100xi32, #tpu.memory_space<hbm>> -> memref<2x100xi32, #tpu.memory_space<hbm>>
    tpu.enqueue_dma source(%dma_start3A_39 : memref<2x100xi32, #tpu.memory_space<hbm>>) target(%dma_start3A_35 : memref<2x100xi32, #tpu.memory_space<vmem>>) target_semaphore(%arg21 : memref<!tpu.dma_semaphore, #tpu.memory_space<semaphore_mem>>)
    %add3A_40 = arith.constant 2 : i32
    %add3A_41 = arith.addi %mul3A_2, %add3A_40 : i32
    %dma_start3A_42 = arith.constant 2 : i32
    %dma_start3A_43 = arith.constant 0 : i32
    %dma_start3A_44 = arith.constant 0 : i32
    %dma_start3A_45 = tpu.memref_slice %arg7[%dma_start3A_42, %dma_start3A_43, %dma_start3A_44] : memref<4x2x100xi32, #tpu.memory_space<vmem>> -> memref<1x2x100xi32, #tpu.memory_space<vmem>>
    %dma_start3A_46 = tpu.memref_squeeze %dma_start3A_45 : memref<1x2x100xi32, #tpu.memory_space<vmem>> -> memref<2x100xi32, #tpu.memory_space<vmem>>
    %dma_start3A_47 = arith.constant 0 : i32
    %dma_start3A_48 = arith.constant 0 : i32
    %dma_start3A_49 = tpu.memref_slice %arg2[%add3A_41, %dma_start3A_47, %dma_start3A_48] : memref<1024x2x100xi32, #tpu.memory_space<hbm>> -> memref<1x2x100xi32, #tpu.memory_space<hbm>>
    %dma_start3A_50 = tpu.memref_squeeze %dma_start3A_49 : memref<1x2x100xi32, #tpu.memory_space<hbm>> -> memref<2x100xi32, #tpu.memory_space<hbm>>
    %dma_start3A_51 = arith.constant 0 : i32
    %dma_start3A_52 = arith.constant 0 : i32
    %dma_start3A_53 = tpu.memref_slice %arg7[%dma_start3A_42, %dma_start3A_51, %dma_start3A_52] : memref<4x2x100xi32, #tpu.memory_space<vmem>> -> memref<1x2x100xi32, #tpu.memory_space<vmem>>
    %dma_start3A_54 = tpu.memref_squeeze %dma_start3A_53 : memref<1x2x100xi32, #tpu.memory_space<vmem>> -> memref<2x100xi32, #tpu.memory_space<vmem>>
    %dma_start3A_55 = arith.constant 0 : i32
    %dma_start3A_56 = arith.constant 0 : i32
    %dma_start3A_57 = tpu.memref_slice %arg2[%add3A_41, %dma_start3A_55, %dma_start3A_56] : memref<1024x2x100xi32, #tpu.memory_space<hbm>> -> memref<1x2x100xi32, #tpu.memory_space<hbm>>
    %dma_start3A_58 = tpu.memref_squeeze %dma_start3A_57 : memref<1x2x100xi32, #tpu.memory_space<hbm>> -> memref<2x100xi32, #tpu.memory_space<hbm>>
    tpu.enqueue_dma source(%dma_start3A_58 : memref<2x100xi32, #tpu.memory_space<hbm>>) target(%dma_start3A_54 : memref<2x100xi32, #tpu.memory_space<vmem>>) target_semaphore(%arg22 : memref<!tpu.dma_semaphore, #tpu.memory_space<semaphore_mem>>)
    tpu.enqueue_dma source(%arg3 : memref<200x128xf32, #tpu.memory_space<hbm>>) target(%arg6 : memref<200x128xf32, #tpu.memory_space<vmem>>) target_semaphore(%arg24 : memref<!tpu.dma_semaphore, #tpu.memory_space<semaphore_mem>>)
    %add3A_59 = arith.constant 0 : i32
    %add3A_60 = arith.addi %mul3A_2, %add3A_59 : i32
    %dma_wait3A = arith.constant 0 : i32
    %dma_wait3A_61 = arith.constant 0 : i32
    %dma_wait3A_62 = arith.constant 0 : i32
    %dma_wait3A_63 = tpu.memref_slice %arg7[%dma_wait3A, %dma_wait3A_61, %dma_wait3A_62] : memref<4x2x100xi32, #tpu.memory_space<vmem>> -> memref<1x2x100xi32, #tpu.memory_space<vmem>>
    %dma_wait3A_64 = tpu.memref_squeeze %dma_wait3A_63 : memref<1x2x100xi32, #tpu.memory_space<vmem>> -> memref<2x100xi32, #tpu.memory_space<vmem>>
    %dma_wait3A_65 = arith.constant 0 : i32
    %dma_wait3A_66 = arith.constant 0 : i32
    %dma_wait3A_67 = tpu.memref_slice %arg2[%add3A_60, %dma_wait3A_65, %dma_wait3A_66] : memref<1024x2x100xi32, #tpu.memory_space<hbm>> -> memref<1x2x100xi32, #tpu.memory_space<hbm>>
    %dma_wait3A_68 = tpu.memref_squeeze %dma_wait3A_67 : memref<1x2x100xi32, #tpu.memory_space<hbm>> -> memref<2x100xi32, #tpu.memory_space<hbm>>
    %dma_wait3A_69 = arith.constant 0 : i32
    %dma_wait3A_70 = arith.constant 0 : i32
    %dma_wait3A_71 = tpu.memref_slice %arg7[%dma_wait3A, %dma_wait3A_69, %dma_wait3A_70] : memref<4x2x100xi32, #tpu.memory_space<vmem>> -> memref<1x2x100xi32, #tpu.memory_space<vmem>>
    %dma_wait3A_72 = tpu.memref_squeeze %dma_wait3A_71 : memref<1x2x100xi32, #tpu.memory_space<vmem>> -> memref<2x100xi32, #tpu.memory_space<vmem>>
    %dma_wait3A_73 = arith.constant 0 : i32
    %dma_wait3A_74 = arith.constant 0 : i32
    %dma_wait3A_75 = tpu.memref_slice %arg2[%add3A_60, %dma_wait3A_73, %dma_wait3A_74] : memref<1024x2x100xi32, #tpu.memory_space<hbm>> -> memref<1x2x100xi32, #tpu.memory_space<hbm>>
    %dma_wait3A_76 = tpu.memref_squeeze %dma_wait3A_75 : memref<1x2x100xi32, #tpu.memory_space<hbm>> -> memref<2x100xi32, #tpu.memory_space<hbm>>
    tpu.wait_dma2 semaphore(%arg20 : memref<!tpu.dma_semaphore, #tpu.memory_space<semaphore_mem>>) src(%dma_wait3A_76 : memref<2x100xi32, #tpu.memory_space<hbm>>) dst(%dma_wait3A_72 : memref<2x100xi32, #tpu.memory_space<vmem>>)
    %dma_start3A_77 = arith.constant 0 : i32
    %dma_start3A_78 = arith.constant 0 : i32
    %dma_start3A_79 = arith.constant 0 : i32
    %dma_start3A_80 = arith.constant 0 : i32
    %dma_start3A_81 = tpu.memref_slice %arg8[%dma_start3A_79, %dma_start3A_80] : memref<200x128xf32, #tpu.memory_space<vmem>> -> memref<100x128xf32, #tpu.memory_space<vmem>>
    %dma_start3A_82 = arith.constant 0 : i32
    %dma_start3A_83 = tpu.memref_slice %arg7[%dma_start3A_77, %dma_start3A_78, %dma_start3A_82] : memref<4x2x100xi32, #tpu.memory_space<vmem>> -> memref<1x1x100xi32, #tpu.memory_space<vmem>>
    %dma_start3A_84 = tpu.memref_squeeze %dma_start3A_83 : memref<1x1x100xi32, #tpu.memory_space<vmem>> -> memref<100xi32, #tpu.memory_space<vmem>>
    %dma_start3A_85 = arith.constant 0 : i32
    %dma_start3A_86 = arith.constant 0 : i32
    %dma_start3A_87 = tpu.memref_slice %arg4[%dma_start3A_85, %dma_start3A_86] : memref<100000x128xf32, #tpu.memory_space<hbm>> -> memref<100000x128xf32, #tpu.memory_space<hbm>>
    tpu.enqueue_indirect_dma source(%dma_start3A_87 : memref<100000x128xf32, #tpu.memory_space<hbm>>) target(%dma_start3A_81 : memref<100x128xf32, #tpu.memory_space<vmem>>) offsets(%dma_start3A_84 : memref<100xi32, #tpu.memory_space<vmem>>) semaphore(%arg12 : memref<!tpu.dma_semaphore, #tpu.memory_space<semaphore_mem>>)
    %dma_start3A_88 = arith.constant 0 : i32
    %dma_start3A_89 = arith.constant 1 : i32
    %dma_start3A_90 = arith.constant 100 : i32
    %dma_start3A_91 = arith.constant 0 : i32
    %dma_start3A_92 = tpu.memref_slice %arg8[%dma_start3A_90, %dma_start3A_91] : memref<200x128xf32, #tpu.memory_space<vmem>> -> memref<100x128xf32, #tpu.memory_space<vmem>>
    %dma_start3A_93 = arith.constant 0 : i32
    %dma_start3A_94 = tpu.memref_slice %arg7[%dma_start3A_88, %dma_start3A_89, %dma_start3A_93] : memref<4x2x100xi32, #tpu.memory_space<vmem>> -> memref<1x1x100xi32, #tpu.memory_space<vmem>>
    %dma_start3A_95 = tpu.memref_squeeze %dma_start3A_94 : memref<1x1x100xi32, #tpu.memory_space<vmem>> -> memref<100xi32, #tpu.memory_space<vmem>>
    %dma_start3A_96 = arith.constant 0 : i32
    %dma_start3A_97 = arith.constant 0 : i32
    %dma_start3A_98 = tpu.memref_slice %arg4[%dma_start3A_96, %dma_start3A_97] : memref<100000x128xf32, #tpu.memory_space<hbm>> -> memref<100000x128xf32, #tpu.memory_space<hbm>>
    tpu.enqueue_indirect_dma source(%dma_start3A_98 : memref<100000x128xf32, #tpu.memory_space<hbm>>) target(%dma_start3A_92 : memref<100x128xf32, #tpu.memory_space<vmem>>) offsets(%dma_start3A_95 : memref<100xi32, #tpu.memory_space<vmem>>) semaphore(%arg12 : memref<!tpu.dma_semaphore, #tpu.memory_space<semaphore_mem>>)
    %add3A_99 = arith.constant 1 : i32
    %add3A_100 = arith.addi %mul3A_2, %add3A_99 : i32
    %dma_wait3A_101 = arith.constant 1 : i32
    %dma_wait3A_102 = arith.constant 0 : i32
    %dma_wait3A_103 = arith.constant 0 : i32
    %dma_wait3A_104 = tpu.memref_slice %arg7[%dma_wait3A_101, %dma_wait3A_102, %dma_wait3A_103] : memref<4x2x100xi32, #tpu.memory_space<vmem>> -> memref<1x2x100xi32, #tpu.memory_space<vmem>>
    %dma_wait3A_105 = tpu.memref_squeeze %dma_wait3A_104 : memref<1x2x100xi32, #tpu.memory_space<vmem>> -> memref<2x100xi32, #tpu.memory_space<vmem>>
    %dma_wait3A_106 = arith.constant 0 : i32
    %dma_wait3A_107 = arith.constant 0 : i32
    %dma_wait3A_108 = tpu.memref_slice %arg2[%add3A_100, %dma_wait3A_106, %dma_wait3A_107] : memref<1024x2x100xi32, #tpu.memory_space<hbm>> -> memref<1x2x100xi32, #tpu.memory_space<hbm>>
    %dma_wait3A_109 = tpu.memref_squeeze %dma_wait3A_108 : memref<1x2x100xi32, #tpu.memory_space<hbm>> -> memref<2x100xi32, #tpu.memory_space<hbm>>
    %dma_wait3A_110 = arith.constant 0 : i32
    %dma_wait3A_111 = arith.constant 0 : i32
    %dma_wait3A_112 = tpu.memref_slice %arg7[%dma_wait3A_101, %dma_wait3A_110, %dma_wait3A_111] : memref<4x2x100xi32, #tpu.memory_space<vmem>> -> memref<1x2x100xi32, #tpu.memory_space<vmem>>
    %dma_wait3A_113 = tpu.memref_squeeze %dma_wait3A_112 : memref<1x2x100xi32, #tpu.memory_space<vmem>> -> memref<2x100xi32, #tpu.memory_space<vmem>>
    %dma_wait3A_114 = arith.constant 0 : i32
    %dma_wait3A_115 = arith.constant 0 : i32
    %dma_wait3A_116 = tpu.memref_slice %arg2[%add3A_100, %dma_wait3A_114, %dma_wait3A_115] : memref<1024x2x100xi32, #tpu.memory_space<hbm>> -> memref<1x2x100xi32, #tpu.memory_space<hbm>>
    %dma_wait3A_117 = tpu.memref_squeeze %dma_wait3A_116 : memref<1x2x100xi32, #tpu.memory_space<hbm>> -> memref<2x100xi32, #tpu.memory_space<hbm>>
    tpu.wait_dma2 semaphore(%arg21 : memref<!tpu.dma_semaphore, #tpu.memory_space<semaphore_mem>>) src(%dma_wait3A_117 : memref<2x100xi32, #tpu.memory_space<hbm>>) dst(%dma_wait3A_113 : memref<2x100xi32, #tpu.memory_space<vmem>>)
    %dma_start3A_118 = arith.constant 1 : i32
    %dma_start3A_119 = arith.constant 0 : i32
    %dma_start3A_120 = arith.constant 0 : i32
    %dma_start3A_121 = arith.constant 0 : i32
    %dma_start3A_122 = tpu.memref_slice %arg9[%dma_start3A_120, %dma_start3A_121] : memref<200x128xf32, #tpu.memory_space<vmem>> -> memref<100x128xf32, #tpu.memory_space<vmem>>
    %dma_start3A_123 = arith.constant 0 : i32
    %dma_start3A_124 = tpu.memref_slice %arg7[%dma_start3A_118, %dma_start3A_119, %dma_start3A_123] : memref<4x2x100xi32, #tpu.memory_space<vmem>> -> memref<1x1x100xi32, #tpu.memory_space<vmem>>
    %dma_start3A_125 = tpu.memref_squeeze %dma_start3A_124 : memref<1x1x100xi32, #tpu.memory_space<vmem>> -> memref<100xi32, #tpu.memory_space<vmem>>
    %dma_start3A_126 = arith.constant 0 : i32
    %dma_start3A_127 = arith.constant 0 : i32
    %dma_start3A_128 = tpu.memref_slice %arg4[%dma_start3A_126, %dma_start3A_127] : memref<100000x128xf32, #tpu.memory_space<hbm>> -> memref<100000x128xf32, #tpu.memory_space<hbm>>
    tpu.enqueue_indirect_dma source(%dma_start3A_128 : memref<100000x128xf32, #tpu.memory_space<hbm>>) target(%dma_start3A_122 : memref<100x128xf32, #tpu.memory_space<vmem>>) offsets(%dma_start3A_125 : memref<100xi32, #tpu.memory_space<vmem>>) semaphore(%arg13 : memref<!tpu.dma_semaphore, #tpu.memory_space<semaphore_mem>>)
    %dma_start3A_129 = arith.constant 1 : i32
    %dma_start3A_130 = arith.constant 1 : i32
    %dma_start3A_131 = arith.constant 100 : i32
    %dma_start3A_132 = arith.constant 0 : i32
    %dma_start3A_133 = tpu.memref_slice %arg9[%dma_start3A_131, %dma_start3A_132] : memref<200x128xf32, #tpu.memory_space<vmem>> -> memref<100x128xf32, #tpu.memory_space<vmem>>
    %dma_start3A_134 = arith.constant 0 : i32
    %dma_start3A_135 = tpu.memref_slice %arg7[%dma_start3A_129, %dma_start3A_130, %dma_start3A_134] : memref<4x2x100xi32, #tpu.memory_space<vmem>> -> memref<1x1x100xi32, #tpu.memory_space<vmem>>
    %dma_start3A_136 = tpu.memref_squeeze %dma_start3A_135 : memref<1x1x100xi32, #tpu.memory_space<vmem>> -> memref<100xi32, #tpu.memory_space<vmem>>
    %dma_start3A_137 = arith.constant 0 : i32
    %dma_start3A_138 = arith.constant 0 : i32
    %dma_start3A_139 = tpu.memref_slice %arg4[%dma_start3A_137, %dma_start3A_138] : memref<100000x128xf32, #tpu.memory_space<hbm>> -> memref<100000x128xf32, #tpu.memory_space<hbm>>
    tpu.enqueue_indirect_dma source(%dma_start3A_139 : memref<100000x128xf32, #tpu.memory_space<hbm>>) target(%dma_start3A_133 : memref<100x128xf32, #tpu.memory_space<vmem>>) offsets(%dma_start3A_136 : memref<100xi32, #tpu.memory_space<vmem>>) semaphore(%arg13 : memref<!tpu.dma_semaphore, #tpu.memory_space<semaphore_mem>>)
    tpu.wait_dma2 semaphore(%arg24 : memref<!tpu.dma_semaphore, #tpu.memory_space<semaphore_mem>>) src(%arg3 : memref<200x128xf32, #tpu.memory_space<hbm>>) dst(%arg6 : memref<200x128xf32, #tpu.memory_space<vmem>>)
    %scan3A = arith.constant 0 : i32
    %scan3A_140 = arith.constant 8 : i32
    %scan3A_141 = arith.addi %scan3A, %scan3A_140 : i32
    %scan3A_142 = arith.constant 1 : i32
    scf.for %scan3A_164 = %scan3A to %scan3A_141 step %scan3A_142  : i32 {
      %mul3A_165 = arith.constant 4 : i32
      %mul3A_166 = arith.muli %mul3A_165, %scan3A_164 : i32
      %add3A_167 = arith.constant 0 : i32
      %add3A_168 = arith.addi %mul3A_166, %add3A_167 : i32
      %add3A_169 = arith.constant 3 : i32
      %add3A_170 = arith.addi %add3A_168, %add3A_169 : i32
      %lt3A = arith.constant 32 : i32
      %lt3A_171 = arith.cmpi slt, %add3A_170, %lt3A : i32
      %convert_element_type3A = arith.extui %lt3A_171 : i1 to i32
      %cond3A = arith.constant 0 : i32
      %cond3A_172 = arith.cmpi ne, %convert_element_type3A, %cond3A : i32
      scf.if %cond3A_172 {
        %add3A_378 = arith.constant 3 : i32
        %add3A_379 = arith.addi %add3A_168, %add3A_378 : i32
        %add3A_380 = arith.addi %mul3A_2, %add3A_379 : i32
        %dma_start3A_381 = arith.constant 3 : i32
        %dma_start3A_382 = arith.constant 0 : i32
        %dma_start3A_383 = arith.constant 0 : i32
        %dma_start3A_384 = tpu.memref_slice %arg7[%dma_start3A_381, %dma_start3A_382, %dma_start3A_383] : memref<4x2x100xi32, #tpu.memory_space<vmem>> -> memref<1x2x100xi32, #tpu.memory_space<vmem>>
        %dma_start3A_385 = tpu.memref_squeeze %dma_start3A_384 : memref<1x2x100xi32, #tpu.memory_space<vmem>> -> memref<2x100xi32, #tpu.memory_space<vmem>>
        %dma_start3A_386 = arith.constant 0 : i32
        %dma_start3A_387 = arith.constant 0 : i32
        %dma_start3A_388 = tpu.memref_slice %arg2[%add3A_380, %dma_start3A_386, %dma_start3A_387] : memref<1024x2x100xi32, #tpu.memory_space<hbm>> -> memref<1x2x100xi32, #tpu.memory_space<hbm>>
        %dma_start3A_389 = tpu.memref_squeeze %dma_start3A_388 : memref<1x2x100xi32, #tpu.memory_space<hbm>> -> memref<2x100xi32, #tpu.memory_space<hbm>>
        %dma_start3A_390 = arith.constant 0 : i32
        %dma_start3A_391 = arith.constant 0 : i32
        %dma_start3A_392 = tpu.memref_slice %arg7[%dma_start3A_381, %dma_start3A_390, %dma_start3A_391] : memref<4x2x100xi32, #tpu.memory_space<vmem>> -> memref<1x2x100xi32, #tpu.memory_space<vmem>>
        %dma_start3A_393 = tpu.memref_squeeze %dma_start3A_392 : memref<1x2x100xi32, #tpu.memory_space<vmem>> -> memref<2x100xi32, #tpu.memory_space<vmem>>
        %dma_start3A_394 = arith.constant 0 : i32
        %dma_start3A_395 = arith.constant 0 : i32
        %dma_start3A_396 = tpu.memref_slice %arg2[%add3A_380, %dma_start3A_394, %dma_start3A_395] : memref<1024x2x100xi32, #tpu.memory_space<hbm>> -> memref<1x2x100xi32, #tpu.memory_space<hbm>>
        %dma_start3A_397 = tpu.memref_squeeze %dma_start3A_396 : memref<1x2x100xi32, #tpu.memory_space<hbm>> -> memref<2x100xi32, #tpu.memory_space<hbm>>
        tpu.enqueue_dma source(%dma_start3A_397 : memref<2x100xi32, #tpu.memory_space<hbm>>) target(%dma_start3A_393 : memref<2x100xi32, #tpu.memory_space<vmem>>) target_semaphore(%arg23 : memref<!tpu.dma_semaphore, #tpu.memory_space<semaphore_mem>>)
      } else {
      }
      %add3A_173 = arith.constant 2 : i32
      %add3A_174 = arith.addi %add3A_168, %add3A_173 : i32
      %lt3A_175 = arith.constant 32 : i32
      %lt3A_176 = arith.cmpi slt, %add3A_174, %lt3A_175 : i32
      %convert_element_type3A_177 = arith.extui %lt3A_176 : i1 to i32
      %cond3A_178 = arith.constant 0 : i32
      %cond3A_179 = arith.cmpi ne, %convert_element_type3A_177, %cond3A_178 : i32
      scf.if %cond3A_179 {
        %ge3A = arith.constant 2 : i32
        %ge3A_378 = arith.cmpi sge, %add3A_168, %ge3A : i32
        %convert_element_type3A_379 = arith.extui %ge3A_378 : i1 to i32
        %cond3A_380 = arith.constant 0 : i32
        %cond3A_381 = arith.cmpi ne, %convert_element_type3A_379, %cond3A_380 : i32
        scf.if %cond3A_381 {
          %sub3A = arith.constant 2 : i32
          %sub3A_426 = arith.subi %add3A_168, %sub3A : i32
          %add3A_427 = arith.addi %mul3A_2, %sub3A_426 : i32
          %dma_wait3A_428 = arith.constant 0 : i32
          %dma_wait3A_429 = arith.constant 0 : i32
          %dma_wait3A_430 = tpu.memref_slice %arg5[%add3A_427, %dma_wait3A_428, %dma_wait3A_429] : memref<1024x200x128xf32, #tpu.memory_space<hbm>> -> memref<1x200x128xf32, #tpu.memory_space<hbm>>
          %dma_wait3A_431 = tpu.memref_squeeze %dma_wait3A_430 : memref<1x200x128xf32, #tpu.memory_space<hbm>> -> memref<200x128xf32, #tpu.memory_space<hbm>>
          %dma_wait3A_432 = arith.constant 0 : i32
          %dma_wait3A_433 = arith.constant 0 : i32
          %dma_wait3A_434 = tpu.memref_slice %arg5[%add3A_427, %dma_wait3A_432, %dma_wait3A_433] : memref<1024x200x128xf32, #tpu.memory_space<hbm>> -> memref<1x200x128xf32, #tpu.memory_space<hbm>>
          %dma_wait3A_435 = tpu.memref_squeeze %dma_wait3A_434 : memref<1x200x128xf32, #tpu.memory_space<hbm>> -> memref<200x128xf32, #tpu.memory_space<hbm>>
          tpu.wait_dma2 semaphore(%arg18 : memref<!tpu.dma_semaphore, #tpu.memory_space<semaphore_mem>>) src(%arg10 : memref<200x128xf32, #tpu.memory_space<vmem>>) dst(%dma_wait3A_435 : memref<200x128xf32, #tpu.memory_space<hbm>>)
        } else {
        }
        %add3A_382 = arith.constant 2 : i32
        %add3A_383 = arith.addi %add3A_168, %add3A_382 : i32
        %add3A_384 = arith.addi %mul3A_2, %add3A_383 : i32
        %dma_wait3A_385 = arith.constant 2 : i32
        %dma_wait3A_386 = arith.constant 0 : i32
        %dma_wait3A_387 = arith.constant 0 : i32
        %dma_wait3A_388 = tpu.memref_slice %arg7[%dma_wait3A_385, %dma_wait3A_386, %dma_wait3A_387] : memref<4x2x100xi32, #tpu.memory_space<vmem>> -> memref<1x2x100xi32, #tpu.memory_space<vmem>>
        %dma_wait3A_389 = tpu.memref_squeeze %dma_wait3A_388 : memref<1x2x100xi32, #tpu.memory_space<vmem>> -> memref<2x100xi32, #tpu.memory_space<vmem>>
        %dma_wait3A_390 = arith.constant 0 : i32
        %dma_wait3A_391 = arith.constant 0 : i32
        %dma_wait3A_392 = tpu.memref_slice %arg2[%add3A_384, %dma_wait3A_390, %dma_wait3A_391] : memref<1024x2x100xi32, #tpu.memory_space<hbm>> -> memref<1x2x100xi32, #tpu.memory_space<hbm>>
        %dma_wait3A_393 = tpu.memref_squeeze %dma_wait3A_392 : memref<1x2x100xi32, #tpu.memory_space<hbm>> -> memref<2x100xi32, #tpu.memory_space<hbm>>
        %dma_wait3A_394 = arith.constant 0 : i32
        %dma_wait3A_395 = arith.constant 0 : i32
        %dma_wait3A_396 = tpu.memref_slice %arg7[%dma_wait3A_385, %dma_wait3A_394, %dma_wait3A_395] : memref<4x2x100xi32, #tpu.memory_space<vmem>> -> memref<1x2x100xi32, #tpu.memory_space<vmem>>
        %dma_wait3A_397 = tpu.memref_squeeze %dma_wait3A_396 : memref<1x2x100xi32, #tpu.memory_space<vmem>> -> memref<2x100xi32, #tpu.memory_space<vmem>>
        %dma_wait3A_398 = arith.constant 0 : i32
        %dma_wait3A_399 = arith.constant 0 : i32
        %dma_wait3A_400 = tpu.memref_slice %arg2[%add3A_384, %dma_wait3A_398, %dma_wait3A_399] : memref<1024x2x100xi32, #tpu.memory_space<hbm>> -> memref<1x2x100xi32, #tpu.memory_space<hbm>>
        %dma_wait3A_401 = tpu.memref_squeeze %dma_wait3A_400 : memref<1x2x100xi32, #tpu.memory_space<hbm>> -> memref<2x100xi32, #tpu.memory_space<hbm>>
        tpu.wait_dma2 semaphore(%arg22 : memref<!tpu.dma_semaphore, #tpu.memory_space<semaphore_mem>>) src(%dma_wait3A_401 : memref<2x100xi32, #tpu.memory_space<hbm>>) dst(%dma_wait3A_397 : memref<2x100xi32, #tpu.memory_space<vmem>>)
        %add3A_402 = arith.constant 2 : i32
        %add3A_403 = arith.addi %add3A_168, %add3A_402 : i32
        %dma_start3A_404 = arith.constant 2 : i32
        %dma_start3A_405 = arith.constant 0 : i32
        %dma_start3A_406 = arith.constant 0 : i32
        %dma_start3A_407 = arith.constant 0 : i32
        %dma_start3A_408 = tpu.memref_slice %arg10[%dma_start3A_406, %dma_start3A_407] : memref<200x128xf32, #tpu.memory_space<vmem>> -> memref<100x128xf32, #tpu.memory_space<vmem>>
        %dma_start3A_409 = arith.constant 0 : i32
        %dma_start3A_410 = tpu.memref_slice %arg7[%dma_start3A_404, %dma_start3A_405, %dma_start3A_409] : memref<4x2x100xi32, #tpu.memory_space<vmem>> -> memref<1x1x100xi32, #tpu.memory_space<vmem>>
        %dma_start3A_411 = tpu.memref_squeeze %dma_start3A_410 : memref<1x1x100xi32, #tpu.memory_space<vmem>> -> memref<100xi32, #tpu.memory_space<vmem>>
        %dma_start3A_412 = arith.constant 0 : i32
        %dma_start3A_413 = arith.constant 0 : i32
        %dma_start3A_414 = tpu.memref_slice %arg4[%dma_start3A_412, %dma_start3A_413] : memref<100000x128xf32, #tpu.memory_space<hbm>> -> memref<100000x128xf32, #tpu.memory_space<hbm>>
        tpu.enqueue_indirect_dma source(%dma_start3A_414 : memref<100000x128xf32, #tpu.memory_space<hbm>>) target(%dma_start3A_408 : memref<100x128xf32, #tpu.memory_space<vmem>>) offsets(%dma_start3A_411 : memref<100xi32, #tpu.memory_space<vmem>>) semaphore(%arg14 : memref<!tpu.dma_semaphore, #tpu.memory_space<semaphore_mem>>)
        %dma_start3A_415 = arith.constant 2 : i32
        %dma_start3A_416 = arith.constant 1 : i32
        %dma_start3A_417 = arith.constant 100 : i32
        %dma_start3A_418 = arith.constant 0 : i32
        %dma_start3A_419 = tpu.memref_slice %arg10[%dma_start3A_417, %dma_start3A_418] : memref<200x128xf32, #tpu.memory_space<vmem>> -> memref<100x128xf32, #tpu.memory_space<vmem>>
        %dma_start3A_420 = arith.constant 0 : i32
        %dma_start3A_421 = tpu.memref_slice %arg7[%dma_start3A_415, %dma_start3A_416, %dma_start3A_420] : memref<4x2x100xi32, #tpu.memory_space<vmem>> -> memref<1x1x100xi32, #tpu.memory_space<vmem>>
        %dma_start3A_422 = tpu.memref_squeeze %dma_start3A_421 : memref<1x1x100xi32, #tpu.memory_space<vmem>> -> memref<100xi32, #tpu.memory_space<vmem>>
        %dma_start3A_423 = arith.constant 0 : i32
        %dma_start3A_424 = arith.constant 0 : i32
        %dma_start3A_425 = tpu.memref_slice %arg4[%dma_start3A_423, %dma_start3A_424] : memref<100000x128xf32, #tpu.memory_space<hbm>> -> memref<100000x128xf32, #tpu.memory_space<hbm>>
        tpu.enqueue_indirect_dma source(%dma_start3A_425 : memref<100000x128xf32, #tpu.memory_space<hbm>>) target(%dma_start3A_419 : memref<100x128xf32, #tpu.memory_space<vmem>>) offsets(%dma_start3A_422 : memref<100xi32, #tpu.memory_space<vmem>>) semaphore(%arg14 : memref<!tpu.dma_semaphore, #tpu.memory_space<semaphore_mem>>)
      } else {
      }
      %dma_wait3A_180 = arith.constant 0 : i32
      %dma_wait3A_181 = arith.constant 0 : i32
      %dma_wait3A_182 = arith.constant 0 : i32
      %dma_wait3A_183 = arith.constant 0 : i32
      %dma_wait3A_184 = tpu.memref_slice %arg8[%dma_wait3A_182, %dma_wait3A_183] : memref<200x128xf32, #tpu.memory_space<vmem>> -> memref<100x128xf32, #tpu.memory_space<vmem>>
      %dma_wait3A_185 = arith.constant 0 : i32
      %dma_wait3A_186 = tpu.memref_slice %arg7[%dma_wait3A_180, %dma_wait3A_181, %dma_wait3A_185] : memref<4x2x100xi32, #tpu.memory_space<vmem>> -> memref<1x1x100xi32, #tpu.memory_space<vmem>>
      %dma_wait3A_187 = tpu.memref_squeeze %dma_wait3A_186 : memref<1x1x100xi32, #tpu.memory_space<vmem>> -> memref<100xi32, #tpu.memory_space<vmem>>
      %dma_wait3A_188 = arith.constant 0 : i32
      %dma_wait3A_189 = arith.constant 0 : i32
      %dma_wait3A_190 = tpu.memref_slice %arg4[%dma_wait3A_188, %dma_wait3A_189] : memref<100000x128xf32, #tpu.memory_space<hbm>> -> memref<100000x128xf32, #tpu.memory_space<hbm>>
      tpu.wait_indirect_dma semaphore(%arg12 : memref<!tpu.dma_semaphore, #tpu.memory_space<semaphore_mem>>) src(%dma_wait3A_190 : memref<100000x128xf32, #tpu.memory_space<hbm>>) dst(%dma_wait3A_184 : memref<100x128xf32, #tpu.memory_space<vmem>>)
      %dma_wait3A_191 = arith.constant 0 : i32
      %dma_wait3A_192 = arith.constant 1 : i32
      %dma_wait3A_193 = arith.constant 100 : i32
      %dma_wait3A_194 = arith.constant 0 : i32
      %dma_wait3A_195 = tpu.memref_slice %arg8[%dma_wait3A_193, %dma_wait3A_194] : memref<200x128xf32, #tpu.memory_space<vmem>> -> memref<100x128xf32, #tpu.memory_space<vmem>>
      %dma_wait3A_196 = arith.constant 0 : i32
      %dma_wait3A_197 = tpu.memref_slice %arg7[%dma_wait3A_191, %dma_wait3A_192, %dma_wait3A_196] : memref<4x2x100xi32, #tpu.memory_space<vmem>> -> memref<1x1x100xi32, #tpu.memory_space<vmem>>
      %dma_wait3A_198 = tpu.memref_squeeze %dma_wait3A_197 : memref<1x1x100xi32, #tpu.memory_space<vmem>> -> memref<100xi32, #tpu.memory_space<vmem>>
      %dma_wait3A_199 = arith.constant 0 : i32
      %dma_wait3A_200 = arith.constant 0 : i32
      %dma_wait3A_201 = tpu.memref_slice %arg4[%dma_wait3A_199, %dma_wait3A_200] : memref<100000x128xf32, #tpu.memory_space<hbm>> -> memref<100000x128xf32, #tpu.memory_space<hbm>>
      tpu.wait_indirect_dma semaphore(%arg12 : memref<!tpu.dma_semaphore, #tpu.memory_space<semaphore_mem>>) src(%dma_wait3A_201 : memref<100000x128xf32, #tpu.memory_space<hbm>>) dst(%dma_wait3A_195 : memref<100x128xf32, #tpu.memory_space<vmem>>)
      %scan3A_202 = arith.constant 0 : i32
      %scan3A_203 = arith.constant 50 : i32
      %scan3A_204 = arith.addi %scan3A_202, %scan3A_203 : i32
      %scan3A_205 = arith.constant 1 : i32
      scf.for %scan3A_378 = %scan3A_202 to %scan3A_204 step %scan3A_205  : i32 {
        %mul3A_379 = arith.constant 4 : i32
        %mul3A_380 = arith.muli %scan3A_378, %mul3A_379 : i32
        %add3A_381 = arith.constant 0 : i32
        %add3A_382 = arith.addi %mul3A_380, %add3A_381 : i32
        %add3A_383 = arith.constant 0 : i32
        %add3A_384 = arith.addi %mul3A_380, %add3A_383 : i32
        %get3A = arith.index_cast %add3A_384 : i32 to index
        %get3A_385 = arith.constant 0 : index
        %get3A_386 = tpu.vector_load %arg6[%get3A, %get3A_385] {strides = array<i32>} : memref<200x128xf32, #tpu.memory_space<vmem>>, vector<1x16xf32>,
        %get3A_387 = vector.shape_cast %get3A_386 : vector<1x16xf32> to vector<16xf32>
        %swap3A = arith.index_cast %add3A_382 : i32 to index
        %swap3A_388 = arith.constant 0 : index
        %swap3A_389 = tpu.vector_load %arg8[%swap3A, %swap3A_388] {strides = array<i32>} : memref<200x128xf32, #tpu.memory_space<vmem>>, vector<1x16xf32>,
        %swap3A_390 = vector.shape_cast %swap3A_389 : vector<1x16xf32> to vector<16xf32>
        %swap3A_391 = vector.shape_cast %get3A_387 : vector<16xf32> to vector<1x16xf32>
        tpu.vector_store %arg8[%swap3A, %swap3A_388], %swap3A_391 {add = true, strides = array<i32>} : memref<200x128xf32, #tpu.memory_space<vmem>>, vector<1x16xf32>,
        %add3A_392 = arith.constant 0 : i32
        %add3A_393 = arith.addi %mul3A_380, %add3A_392 : i32
        %add3A_394 = arith.constant 0 : i32
        %add3A_395 = arith.addi %mul3A_380, %add3A_394 : i32
        %get3A_396 = arith.index_cast %add3A_395 : i32 to index
        %get3A_397 = arith.constant 16 : index
        %get3A_398 = tpu.vector_load %arg6[%get3A_396, %get3A_397] {strides = array<i32>} : memref<200x128xf32, #tpu.memory_space<vmem>>, vector<1x16xf32>,
        %get3A_399 = vector.shape_cast %get3A_398 : vector<1x16xf32> to vector<16xf32>
        %swap3A_400 = arith.index_cast %add3A_393 : i32 to index
        %swap3A_401 = arith.constant 16 : index
        %swap3A_402 = tpu.vector_load %arg8[%swap3A_400, %swap3A_401] {strides = array<i32>} : memref<200x128xf32, #tpu.memory_space<vmem>>, vector<1x16xf32>,
        %swap3A_403 = vector.shape_cast %swap3A_402 : vector<1x16xf32> to vector<16xf32>
        %swap3A_404 = vector.shape_cast %get3A_399 : vector<16xf32> to vector<1x16xf32>
        tpu.vector_store %arg8[%swap3A_400, %swap3A_401], %swap3A_404 {add = true, strides = array<i32>} : memref<200x128xf32, #tpu.memory_space<vmem>>, vector<1x16xf32>,
        %add3A_405 = arith.constant 0 : i32
        %add3A_406 = arith.addi %mul3A_380, %add3A_405 : i32
        %add3A_407 = arith.constant 0 : i32
        %add3A_408 = arith.addi %mul3A_380, %add3A_407 : i32
        %get3A_409 = arith.index_cast %add3A_408 : i32 to index
        %get3A_410 = arith.constant 32 : index
        %get3A_411 = tpu.vector_load %arg6[%get3A_409, %get3A_410] {strides = array<i32>} : memref<200x128xf32, #tpu.memory_space<vmem>>, vector<1x16xf32>,
        %get3A_412 = vector.shape_cast %get3A_411 : vector<1x16xf32> to vector<16xf32>
        %swap3A_413 = arith.index_cast %add3A_406 : i32 to index
        %swap3A_414 = arith.constant 32 : index
        %swap3A_415 = tpu.vector_load %arg8[%swap3A_413, %swap3A_414] {strides = array<i32>} : memref<200x128xf32, #tpu.memory_space<vmem>>, vector<1x16xf32>,
        %swap3A_416 = vector.shape_cast %swap3A_415 : vector<1x16xf32> to vector<16xf32>
        %swap3A_417 = vector.shape_cast %get3A_412 : vector<16xf32> to vector<1x16xf32>
        tpu.vector_store %arg8[%swap3A_413, %swap3A_414], %swap3A_417 {add = true, strides = array<i32>} : memref<200x128xf32, #tpu.memory_space<vmem>>, vector<1x16xf32>,
        %add3A_418 = arith.constant 0 : i32
        %add3A_419 = arith.addi %mul3A_380, %add3A_418 : i32
        %add3A_420 = arith.constant 0 : i32
        %add3A_421 = arith.addi %mul3A_380, %add3A_420 : i32
        %get3A_422 = arith.index_cast %add3A_421 : i32 to index
        %get3A_423 = arith.constant 48 : index
        %get3A_424 = tpu.vector_load %arg6[%get3A_422, %get3A_423] {strides = array<i32>} : memref<200x128xf32, #tpu.memory_space<vmem>>, vector<1x16xf32>,
        %get3A_425 = vector.shape_cast %get3A_424 : vector<1x16xf32> to vector<16xf32>
        %swap3A_426 = arith.index_cast %add3A_419 : i32 to index
        %swap3A_427 = arith.constant 48 : index
        %swap3A_428 = tpu.vector_load %arg8[%swap3A_426, %swap3A_427] {strides = array<i32>} : memref<200x128xf32, #tpu.memory_space<vmem>>, vector<1x16xf32>,
        %swap3A_429 = vector.shape_cast %swap3A_428 : vector<1x16xf32> to vector<16xf32>
        %swap3A_430 = vector.shape_cast %get3A_425 : vector<16xf32> to vector<1x16xf32>
        tpu.vector_store %arg8[%swap3A_426, %swap3A_427], %swap3A_430 {add = true, strides = array<i32>} : memref<200x128xf32, #tpu.memory_space<vmem>>, vector<1x16xf32>,
        %add3A_431 = arith.constant 0 : i32
        %add3A_432 = arith.addi %mul3A_380, %add3A_431 : i32
        %add3A_433 = arith.constant 0 : i32
        %add3A_434 = arith.addi %mul3A_380, %add3A_433 : i32
        %get3A_435 = arith.index_cast %add3A_434 : i32 to index
        %get3A_436 = arith.constant 64 : index
        %get3A_437 = tpu.vector_load %arg6[%get3A_435, %get3A_436] {strides = array<i32>} : memref<200x128xf32, #tpu.memory_space<vmem>>, vector<1x16xf32>,
        %get3A_438 = vector.shape_cast %get3A_437 : vector<1x16xf32> to vector<16xf32>
        %swap3A_439 = arith.index_cast %add3A_432 : i32 to index
        %swap3A_440 = arith.constant 64 : index
        %swap3A_441 = tpu.vector_load %arg8[%swap3A_439, %swap3A_440] {strides = array<i32>} : memref<200x128xf32, #tpu.memory_space<vmem>>, vector<1x16xf32>,
        %swap3A_442 = vector.shape_cast %swap3A_441 : vector<1x16xf32> to vector<16xf32>
        %swap3A_443 = vector.shape_cast %get3A_438 : vector<16xf32> to vector<1x16xf32>
        tpu.vector_store %arg8[%swap3A_439, %swap3A_440], %swap3A_443 {add = true, strides = array<i32>} : memref<200x128xf32, #tpu.memory_space<vmem>>, vector<1x16xf32>,
        %add3A_444 = arith.constant 0 : i32
        %add3A_445 = arith.addi %mul3A_380, %add3A_444 : i32
        %add3A_446 = arith.constant 0 : i32
        %add3A_447 = arith.addi %mul3A_380, %add3A_446 : i32
        %get3A_448 = arith.index_cast %add3A_447 : i32 to index
        %get3A_449 = arith.constant 80 : index
        %get3A_450 = tpu.vector_load %arg6[%get3A_448, %get3A_449] {strides = array<i32>} : memref<200x128xf32, #tpu.memory_space<vmem>>, vector<1x16xf32>,
        %get3A_451 = vector.shape_cast %get3A_450 : vector<1x16xf32> to vector<16xf32>
        %swap3A_452 = arith.index_cast %add3A_445 : i32 to index
        %swap3A_453 = arith.constant 80 : index
        %swap3A_454 = tpu.vector_load %arg8[%swap3A_452, %swap3A_453] {strides = array<i32>} : memref<200x128xf32, #tpu.memory_space<vmem>>, vector<1x16xf32>,
        %swap3A_455 = vector.shape_cast %swap3A_454 : vector<1x16xf32> to vector<16xf32>
        %swap3A_456 = vector.shape_cast %get3A_451 : vector<16xf32> to vector<1x16xf32>
        tpu.vector_store %arg8[%swap3A_452, %swap3A_453], %swap3A_456 {add = true, strides = array<i32>} : memref<200x128xf32, #tpu.memory_space<vmem>>, vector<1x16xf32>,
        %add3A_457 = arith.constant 0 : i32
        %add3A_458 = arith.addi %mul3A_380, %add3A_457 : i32
        %add3A_459 = arith.constant 0 : i32
        %add3A_460 = arith.addi %mul3A_380, %add3A_459 : i32
        %get3A_461 = arith.index_cast %add3A_460 : i32 to index
        %get3A_462 = arith.constant 96 : index
        %get3A_463 = tpu.vector_load %arg6[%get3A_461, %get3A_462] {strides = array<i32>} : memref<200x128xf32, #tpu.memory_space<vmem>>, vector<1x16xf32>,
        %get3A_464 = vector.shape_cast %get3A_463 : vector<1x16xf32> to vector<16xf32>
        %swap3A_465 = arith.index_cast %add3A_458 : i32 to index
        %swap3A_466 = arith.constant 96 : index
        %swap3A_467 = tpu.vector_load %arg8[%swap3A_465, %swap3A_466] {strides = array<i32>} : memref<200x128xf32, #tpu.memory_space<vmem>>, vector<1x16xf32>,
        %swap3A_468 = vector.shape_cast %swap3A_467 : vector<1x16xf32> to vector<16xf32>
        %swap3A_469 = vector.shape_cast %get3A_464 : vector<16xf32> to vector<1x16xf32>
        tpu.vector_store %arg8[%swap3A_465, %swap3A_466], %swap3A_469 {add = true, strides = array<i32>} : memref<200x128xf32, #tpu.memory_space<vmem>>, vector<1x16xf32>,
        %add3A_470 = arith.constant 0 : i32
        %add3A_471 = arith.addi %mul3A_380, %add3A_470 : i32
        %add3A_472 = arith.constant 0 : i32
        %add3A_473 = arith.addi %mul3A_380, %add3A_472 : i32
        %get3A_474 = arith.index_cast %add3A_473 : i32 to index
        %get3A_475 = arith.constant 112 : index
        %get3A_476 = tpu.vector_load %arg6[%get3A_474, %get3A_475] {strides = array<i32>} : memref<200x128xf32, #tpu.memory_space<vmem>>, vector<1x16xf32>,
        %get3A_477 = vector.shape_cast %get3A_476 : vector<1x16xf32> to vector<16xf32>
        %swap3A_478 = arith.index_cast %add3A_471 : i32 to index
        %swap3A_479 = arith.constant 112 : index
        %swap3A_480 = tpu.vector_load %arg8[%swap3A_478, %swap3A_479] {strides = array<i32>} : memref<200x128xf32, #tpu.memory_space<vmem>>, vector<1x16xf32>,
        %swap3A_481 = vector.shape_cast %swap3A_480 : vector<1x16xf32> to vector<16xf32>
        %swap3A_482 = vector.shape_cast %get3A_477 : vector<16xf32> to vector<1x16xf32>
        tpu.vector_store %arg8[%swap3A_478, %swap3A_479], %swap3A_482 {add = true, strides = array<i32>} : memref<200x128xf32, #tpu.memory_space<vmem>>, vector<1x16xf32>,
        %add3A_483 = arith.constant 1 : i32
        %add3A_484 = arith.addi %mul3A_380, %add3A_483 : i32
        %add3A_485 = arith.constant 1 : i32
        %add3A_486 = arith.addi %mul3A_380, %add3A_485 : i32
        %get3A_487 = arith.index_cast %add3A_486 : i32 to index
        %get3A_488 = arith.constant 0 : index
        %get3A_489 = tpu.vector_load %arg6[%get3A_487, %get3A_488] {strides = array<i32>} : memref<200x128xf32, #tpu.memory_space<vmem>>, vector<1x16xf32>,
        %get3A_490 = vector.shape_cast %get3A_489 : vector<1x16xf32> to vector<16xf32>
        %swap3A_491 = arith.index_cast %add3A_484 : i32 to index
        %swap3A_492 = arith.constant 0 : index
        %swap3A_493 = tpu.vector_load %arg8[%swap3A_491, %swap3A_492] {strides = array<i32>} : memref<200x128xf32, #tpu.memory_space<vmem>>, vector<1x16xf32>,
        %swap3A_494 = vector.shape_cast %swap3A_493 : vector<1x16xf32> to vector<16xf32>
        %swap3A_495 = vector.shape_cast %get3A_490 : vector<16xf32> to vector<1x16xf32>
        tpu.vector_store %arg8[%swap3A_491, %swap3A_492], %swap3A_495 {add = true, strides = array<i32>} : memref<200x128xf32, #tpu.memory_space<vmem>>, vector<1x16xf32>,
        %add3A_496 = arith.constant 1 : i32
        %add3A_497 = arith.addi %mul3A_380, %add3A_496 : i32
        %add3A_498 = arith.constant 1 : i32
        %add3A_499 = arith.addi %mul3A_380, %add3A_498 : i32
        %get3A_500 = arith.index_cast %add3A_499 : i32 to index
        %get3A_501 = arith.constant 16 : index
        %get3A_502 = tpu.vector_load %arg6[%get3A_500, %get3A_501] {strides = array<i32>} : memref<200x128xf32, #tpu.memory_space<vmem>>, vector<1x16xf32>,
        %get3A_503 = vector.shape_cast %get3A_502 : vector<1x16xf32> to vector<16xf32>
        %swap3A_504 = arith.index_cast %add3A_497 : i32 to index
        %swap3A_505 = arith.constant 16 : index
        %swap3A_506 = tpu.vector_load %arg8[%swap3A_504, %swap3A_505] {strides = array<i32>} : memref<200x128xf32, #tpu.memory_space<vmem>>, vector<1x16xf32>,
        %swap3A_507 = vector.shape_cast %swap3A_506 : vector<1x16xf32> to vector<16xf32>
        %swap3A_508 = vector.shape_cast %get3A_503 : vector<16xf32> to vector<1x16xf32>
        tpu.vector_store %arg8[%swap3A_504, %swap3A_505], %swap3A_508 {add = true, strides = array<i32>} : memref<200x128xf32, #tpu.memory_space<vmem>>, vector<1x16xf32>,
        %add3A_509 = arith.constant 1 : i32
        %add3A_510 = arith.addi %mul3A_380, %add3A_509 : i32
        %add3A_511 = arith.constant 1 : i32
        %add3A_512 = arith.addi %mul3A_380, %add3A_511 : i32
        %get3A_513 = arith.index_cast %add3A_512 : i32 to index
        %get3A_514 = arith.constant 32 : index
        %get3A_515 = tpu.vector_load %arg6[%get3A_513, %get3A_514] {strides = array<i32>} : memref<200x128xf32, #tpu.memory_space<vmem>>, vector<1x16xf32>,
        %get3A_516 = vector.shape_cast %get3A_515 : vector<1x16xf32> to vector<16xf32>
        %swap3A_517 = arith.index_cast %add3A_510 : i32 to index
        %swap3A_518 = arith.constant 32 : index
        %swap3A_519 = tpu.vector_load %arg8[%swap3A_517, %swap3A_518] {strides = array<i32>} : memref<200x128xf32, #tpu.memory_space<vmem>>, vector<1x16xf32>,
        %swap3A_520 = vector.shape_cast %swap3A_519 : vector<1x16xf32> to vector<16xf32>
        %swap3A_521 = vector.shape_cast %get3A_516 : vector<16xf32> to vector<1x16xf32>
        tpu.vector_store %arg8[%swap3A_517, %swap3A_518], %swap3A_521 {add = true, strides = array<i32>} : memref<200x128xf32, #tpu.memory_space<vmem>>, vector<1x16xf32>,
        %add3A_522 = arith.constant 1 : i32
        %add3A_523 = arith.addi %mul3A_380, %add3A_522 : i32
        %add3A_524 = arith.constant 1 : i32
        %add3A_525 = arith.addi %mul3A_380, %add3A_524 : i32
        %get3A_526 = arith.index_cast %add3A_525 : i32 to index
        %get3A_527 = arith.constant 48 : index
        %get3A_528 = tpu.vector_load %arg6[%get3A_526, %get3A_527] {strides = array<i32>} : memref<200x128xf32, #tpu.memory_space<vmem>>, vector<1x16xf32>,
        %get3A_529 = vector.shape_cast %get3A_528 : vector<1x16xf32> to vector<16xf32>
        %swap3A_530 = arith.index_cast %add3A_523 : i32 to index
        %swap3A_531 = arith.constant 48 : index
        %swap3A_532 = tpu.vector_load %arg8[%swap3A_530, %swap3A_531] {strides = array<i32>} : memref<200x128xf32, #tpu.memory_space<vmem>>, vector<1x16xf32>,
        %swap3A_533 = vector.shape_cast %swap3A_532 : vector<1x16xf32> to vector<16xf32>
        %swap3A_534 = vector.shape_cast %get3A_529 : vector<16xf32> to vector<1x16xf32>
        tpu.vector_store %arg8[%swap3A_530, %swap3A_531], %swap3A_534 {add = true, strides = array<i32>} : memref<200x128xf32, #tpu.memory_space<vmem>>, vector<1x16xf32>,
        %add3A_535 = arith.constant 1 : i32
        %add3A_536 = arith.addi %mul3A_380, %add3A_535 : i32
        %add3A_537 = arith.constant 1 : i32
        %add3A_538 = arith.addi %mul3A_380, %add3A_537 : i32
        %get3A_539 = arith.index_cast %add3A_538 : i32 to index
        %get3A_540 = arith.constant 64 : index
        %get3A_541 = tpu.vector_load %arg6[%get3A_539, %get3A_540] {strides = array<i32>} : memref<200x128xf32, #tpu.memory_space<vmem>>, vector<1x16xf32>,
        %get3A_542 = vector.shape_cast %get3A_541 : vector<1x16xf32> to vector<16xf32>
        %swap3A_543 = arith.index_cast %add3A_536 : i32 to index
        %swap3A_544 = arith.constant 64 : index
        %swap3A_545 = tpu.vector_load %arg8[%swap3A_543, %swap3A_544] {strides = array<i32>} : memref<200x128xf32, #tpu.memory_space<vmem>>, vector<1x16xf32>,
        %swap3A_546 = vector.shape_cast %swap3A_545 : vector<1x16xf32> to vector<16xf32>
        %swap3A_547 = vector.shape_cast %get3A_542 : vector<16xf32> to vector<1x16xf32>
        tpu.vector_store %arg8[%swap3A_543, %swap3A_544], %swap3A_547 {add = true, strides = array<i32>} : memref<200x128xf32, #tpu.memory_space<vmem>>, vector<1x16xf32>,
        %add3A_548 = arith.constant 1 : i32
        %add3A_549 = arith.addi %mul3A_380, %add3A_548 : i32
        %add3A_550 = arith.constant 1 : i32
        %add3A_551 = arith.addi %mul3A_380, %add3A_550 : i32
        %get3A_552 = arith.index_cast %add3A_551 : i32 to index
        %get3A_553 = arith.constant 80 : index
        %get3A_554 = tpu.vector_load %arg6[%get3A_552, %get3A_553] {strides = array<i32>} : memref<200x128xf32, #tpu.memory_space<vmem>>, vector<1x16xf32>,
        %get3A_555 = vector.shape_cast %get3A_554 : vector<1x16xf32> to vector<16xf32>
        %swap3A_556 = arith.index_cast %add3A_549 : i32 to index
        %swap3A_557 = arith.constant 80 : index
        %swap3A_558 = tpu.vector_load %arg8[%swap3A_556, %swap3A_557] {strides = array<i32>} : memref<200x128xf32, #tpu.memory_space<vmem>>, vector<1x16xf32>,
        %swap3A_559 = vector.shape_cast %swap3A_558 : vector<1x16xf32> to vector<16xf32>
        %swap3A_560 = vector.shape_cast %get3A_555 : vector<16xf32> to vector<1x16xf32>
        tpu.vector_store %arg8[%swap3A_556, %swap3A_557], %swap3A_560 {add = true, strides = array<i32>} : memref<200x128xf32, #tpu.memory_space<vmem>>, vector<1x16xf32>,
        %add3A_561 = arith.constant 1 : i32
        %add3A_562 = arith.addi %mul3A_380, %add3A_561 : i32
        %add3A_563 = arith.constant 1 : i32
        %add3A_564 = arith.addi %mul3A_380, %add3A_563 : i32
        %get3A_565 = arith.index_cast %add3A_564 : i32 to index
        %get3A_566 = arith.constant 96 : index
        %get3A_567 = tpu.vector_load %arg6[%get3A_565, %get3A_566] {strides = array<i32>} : memref<200x128xf32, #tpu.memory_space<vmem>>, vector<1x16xf32>,
        %get3A_568 = vector.shape_cast %get3A_567 : vector<1x16xf32> to vector<16xf32>
        %swap3A_569 = arith.index_cast %add3A_562 : i32 to index
        %swap3A_570 = arith.constant 96 : index
        %swap3A_571 = tpu.vector_load %arg8[%swap3A_569, %swap3A_570] {strides = array<i32>} : memref<200x128xf32, #tpu.memory_space<vmem>>, vector<1x16xf32>,
        %swap3A_572 = vector.shape_cast %swap3A_571 : vector<1x16xf32> to vector<16xf32>
        %swap3A_573 = vector.shape_cast %get3A_568 : vector<16xf32> to vector<1x16xf32>
        tpu.vector_store %arg8[%swap3A_569, %swap3A_570], %swap3A_573 {add = true, strides = array<i32>} : memref<200x128xf32, #tpu.memory_space<vmem>>, vector<1x16xf32>,
        %add3A_574 = arith.constant 1 : i32
        %add3A_575 = arith.addi %mul3A_380, %add3A_574 : i32
        %add3A_576 = arith.constant 1 : i32
        %add3A_577 = arith.addi %mul3A_380, %add3A_576 : i32
        %get3A_578 = arith.index_cast %add3A_577 : i32 to index
        %get3A_579 = arith.constant 112 : index
        %get3A_580 = tpu.vector_load %arg6[%get3A_578, %get3A_579] {strides = array<i32>} : memref<200x128xf32, #tpu.memory_space<vmem>>, vector<1x16xf32>,
        %get3A_581 = vector.shape_cast %get3A_580 : vector<1x16xf32> to vector<16xf32>
        %swap3A_582 = arith.index_cast %add3A_575 : i32 to index
        %swap3A_583 = arith.constant 112 : index
        %swap3A_584 = tpu.vector_load %arg8[%swap3A_582, %swap3A_583] {strides = array<i32>} : memref<200x128xf32, #tpu.memory_space<vmem>>, vector<1x16xf32>,
        %swap3A_585 = vector.shape_cast %swap3A_584 : vector<1x16xf32> to vector<16xf32>
        %swap3A_586 = vector.shape_cast %get3A_581 : vector<16xf32> to vector<1x16xf32>
        tpu.vector_store %arg8[%swap3A_582, %swap3A_583], %swap3A_586 {add = true, strides = array<i32>} : memref<200x128xf32, #tpu.memory_space<vmem>>, vector<1x16xf32>,
        %add3A_587 = arith.constant 2 : i32
        %add3A_588 = arith.addi %mul3A_380, %add3A_587 : i32
        %add3A_589 = arith.constant 2 : i32
        %add3A_590 = arith.addi %mul3A_380, %add3A_589 : i32
        %get3A_591 = arith.index_cast %add3A_590 : i32 to index
        %get3A_592 = arith.constant 0 : index
        %get3A_593 = tpu.vector_load %arg6[%get3A_591, %get3A_592] {strides = array<i32>} : memref<200x128xf32, #tpu.memory_space<vmem>>, vector<1x16xf32>,
        %get3A_594 = vector.shape_cast %get3A_593 : vector<1x16xf32> to vector<16xf32>
        %swap3A_595 = arith.index_cast %add3A_588 : i32 to index
        %swap3A_596 = arith.constant 0 : index
        %swap3A_597 = tpu.vector_load %arg8[%swap3A_595, %swap3A_596] {strides = array<i32>} : memref<200x128xf32, #tpu.memory_space<vmem>>, vector<1x16xf32>,
        %swap3A_598 = vector.shape_cast %swap3A_597 : vector<1x16xf32> to vector<16xf32>
        %swap3A_599 = vector.shape_cast %get3A_594 : vector<16xf32> to vector<1x16xf32>
        tpu.vector_store %arg8[%swap3A_595, %swap3A_596], %swap3A_599 {add = true, strides = array<i32>} : memref<200x128xf32, #tpu.memory_space<vmem>>, vector<1x16xf32>,
        %add3A_600 = arith.constant 2 : i32
        %add3A_601 = arith.addi %mul3A_380, %add3A_600 : i32
        %add3A_602 = arith.constant 2 : i32
        %add3A_603 = arith.addi %mul3A_380, %add3A_602 : i32
        %get3A_604 = arith.index_cast %add3A_603 : i32 to index
        %get3A_605 = arith.constant 16 : index
        %get3A_606 = tpu.vector_load %arg6[%get3A_604, %get3A_605] {strides = array<i32>} : memref<200x128xf32, #tpu.memory_space<vmem>>, vector<1x16xf32>,
        %get3A_607 = vector.shape_cast %get3A_606 : vector<1x16xf32> to vector<16xf32>
        %swap3A_608 = arith.index_cast %add3A_601 : i32 to index
        %swap3A_609 = arith.constant 16 : index
        %swap3A_610 = tpu.vector_load %arg8[%swap3A_608, %swap3A_609] {strides = array<i32>} : memref<200x128xf32, #tpu.memory_space<vmem>>, vector<1x16xf32>,
        %swap3A_611 = vector.shape_cast %swap3A_610 : vector<1x16xf32> to vector<16xf32>
        %swap3A_612 = vector.shape_cast %get3A_607 : vector<16xf32> to vector<1x16xf32>
        tpu.vector_store %arg8[%swap3A_608, %swap3A_609], %swap3A_612 {add = true, strides = array<i32>} : memref<200x128xf32, #tpu.memory_space<vmem>>, vector<1x16xf32>,
        %add3A_613 = arith.constant 2 : i32
        %add3A_614 = arith.addi %mul3A_380, %add3A_613 : i32
        %add3A_615 = arith.constant 2 : i32
        %add3A_616 = arith.addi %mul3A_380, %add3A_615 : i32
        %get3A_617 = arith.index_cast %add3A_616 : i32 to index
        %get3A_618 = arith.constant 32 : index
        %get3A_619 = tpu.vector_load %arg6[%get3A_617, %get3A_618] {strides = array<i32>} : memref<200x128xf32, #tpu.memory_space<vmem>>, vector<1x16xf32>,
        %get3A_620 = vector.shape_cast %get3A_619 : vector<1x16xf32> to vector<16xf32>
        %swap3A_621 = arith.index_cast %add3A_614 : i32 to index
        %swap3A_622 = arith.constant 32 : index
        %swap3A_623 = tpu.vector_load %arg8[%swap3A_621, %swap3A_622] {strides = array<i32>} : memref<200x128xf32, #tpu.memory_space<vmem>>, vector<1x16xf32>,
        %swap3A_624 = vector.shape_cast %swap3A_623 : vector<1x16xf32> to vector<16xf32>
        %swap3A_625 = vector.shape_cast %get3A_620 : vector<16xf32> to vector<1x16xf32>
        tpu.vector_store %arg8[%swap3A_621, %swap3A_622], %swap3A_625 {add = true, strides = array<i32>} : memref<200x128xf32, #tpu.memory_space<vmem>>, vector<1x16xf32>,
        %add3A_626 = arith.constant 2 : i32
        %add3A_627 = arith.addi %mul3A_380, %add3A_626 : i32
        %add3A_628 = arith.constant 2 : i32
        %add3A_629 = arith.addi %mul3A_380, %add3A_628 : i32
        %get3A_630 = arith.index_cast %add3A_629 : i32 to index
        %get3A_631 = arith.constant 48 : index
        %get3A_632 = tpu.vector_load %arg6[%get3A_630, %get3A_631] {strides = array<i32>} : memref<200x128xf32, #tpu.memory_space<vmem>>, vector<1x16xf32>,
        %get3A_633 = vector.shape_cast %get3A_632 : vector<1x16xf32> to vector<16xf32>
        %swap3A_634 = arith.index_cast %add3A_627 : i32 to index
        %swap3A_635 = arith.constant 48 : index
        %swap3A_636 = tpu.vector_load %arg8[%swap3A_634, %swap3A_635] {strides = array<i32>} : memref<200x128xf32, #tpu.memory_space<vmem>>, vector<1x16xf32>,
        %swap3A_637 = vector.shape_cast %swap3A_636 : vector<1x16xf32> to vector<16xf32>
        %swap3A_638 = vector.shape_cast %get3A_633 : vector<16xf32> to vector<1x16xf32>
        tpu.vector_store %arg8[%swap3A_634, %swap3A_635], %swap3A_638 {add = true, strides = array<i32>} : memref<200x128xf32, #tpu.memory_space<vmem>>, vector<1x16xf32>,
        %add3A_639 = arith.constant 2 : i32
        %add3A_640 = arith.addi %mul3A_380, %add3A_639 : i32
        %add3A_641 = arith.constant 2 : i32
        %add3A_642 = arith.addi %mul3A_380, %add3A_641 : i32
        %get3A_643 = arith.index_cast %add3A_642 : i32 to index
        %get3A_644 = arith.constant 64 : index
        %get3A_645 = tpu.vector_load %arg6[%get3A_643, %get3A_644] {strides = array<i32>} : memref<200x128xf32, #tpu.memory_space<vmem>>, vector<1x16xf32>,
        %get3A_646 = vector.shape_cast %get3A_645 : vector<1x16xf32> to vector<16xf32>
        %swap3A_647 = arith.index_cast %add3A_640 : i32 to index
        %swap3A_648 = arith.constant 64 : index
        %swap3A_649 = tpu.vector_load %arg8[%swap3A_647, %swap3A_648] {strides = array<i32>} : memref<200x128xf32, #tpu.memory_space<vmem>>, vector<1x16xf32>,
        %swap3A_650 = vector.shape_cast %swap3A_649 : vector<1x16xf32> to vector<16xf32>
        %swap3A_651 = vector.shape_cast %get3A_646 : vector<16xf32> to vector<1x16xf32>
        tpu.vector_store %arg8[%swap3A_647, %swap3A_648], %swap3A_651 {add = true, strides = array<i32>} : memref<200x128xf32, #tpu.memory_space<vmem>>, vector<1x16xf32>,
        %add3A_652 = arith.constant 2 : i32
        %add3A_653 = arith.addi %mul3A_380, %add3A_652 : i32
        %add3A_654 = arith.constant 2 : i32
        %add3A_655 = arith.addi %mul3A_380, %add3A_654 : i32
        %get3A_656 = arith.index_cast %add3A_655 : i32 to index
        %get3A_657 = arith.constant 80 : index
        %get3A_658 = tpu.vector_load %arg6[%get3A_656, %get3A_657] {strides = array<i32>} : memref<200x128xf32, #tpu.memory_space<vmem>>, vector<1x16xf32>,
        %get3A_659 = vector.shape_cast %get3A_658 : vector<1x16xf32> to vector<16xf32>
        %swap3A_660 = arith.index_cast %add3A_653 : i32 to index
        %swap3A_661 = arith.constant 80 : index
        %swap3A_662 = tpu.vector_load %arg8[%swap3A_660, %swap3A_661] {strides = array<i32>} : memref<200x128xf32, #tpu.memory_space<vmem>>, vector<1x16xf32>,
        %swap3A_663 = vector.shape_cast %swap3A_662 : vector<1x16xf32> to vector<16xf32>
        %swap3A_664 = vector.shape_cast %get3A_659 : vector<16xf32> to vector<1x16xf32>
        tpu.vector_store %arg8[%swap3A_660, %swap3A_661], %swap3A_664 {add = true, strides = array<i32>} : memref<200x128xf32, #tpu.memory_space<vmem>>, vector<1x16xf32>,
        %add3A_665 = arith.constant 2 : i32
        %add3A_666 = arith.addi %mul3A_380, %add3A_665 : i32
        %add3A_667 = arith.constant 2 : i32
        %add3A_668 = arith.addi %mul3A_380, %add3A_667 : i32
        %get3A_669 = arith.index_cast %add3A_668 : i32 to index
        %get3A_670 = arith.constant 96 : index
        %get3A_671 = tpu.vector_load %arg6[%get3A_669, %get3A_670] {strides = array<i32>} : memref<200x128xf32, #tpu.memory_space<vmem>>, vector<1x16xf32>,
        %get3A_672 = vector.shape_cast %get3A_671 : vector<1x16xf32> to vector<16xf32>
        %swap3A_673 = arith.index_cast %add3A_666 : i32 to index
        %swap3A_674 = arith.constant 96 : index
        %swap3A_675 = tpu.vector_load %arg8[%swap3A_673, %swap3A_674] {strides = array<i32>} : memref<200x128xf32, #tpu.memory_space<vmem>>, vector<1x16xf32>,
        %swap3A_676 = vector.shape_cast %swap3A_675 : vector<1x16xf32> to vector<16xf32>
        %swap3A_677 = vector.shape_cast %get3A_672 : vector<16xf32> to vector<1x16xf32>
        tpu.vector_store %arg8[%swap3A_673, %swap3A_674], %swap3A_677 {add = true, strides = array<i32>} : memref<200x128xf32, #tpu.memory_space<vmem>>, vector<1x16xf32>,
        %add3A_678 = arith.constant 2 : i32
        %add3A_679 = arith.addi %mul3A_380, %add3A_678 : i32
        %add3A_680 = arith.constant 2 : i32
        %add3A_681 = arith.addi %mul3A_380, %add3A_680 : i32
        %get3A_682 = arith.index_cast %add3A_681 : i32 to index
        %get3A_683 = arith.constant 112 : index
        %get3A_684 = tpu.vector_load %arg6[%get3A_682, %get3A_683] {strides = array<i32>} : memref<200x128xf32, #tpu.memory_space<vmem>>, vector<1x16xf32>,
        %get3A_685 = vector.shape_cast %get3A_684 : vector<1x16xf32> to vector<16xf32>
        %swap3A_686 = arith.index_cast %add3A_679 : i32 to index
        %swap3A_687 = arith.constant 112 : index
        %swap3A_688 = tpu.vector_load %arg8[%swap3A_686, %swap3A_687] {strides = array<i32>} : memref<200x128xf32, #tpu.memory_space<vmem>>, vector<1x16xf32>,
        %swap3A_689 = vector.shape_cast %swap3A_688 : vector<1x16xf32> to vector<16xf32>
        %swap3A_690 = vector.shape_cast %get3A_685 : vector<16xf32> to vector<1x16xf32>
        tpu.vector_store %arg8[%swap3A_686, %swap3A_687], %swap3A_690 {add = true, strides = array<i32>} : memref<200x128xf32, #tpu.memory_space<vmem>>, vector<1x16xf32>,
        %add3A_691 = arith.constant 3 : i32
        %add3A_692 = arith.addi %mul3A_380, %add3A_691 : i32
        %add3A_693 = arith.constant 3 : i32
        %add3A_694 = arith.addi %mul3A_380, %add3A_693 : i32
        %get3A_695 = arith.index_cast %add3A_694 : i32 to index
        %get3A_696 = arith.constant 0 : index
        %get3A_697 = tpu.vector_load %arg6[%get3A_695, %get3A_696] {strides = array<i32>} : memref<200x128xf32, #tpu.memory_space<vmem>>, vector<1x16xf32>,
        %get3A_698 = vector.shape_cast %get3A_697 : vector<1x16xf32> to vector<16xf32>
        %swap3A_699 = arith.index_cast %add3A_692 : i32 to index
        %swap3A_700 = arith.constant 0 : index
        %swap3A_701 = tpu.vector_load %arg8[%swap3A_699, %swap3A_700] {strides = array<i32>} : memref<200x128xf32, #tpu.memory_space<vmem>>, vector<1x16xf32>,
        %swap3A_702 = vector.shape_cast %swap3A_701 : vector<1x16xf32> to vector<16xf32>
        %swap3A_703 = vector.shape_cast %get3A_698 : vector<16xf32> to vector<1x16xf32>
        tpu.vector_store %arg8[%swap3A_699, %swap3A_700], %swap3A_703 {add = true, strides = array<i32>} : memref<200x128xf32, #tpu.memory_space<vmem>>, vector<1x16xf32>,
        %add3A_704 = arith.constant 3 : i32
        %add3A_705 = arith.addi %mul3A_380, %add3A_704 : i32
        %add3A_706 = arith.constant 3 : i32
        %add3A_707 = arith.addi %mul3A_380, %add3A_706 : i32
        %get3A_708 = arith.index_cast %add3A_707 : i32 to index
        %get3A_709 = arith.constant 16 : index
        %get3A_710 = tpu.vector_load %arg6[%get3A_708, %get3A_709] {strides = array<i32>} : memref<200x128xf32, #tpu.memory_space<vmem>>, vector<1x16xf32>,
        %get3A_711 = vector.shape_cast %get3A_710 : vector<1x16xf32> to vector<16xf32>
        %swap3A_712 = arith.index_cast %add3A_705 : i32 to index
        %swap3A_713 = arith.constant 16 : index
        %swap3A_714 = tpu.vector_load %arg8[%swap3A_712, %swap3A_713] {strides = array<i32>} : memref<200x128xf32, #tpu.memory_space<vmem>>, vector<1x16xf32>,
        %swap3A_715 = vector.shape_cast %swap3A_714 : vector<1x16xf32> to vector<16xf32>
        %swap3A_716 = vector.shape_cast %get3A_711 : vector<16xf32> to vector<1x16xf32>
        tpu.vector_store %arg8[%swap3A_712, %swap3A_713], %swap3A_716 {add = true, strides = array<i32>} : memref<200x128xf32, #tpu.memory_space<vmem>>, vector<1x16xf32>,
        %add3A_717 = arith.constant 3 : i32
        %add3A_718 = arith.addi %mul3A_380, %add3A_717 : i32
        %add3A_719 = arith.constant 3 : i32
        %add3A_720 = arith.addi %mul3A_380, %add3A_719 : i32
        %get3A_721 = arith.index_cast %add3A_720 : i32 to index
        %get3A_722 = arith.constant 32 : index
        %get3A_723 = tpu.vector_load %arg6[%get3A_721, %get3A_722] {strides = array<i32>} : memref<200x128xf32, #tpu.memory_space<vmem>>, vector<1x16xf32>,
        %get3A_724 = vector.shape_cast %get3A_723 : vector<1x16xf32> to vector<16xf32>
        %swap3A_725 = arith.index_cast %add3A_718 : i32 to index
        %swap3A_726 = arith.constant 32 : index
        %swap3A_727 = tpu.vector_load %arg8[%swap3A_725, %swap3A_726] {strides = array<i32>} : memref<200x128xf32, #tpu.memory_space<vmem>>, vector<1x16xf32>,
        %swap3A_728 = vector.shape_cast %swap3A_727 : vector<1x16xf32> to vector<16xf32>
        %swap3A_729 = vector.shape_cast %get3A_724 : vector<16xf32> to vector<1x16xf32>
        tpu.vector_store %arg8[%swap3A_725, %swap3A_726], %swap3A_729 {add = true, strides = array<i32>} : memref<200x128xf32, #tpu.memory_space<vmem>>, vector<1x16xf32>,
        %add3A_730 = arith.constant 3 : i32
        %add3A_731 = arith.addi %mul3A_380, %add3A_730 : i32
        %add3A_732 = arith.constant 3 : i32
        %add3A_733 = arith.addi %mul3A_380, %add3A_732 : i32
        %get3A_734 = arith.index_cast %add3A_733 : i32 to index
        %get3A_735 = arith.constant 48 : index
        %get3A_736 = tpu.vector_load %arg6[%get3A_734, %get3A_735] {strides = array<i32>} : memref<200x128xf32, #tpu.memory_space<vmem>>, vector<1x16xf32>,
        %get3A_737 = vector.shape_cast %get3A_736 : vector<1x16xf32> to vector<16xf32>
        %swap3A_738 = arith.index_cast %add3A_731 : i32 to index
        %swap3A_739 = arith.constant 48 : index
        %swap3A_740 = tpu.vector_load %arg8[%swap3A_738, %swap3A_739] {strides = array<i32>} : memref<200x128xf32, #tpu.memory_space<vmem>>, vector<1x16xf32>,
        %swap3A_741 = vector.shape_cast %swap3A_740 : vector<1x16xf32> to vector<16xf32>
        %swap3A_742 = vector.shape_cast %get3A_737 : vector<16xf32> to vector<1x16xf32>
        tpu.vector_store %arg8[%swap3A_738, %swap3A_739], %swap3A_742 {add = true, strides = array<i32>} : memref<200x128xf32, #tpu.memory_space<vmem>>, vector<1x16xf32>,
        %add3A_743 = arith.constant 3 : i32
        %add3A_744 = arith.addi %mul3A_380, %add3A_743 : i32
        %add3A_745 = arith.constant 3 : i32
        %add3A_746 = arith.addi %mul3A_380, %add3A_745 : i32
        %get3A_747 = arith.index_cast %add3A_746 : i32 to index
        %get3A_748 = arith.constant 64 : index
        %get3A_749 = tpu.vector_load %arg6[%get3A_747, %get3A_748] {strides = array<i32>} : memref<200x128xf32, #tpu.memory_space<vmem>>, vector<1x16xf32>,
        %get3A_750 = vector.shape_cast %get3A_749 : vector<1x16xf32> to vector<16xf32>
        %swap3A_751 = arith.index_cast %add3A_744 : i32 to index
        %swap3A_752 = arith.constant 64 : index
        %swap3A_753 = tpu.vector_load %arg8[%swap3A_751, %swap3A_752] {strides = array<i32>} : memref<200x128xf32, #tpu.memory_space<vmem>>, vector<1x16xf32>,
        %swap3A_754 = vector.shape_cast %swap3A_753 : vector<1x16xf32> to vector<16xf32>
        %swap3A_755 = vector.shape_cast %get3A_750 : vector<16xf32> to vector<1x16xf32>
        tpu.vector_store %arg8[%swap3A_751, %swap3A_752], %swap3A_755 {add = true, strides = array<i32>} : memref<200x128xf32, #tpu.memory_space<vmem>>, vector<1x16xf32>,
        %add3A_756 = arith.constant 3 : i32
        %add3A_757 = arith.addi %mul3A_380, %add3A_756 : i32
        %add3A_758 = arith.constant 3 : i32
        %add3A_759 = arith.addi %mul3A_380, %add3A_758 : i32
        %get3A_760 = arith.index_cast %add3A_759 : i32 to index
        %get3A_761 = arith.constant 80 : index
        %get3A_762 = tpu.vector_load %arg6[%get3A_760, %get3A_761] {strides = array<i32>} : memref<200x128xf32, #tpu.memory_space<vmem>>, vector<1x16xf32>,
        %get3A_763 = vector.shape_cast %get3A_762 : vector<1x16xf32> to vector<16xf32>
        %swap3A_764 = arith.index_cast %add3A_757 : i32 to index
        %swap3A_765 = arith.constant 80 : index
        %swap3A_766 = tpu.vector_load %arg8[%swap3A_764, %swap3A_765] {strides = array<i32>} : memref<200x128xf32, #tpu.memory_space<vmem>>, vector<1x16xf32>,
        %swap3A_767 = vector.shape_cast %swap3A_766 : vector<1x16xf32> to vector<16xf32>
        %swap3A_768 = vector.shape_cast %get3A_763 : vector<16xf32> to vector<1x16xf32>
        tpu.vector_store %arg8[%swap3A_764, %swap3A_765], %swap3A_768 {add = true, strides = array<i32>} : memref<200x128xf32, #tpu.memory_space<vmem>>, vector<1x16xf32>,
        %add3A_769 = arith.constant 3 : i32
        %add3A_770 = arith.addi %mul3A_380, %add3A_769 : i32
        %add3A_771 = arith.constant 3 : i32
        %add3A_772 = arith.addi %mul3A_380, %add3A_771 : i32
        %get3A_773 = arith.index_cast %add3A_772 : i32 to index
        %get3A_774 = arith.constant 96 : index
        %get3A_775 = tpu.vector_load %arg6[%get3A_773, %get3A_774] {strides = array<i32>} : memref<200x128xf32, #tpu.memory_space<vmem>>, vector<1x16xf32>,
        %get3A_776 = vector.shape_cast %get3A_775 : vector<1x16xf32> to vector<16xf32>
        %swap3A_777 = arith.index_cast %add3A_770 : i32 to index
        %swap3A_778 = arith.constant 96 : index
        %swap3A_779 = tpu.vector_load %arg8[%swap3A_777, %swap3A_778] {strides = array<i32>} : memref<200x128xf32, #tpu.memory_space<vmem>>, vector<1x16xf32>,
        %swap3A_780 = vector.shape_cast %swap3A_779 : vector<1x16xf32> to vector<16xf32>
        %swap3A_781 = vector.shape_cast %get3A_776 : vector<16xf32> to vector<1x16xf32>
        tpu.vector_store %arg8[%swap3A_777, %swap3A_778], %swap3A_781 {add = true, strides = array<i32>} : memref<200x128xf32, #tpu.memory_space<vmem>>, vector<1x16xf32>,
        %add3A_782 = arith.constant 3 : i32
        %add3A_783 = arith.addi %mul3A_380, %add3A_782 : i32
        %add3A_784 = arith.constant 3 : i32
        %add3A_785 = arith.addi %mul3A_380, %add3A_784 : i32
        %get3A_786 = arith.index_cast %add3A_785 : i32 to index
        %get3A_787 = arith.constant 112 : index
        %get3A_788 = tpu.vector_load %arg6[%get3A_786, %get3A_787] {strides = array<i32>} : memref<200x128xf32, #tpu.memory_space<vmem>>, vector<1x16xf32>,
        %get3A_789 = vector.shape_cast %get3A_788 : vector<1x16xf32> to vector<16xf32>
        %swap3A_790 = arith.index_cast %add3A_783 : i32 to index
        %swap3A_791 = arith.constant 112 : index
        %swap3A_792 = tpu.vector_load %arg8[%swap3A_790, %swap3A_791] {strides = array<i32>} : memref<200x128xf32, #tpu.memory_space<vmem>>, vector<1x16xf32>,
        %swap3A_793 = vector.shape_cast %swap3A_792 : vector<1x16xf32> to vector<16xf32>
        %swap3A_794 = vector.shape_cast %get3A_789 : vector<16xf32> to vector<1x16xf32>
        tpu.vector_store %arg8[%swap3A_790, %swap3A_791], %swap3A_794 {add = true, strides = array<i32>} : memref<200x128xf32, #tpu.memory_space<vmem>>, vector<1x16xf32>,
      }
      %scan3A_206 = arith.constant 50 : i32
      %add3A_207 = arith.addi %mul3A_2, %add3A_168 : i32
      %dma_start3A_208 = arith.constant 0 : i32
      %dma_start3A_209 = arith.constant 0 : i32
      %dma_start3A_210 = tpu.memref_slice %arg5[%add3A_207, %dma_start3A_208, %dma_start3A_209] : memref<1024x200x128xf32, #tpu.memory_space<hbm>> -> memref<1x200x128xf32, #tpu.memory_space<hbm>>
      %dma_start3A_211 = tpu.memref_squeeze %dma_start3A_210 : memref<1x200x128xf32, #tpu.memory_space<hbm>> -> memref<200x128xf32, #tpu.memory_space<hbm>>
      %dma_start3A_212 = arith.constant 0 : i32
      %dma_start3A_213 = arith.constant 0 : i32
      %dma_start3A_214 = tpu.memref_slice %arg5[%add3A_207, %dma_start3A_212, %dma_start3A_213] : memref<1024x200x128xf32, #tpu.memory_space<hbm>> -> memref<1x200x128xf32, #tpu.memory_space<hbm>>
      %dma_start3A_215 = tpu.memref_squeeze %dma_start3A_214 : memref<1x200x128xf32, #tpu.memory_space<hbm>> -> memref<200x128xf32, #tpu.memory_space<hbm>>
      tpu.enqueue_dma source(%arg8 : memref<200x128xf32, #tpu.memory_space<vmem>>) target(%dma_start3A_215 : memref<200x128xf32, #tpu.memory_space<hbm>>) target_semaphore(%arg16 : memref<!tpu.dma_semaphore, #tpu.memory_space<semaphore_mem>>)
      %mul3A_216 = arith.constant 4 : i32
      %mul3A_217 = arith.muli %mul3A_216, %scan3A_164 : i32
      %add3A_218 = arith.constant 1 : i32
      %add3A_219 = arith.addi %mul3A_217, %add3A_218 : i32
      %add3A_220 = arith.constant 3 : i32
      %add3A_221 = arith.addi %add3A_219, %add3A_220 : i32
      %lt3A_222 = arith.constant 32 : i32
      %lt3A_223 = arith.cmpi slt, %add3A_221, %lt3A_222 : i32
      %convert_element_type3A_224 = arith.extui %lt3A_223 : i1 to i32
      %cond3A_225 = arith.constant 0 : i32
      %cond3A_226 = arith.cmpi ne, %convert_element_type3A_224, %cond3A_225 : i32
      scf.if %cond3A_226 {
        %add3A_378 = arith.constant 3 : i32
        %add3A_379 = arith.addi %add3A_219, %add3A_378 : i32
        %add3A_380 = arith.addi %mul3A_2, %add3A_379 : i32
        %dma_start3A_381 = arith.constant 0 : i32
        %dma_start3A_382 = arith.constant 0 : i32
        %dma_start3A_383 = arith.constant 0 : i32
        %dma_start3A_384 = tpu.memref_slice %arg7[%dma_start3A_381, %dma_start3A_382, %dma_start3A_383] : memref<4x2x100xi32, #tpu.memory_space<vmem>> -> memref<1x2x100xi32, #tpu.memory_space<vmem>>
        %dma_start3A_385 = tpu.memref_squeeze %dma_start3A_384 : memref<1x2x100xi32, #tpu.memory_space<vmem>> -> memref<2x100xi32, #tpu.memory_space<vmem>>
        %dma_start3A_386 = arith.constant 0 : i32
        %dma_start3A_387 = arith.constant 0 : i32
        %dma_start3A_388 = tpu.memref_slice %arg2[%add3A_380, %dma_start3A_386, %dma_start3A_387] : memref<1024x2x100xi32, #tpu.memory_space<hbm>> -> memref<1x2x100xi32, #tpu.memory_space<hbm>>
        %dma_start3A_389 = tpu.memref_squeeze %dma_start3A_388 : memref<1x2x100xi32, #tpu.memory_space<hbm>> -> memref<2x100xi32, #tpu.memory_space<hbm>>
        %dma_start3A_390 = arith.constant 0 : i32
        %dma_start3A_391 = arith.constant 0 : i32
        %dma_start3A_392 = tpu.memref_slice %arg7[%dma_start3A_381, %dma_start3A_390, %dma_start3A_391] : memref<4x2x100xi32, #tpu.memory_space<vmem>> -> memref<1x2x100xi32, #tpu.memory_space<vmem>>
        %dma_start3A_393 = tpu.memref_squeeze %dma_start3A_392 : memref<1x2x100xi32, #tpu.memory_space<vmem>> -> memref<2x100xi32, #tpu.memory_space<vmem>>
        %dma_start3A_394 = arith.constant 0 : i32
        %dma_start3A_395 = arith.constant 0 : i32
        %dma_start3A_396 = tpu.memref_slice %arg2[%add3A_380, %dma_start3A_394, %dma_start3A_395] : memref<1024x2x100xi32, #tpu.memory_space<hbm>> -> memref<1x2x100xi32, #tpu.memory_space<hbm>>
        %dma_start3A_397 = tpu.memref_squeeze %dma_start3A_396 : memref<1x2x100xi32, #tpu.memory_space<hbm>> -> memref<2x100xi32, #tpu.memory_space<hbm>>
        tpu.enqueue_dma source(%dma_start3A_397 : memref<2x100xi32, #tpu.memory_space<hbm>>) target(%dma_start3A_393 : memref<2x100xi32, #tpu.memory_space<vmem>>) target_semaphore(%arg20 : memref<!tpu.dma_semaphore, #tpu.memory_space<semaphore_mem>>)
      } else {
      }
      %add3A_227 = arith.constant 2 : i32
      %add3A_228 = arith.addi %add3A_219, %add3A_227 : i32
      %lt3A_229 = arith.constant 32 : i32
      %lt3A_230 = arith.cmpi slt, %add3A_228, %lt3A_229 : i32
      %convert_element_type3A_231 = arith.extui %lt3A_230 : i1 to i32
      %cond3A_232 = arith.constant 0 : i32
      %cond3A_233 = arith.cmpi ne, %convert_element_type3A_231, %cond3A_232 : i32
      scf.if %cond3A_233 {
        %ge3A = arith.constant 2 : i32
        %ge3A_378 = arith.cmpi sge, %add3A_219, %ge3A : i32
        %convert_element_type3A_379 = arith.extui %ge3A_378 : i1 to i32
        %cond3A_380 = arith.constant 0 : i32
        %cond3A_381 = arith.cmpi ne, %convert_element_type3A_379, %cond3A_380 : i32
        scf.if %cond3A_381 {
          %sub3A = arith.constant 2 : i32
          %sub3A_426 = arith.subi %add3A_219, %sub3A : i32
          %add3A_427 = arith.addi %mul3A_2, %sub3A_426 : i32
          %dma_wait3A_428 = arith.constant 0 : i32
          %dma_wait3A_429 = arith.constant 0 : i32
          %dma_wait3A_430 = tpu.memref_slice %arg5[%add3A_427, %dma_wait3A_428, %dma_wait3A_429] : memref<1024x200x128xf32, #tpu.memory_space<hbm>> -> memref<1x200x128xf32, #tpu.memory_space<hbm>>
          %dma_wait3A_431 = tpu.memref_squeeze %dma_wait3A_430 : memref<1x200x128xf32, #tpu.memory_space<hbm>> -> memref<200x128xf32, #tpu.memory_space<hbm>>
          %dma_wait3A_432 = arith.constant 0 : i32
          %dma_wait3A_433 = arith.constant 0 : i32
          %dma_wait3A_434 = tpu.memref_slice %arg5[%add3A_427, %dma_wait3A_432, %dma_wait3A_433] : memref<1024x200x128xf32, #tpu.memory_space<hbm>> -> memref<1x200x128xf32, #tpu.memory_space<hbm>>
          %dma_wait3A_435 = tpu.memref_squeeze %dma_wait3A_434 : memref<1x200x128xf32, #tpu.memory_space<hbm>> -> memref<200x128xf32, #tpu.memory_space<hbm>>
          tpu.wait_dma2 semaphore(%arg19 : memref<!tpu.dma_semaphore, #tpu.memory_space<semaphore_mem>>) src(%arg11 : memref<200x128xf32, #tpu.memory_space<vmem>>) dst(%dma_wait3A_435 : memref<200x128xf32, #tpu.memory_space<hbm>>)
        } else {
        }
        %add3A_382 = arith.constant 2 : i32
        %add3A_383 = arith.addi %add3A_219, %add3A_382 : i32
        %add3A_384 = arith.addi %mul3A_2, %add3A_383 : i32
        %dma_wait3A_385 = arith.constant 3 : i32
        %dma_wait3A_386 = arith.constant 0 : i32
        %dma_wait3A_387 = arith.constant 0 : i32
        %dma_wait3A_388 = tpu.memref_slice %arg7[%dma_wait3A_385, %dma_wait3A_386, %dma_wait3A_387] : memref<4x2x100xi32, #tpu.memory_space<vmem>> -> memref<1x2x100xi32, #tpu.memory_space<vmem>>
        %dma_wait3A_389 = tpu.memref_squeeze %dma_wait3A_388 : memref<1x2x100xi32, #tpu.memory_space<vmem>> -> memref<2x100xi32, #tpu.memory_space<vmem>>
        %dma_wait3A_390 = arith.constant 0 : i32
        %dma_wait3A_391 = arith.constant 0 : i32
        %dma_wait3A_392 = tpu.memref_slice %arg2[%add3A_384, %dma_wait3A_390, %dma_wait3A_391] : memref<1024x2x100xi32, #tpu.memory_space<hbm>> -> memref<1x2x100xi32, #tpu.memory_space<hbm>>
        %dma_wait3A_393 = tpu.memref_squeeze %dma_wait3A_392 : memref<1x2x100xi32, #tpu.memory_space<hbm>> -> memref<2x100xi32, #tpu.memory_space<hbm>>
        %dma_wait3A_394 = arith.constant 0 : i32
        %dma_wait3A_395 = arith.constant 0 : i32
        %dma_wait3A_396 = tpu.memref_slice %arg7[%dma_wait3A_385, %dma_wait3A_394, %dma_wait3A_395] : memref<4x2x100xi32, #tpu.memory_space<vmem>> -> memref<1x2x100xi32, #tpu.memory_space<vmem>>
        %dma_wait3A_397 = tpu.memref_squeeze %dma_wait3A_396 : memref<1x2x100xi32, #tpu.memory_space<vmem>> -> memref<2x100xi32, #tpu.memory_space<vmem>>
        %dma_wait3A_398 = arith.constant 0 : i32
        %dma_wait3A_399 = arith.constant 0 : i32
        %dma_wait3A_400 = tpu.memref_slice %arg2[%add3A_384, %dma_wait3A_398, %dma_wait3A_399] : memref<1024x2x100xi32, #tpu.memory_space<hbm>> -> memref<1x2x100xi32, #tpu.memory_space<hbm>>
        %dma_wait3A_401 = tpu.memref_squeeze %dma_wait3A_400 : memref<1x2x100xi32, #tpu.memory_space<hbm>> -> memref<2x100xi32, #tpu.memory_space<hbm>>
        tpu.wait_dma2 semaphore(%arg23 : memref<!tpu.dma_semaphore, #tpu.memory_space<semaphore_mem>>) src(%dma_wait3A_401 : memref<2x100xi32, #tpu.memory_space<hbm>>) dst(%dma_wait3A_397 : memref<2x100xi32, #tpu.memory_space<vmem>>)
        %add3A_402 = arith.constant 2 : i32
        %add3A_403 = arith.addi %add3A_219, %add3A_402 : i32
        %dma_start3A_404 = arith.constant 3 : i32
        %dma_start3A_405 = arith.constant 0 : i32
        %dma_start3A_406 = arith.constant 0 : i32
        %dma_start3A_407 = arith.constant 0 : i32
        %dma_start3A_408 = tpu.memref_slice %arg11[%dma_start3A_406, %dma_start3A_407] : memref<200x128xf32, #tpu.memory_space<vmem>> -> memref<100x128xf32, #tpu.memory_space<vmem>>
        %dma_start3A_409 = arith.constant 0 : i32
        %dma_start3A_410 = tpu.memref_slice %arg7[%dma_start3A_404, %dma_start3A_405, %dma_start3A_409] : memref<4x2x100xi32, #tpu.memory_space<vmem>> -> memref<1x1x100xi32, #tpu.memory_space<vmem>>
        %dma_start3A_411 = tpu.memref_squeeze %dma_start3A_410 : memref<1x1x100xi32, #tpu.memory_space<vmem>> -> memref<100xi32, #tpu.memory_space<vmem>>
        %dma_start3A_412 = arith.constant 0 : i32
        %dma_start3A_413 = arith.constant 0 : i32
        %dma_start3A_414 = tpu.memref_slice %arg4[%dma_start3A_412, %dma_start3A_413] : memref<100000x128xf32, #tpu.memory_space<hbm>> -> memref<100000x128xf32, #tpu.memory_space<hbm>>
        tpu.enqueue_indirect_dma source(%dma_start3A_414 : memref<100000x128xf32, #tpu.memory_space<hbm>>) target(%dma_start3A_408 : memref<100x128xf32, #tpu.memory_space<vmem>>) offsets(%dma_start3A_411 : memref<100xi32, #tpu.memory_space<vmem>>) semaphore(%arg15 : memref<!tpu.dma_semaphore, #tpu.memory_space<semaphore_mem>>)
        %dma_start3A_415 = arith.constant 3 : i32
        %dma_start3A_416 = arith.constant 1 : i32
        %dma_start3A_417 = arith.constant 100 : i32
        %dma_start3A_418 = arith.constant 0 : i32
        %dma_start3A_419 = tpu.memref_slice %arg11[%dma_start3A_417, %dma_start3A_418] : memref<200x128xf32, #tpu.memory_space<vmem>> -> memref<100x128xf32, #tpu.memory_space<vmem>>
        %dma_start3A_420 = arith.constant 0 : i32
        %dma_start3A_421 = tpu.memref_slice %arg7[%dma_start3A_415, %dma_start3A_416, %dma_start3A_420] : memref<4x2x100xi32, #tpu.memory_space<vmem>> -> memref<1x1x100xi32, #tpu.memory_space<vmem>>
        %dma_start3A_422 = tpu.memref_squeeze %dma_start3A_421 : memref<1x1x100xi32, #tpu.memory_space<vmem>> -> memref<100xi32, #tpu.memory_space<vmem>>
        %dma_start3A_423 = arith.constant 0 : i32
        %dma_start3A_424 = arith.constant 0 : i32
        %dma_start3A_425 = tpu.memref_slice %arg4[%dma_start3A_423, %dma_start3A_424] : memref<100000x128xf32, #tpu.memory_space<hbm>> -> memref<100000x128xf32, #tpu.memory_space<hbm>>
        tpu.enqueue_indirect_dma source(%dma_start3A_425 : memref<100000x128xf32, #tpu.memory_space<hbm>>) target(%dma_start3A_419 : memref<100x128xf32, #tpu.memory_space<vmem>>) offsets(%dma_start3A_422 : memref<100xi32, #tpu.memory_space<vmem>>) semaphore(%arg15 : memref<!tpu.dma_semaphore, #tpu.memory_space<semaphore_mem>>)
      } else {
      }
      %dma_wait3A_234 = arith.constant 1 : i32
      %dma_wait3A_235 = arith.constant 0 : i32
      %dma_wait3A_236 = arith.constant 0 : i32
      %dma_wait3A_237 = arith.constant 0 : i32
      %dma_wait3A_238 = tpu.memref_slice %arg9[%dma_wait3A_236, %dma_wait3A_237] : memref<200x128xf32, #tpu.memory_space<vmem>> -> memref<100x128xf32, #tpu.memory_space<vmem>>
      %dma_wait3A_239 = arith.constant 0 : i32
      %dma_wait3A_240 = tpu.memref_slice %arg7[%dma_wait3A_234, %dma_wait3A_235, %dma_wait3A_239] : memref<4x2x100xi32, #tpu.memory_space<vmem>> -> memref<1x1x100xi32, #tpu.memory_space<vmem>>
      %dma_wait3A_241 = tpu.memref_squeeze %dma_wait3A_240 : memref<1x1x100xi32, #tpu.memory_space<vmem>> -> memref<100xi32, #tpu.memory_space<vmem>>
      %dma_wait3A_242 = arith.constant 0 : i32
      %dma_wait3A_243 = arith.constant 0 : i32
      %dma_wait3A_244 = tpu.memref_slice %arg4[%dma_wait3A_242, %dma_wait3A_243] : memref<100000x128xf32, #tpu.memory_space<hbm>> -> memref<100000x128xf32, #tpu.memory_space<hbm>>
      tpu.wait_indirect_dma semaphore(%arg13 : memref<!tpu.dma_semaphore, #tpu.memory_space<semaphore_mem>>) src(%dma_wait3A_244 : memref<100000x128xf32, #tpu.memory_space<hbm>>) dst(%dma_wait3A_238 : memref<100x128xf32, #tpu.memory_space<vmem>>)
      %dma_wait3A_245 = arith.constant 1 : i32
      %dma_wait3A_246 = arith.constant 1 : i32
      %dma_wait3A_247 = arith.constant 100 : i32
      %dma_wait3A_248 = arith.constant 0 : i32
      %dma_wait3A_249 = tpu.memref_slice %arg9[%dma_wait3A_247, %dma_wait3A_248] : memref<200x128xf32, #tpu.memory_space<vmem>> -> memref<100x128xf32, #tpu.memory_space<vmem>>
      %dma_wait3A_250 = arith.constant 0 : i32
      %dma_wait3A_251 = tpu.memref_slice %arg7[%dma_wait3A_245, %dma_wait3A_246, %dma_wait3A_250] : memref<4x2x100xi32, #tpu.memory_space<vmem>> -> memref<1x1x100xi32, #tpu.memory_space<vmem>>
      %dma_wait3A_252 = tpu.memref_squeeze %dma_wait3A_251 : memref<1x1x100xi32, #tpu.memory_space<vmem>> -> memref<100xi32, #tpu.memory_space<vmem>>
      %dma_wait3A_253 = arith.constant 0 : i32
      %dma_wait3A_254 = arith.constant 0 : i32
      %dma_wait3A_255 = tpu.memref_slice %arg4[%dma_wait3A_253, %dma_wait3A_254] : memref<100000x128xf32, #tpu.memory_space<hbm>> -> memref<100000x128xf32, #tpu.memory_space<hbm>>
      tpu.wait_indirect_dma semaphore(%arg13 : memref<!tpu.dma_semaphore, #tpu.memory_space<semaphore_mem>>) src(%dma_wait3A_255 : memref<100000x128xf32, #tpu.memory_space<hbm>>) dst(%dma_wait3A_249 : memref<100x128xf32, #tpu.memory_space<vmem>>)
      %scan3A_256 = arith.constant 0 : i32
      %scan3A_257 = arith.constant 50 : i32
      %scan3A_258 = arith.addi %scan3A_256, %scan3A_257 : i32
      %scan3A_259 = arith.constant 1 : i32
      scf.for %scan3A_378 = %scan3A_256 to %scan3A_258 step %scan3A_259  : i32 {
        %mul3A_379 = arith.constant 4 : i32
        %mul3A_380 = arith.muli %scan3A_378, %mul3A_379 : i32
        %add3A_381 = arith.constant 0 : i32
        %add3A_382 = arith.addi %mul3A_380, %add3A_381 : i32
        %add3A_383 = arith.constant 0 : i32
        %add3A_384 = arith.addi %mul3A_380, %add3A_383 : i32
        %get3A = arith.index_cast %add3A_384 : i32 to index
        %get3A_385 = arith.constant 0 : index
        %get3A_386 = tpu.vector_load %arg6[%get3A, %get3A_385] {strides = array<i32>} : memref<200x128xf32, #tpu.memory_space<vmem>>, vector<1x16xf32>,
        %get3A_387 = vector.shape_cast %get3A_386 : vector<1x16xf32> to vector<16xf32>
        %swap3A = arith.index_cast %add3A_382 : i32 to index
        %swap3A_388 = arith.constant 0 : index
        %swap3A_389 = tpu.vector_load %arg9[%swap3A, %swap3A_388] {strides = array<i32>} : memref<200x128xf32, #tpu.memory_space<vmem>>, vector<1x16xf32>,
        %swap3A_390 = vector.shape_cast %swap3A_389 : vector<1x16xf32> to vector<16xf32>
        %swap3A_391 = vector.shape_cast %get3A_387 : vector<16xf32> to vector<1x16xf32>
        tpu.vector_store %arg9[%swap3A, %swap3A_388], %swap3A_391 {add = true, strides = array<i32>} : memref<200x128xf32, #tpu.memory_space<vmem>>, vector<1x16xf32>,
        %add3A_392 = arith.constant 0 : i32
        %add3A_393 = arith.addi %mul3A_380, %add3A_392 : i32
        %add3A_394 = arith.constant 0 : i32
        %add3A_395 = arith.addi %mul3A_380, %add3A_394 : i32
        %get3A_396 = arith.index_cast %add3A_395 : i32 to index
        %get3A_397 = arith.constant 16 : index
        %get3A_398 = tpu.vector_load %arg6[%get3A_396, %get3A_397] {strides = array<i32>} : memref<200x128xf32, #tpu.memory_space<vmem>>, vector<1x16xf32>,
        %get3A_399 = vector.shape_cast %get3A_398 : vector<1x16xf32> to vector<16xf32>
        %swap3A_400 = arith.index_cast %add3A_393 : i32 to index
        %swap3A_401 = arith.constant 16 : index
        %swap3A_402 = tpu.vector_load %arg9[%swap3A_400, %swap3A_401] {strides = array<i32>} : memref<200x128xf32, #tpu.memory_space<vmem>>, vector<1x16xf32>,
        %swap3A_403 = vector.shape_cast %swap3A_402 : vector<1x16xf32> to vector<16xf32>
        %swap3A_404 = vector.shape_cast %get3A_399 : vector<16xf32> to vector<1x16xf32>
        tpu.vector_store %arg9[%swap3A_400, %swap3A_401], %swap3A_404 {add = true, strides = array<i32>} : memref<200x128xf32, #tpu.memory_space<vmem>>, vector<1x16xf32>,
        %add3A_405 = arith.constant 0 : i32
        %add3A_406 = arith.addi %mul3A_380, %add3A_405 : i32
        %add3A_407 = arith.constant 0 : i32
        %add3A_408 = arith.addi %mul3A_380, %add3A_407 : i32
        %get3A_409 = arith.index_cast %add3A_408 : i32 to index
        %get3A_410 = arith.constant 32 : index
        %get3A_411 = tpu.vector_load %arg6[%get3A_409, %get3A_410] {strides = array<i32>} : memref<200x128xf32, #tpu.memory_space<vmem>>, vector<1x16xf32>,
        %get3A_412 = vector.shape_cast %get3A_411 : vector<1x16xf32> to vector<16xf32>
        %swap3A_413 = arith.index_cast %add3A_406 : i32 to index
        %swap3A_414 = arith.constant 32 : index
        %swap3A_415 = tpu.vector_load %arg9[%swap3A_413, %swap3A_414] {strides = array<i32>} : memref<200x128xf32, #tpu.memory_space<vmem>>, vector<1x16xf32>,
        %swap3A_416 = vector.shape_cast %swap3A_415 : vector<1x16xf32> to vector<16xf32>
        %swap3A_417 = vector.shape_cast %get3A_412 : vector<16xf32> to vector<1x16xf32>
        tpu.vector_store %arg9[%swap3A_413, %swap3A_414], %swap3A_417 {add = true, strides = array<i32>} : memref<200x128xf32, #tpu.memory_space<vmem>>, vector<1x16xf32>,
        %add3A_418 = arith.constant 0 : i32
        %add3A_419 = arith.addi %mul3A_380, %add3A_418 : i32
        %add3A_420 = arith.constant 0 : i32
        %add3A_421 = arith.addi %mul3A_380, %add3A_420 : i32
        %get3A_422 = arith.index_cast %add3A_421 : i32 to index
        %get3A_423 = arith.constant 48 : index
        %get3A_424 = tpu.vector_load %arg6[%get3A_422, %get3A_423] {strides = array<i32>} : memref<200x128xf32, #tpu.memory_space<vmem>>, vector<1x16xf32>,
        %get3A_425 = vector.shape_cast %get3A_424 : vector<1x16xf32> to vector<16xf32>
        %swap3A_426 = arith.index_cast %add3A_419 : i32 to index
        %swap3A_427 = arith.constant 48 : index
        %swap3A_428 = tpu.vector_load %arg9[%swap3A_426, %swap3A_427] {strides = array<i32>} : memref<200x128xf32, #tpu.memory_space<vmem>>, vector<1x16xf32>,
        %swap3A_429 = vector.shape_cast %swap3A_428 : vector<1x16xf32> to vector<16xf32>
        %swap3A_430 = vector.shape_cast %get3A_425 : vector<16xf32> to vector<1x16xf32>
        tpu.vector_store %arg9[%swap3A_426, %swap3A_427], %swap3A_430 {add = true, strides = array<i32>} : memref<200x128xf32, #tpu.memory_space<vmem>>, vector<1x16xf32>,
        %add3A_431 = arith.constant 0 : i32
        %add3A_432 = arith.addi %mul3A_380, %add3A_431 : i32
        %add3A_433 = arith.constant 0 : i32
        %add3A_434 = arith.addi %mul3A_380, %add3A_433 : i32
        %get3A_435 = arith.index_cast %add3A_434 : i32 to index
        %get3A_436 = arith.constant 64 : index
        %get3A_437 = tpu.vector_load %arg6[%get3A_435, %get3A_436] {strides = array<i32>} : memref<200x128xf32, #tpu.memory_space<vmem>>, vector<1x16xf32>,
        %get3A_438 = vector.shape_cast %get3A_437 : vector<1x16xf32> to vector<16xf32>
        %swap3A_439 = arith.index_cast %add3A_432 : i32 to index
        %swap3A_440 = arith.constant 64 : index
        %swap3A_441 = tpu.vector_load %arg9[%swap3A_439, %swap3A_440] {strides = array<i32>} : memref<200x128xf32, #tpu.memory_space<vmem>>, vector<1x16xf32>,
        %swap3A_442 = vector.shape_cast %swap3A_441 : vector<1x16xf32> to vector<16xf32>
        %swap3A_443 = vector.shape_cast %get3A_438 : vector<16xf32> to vector<1x16xf32>
        tpu.vector_store %arg9[%swap3A_439, %swap3A_440], %swap3A_443 {add = true, strides = array<i32>} : memref<200x128xf32, #tpu.memory_space<vmem>>, vector<1x16xf32>,
        %add3A_444 = arith.constant 0 : i32
        %add3A_445 = arith.addi %mul3A_380, %add3A_444 : i32
        %add3A_446 = arith.constant 0 : i32
        %add3A_447 = arith.addi %mul3A_380, %add3A_446 : i32
        %get3A_448 = arith.index_cast %add3A_447 : i32 to index
        %get3A_449 = arith.constant 80 : index
        %get3A_450 = tpu.vector_load %arg6[%get3A_448, %get3A_449] {strides = array<i32>} : memref<200x128xf32, #tpu.memory_space<vmem>>, vector<1x16xf32>,
        %get3A_451 = vector.shape_cast %get3A_450 : vector<1x16xf32> to vector<16xf32>
        %swap3A_452 = arith.index_cast %add3A_445 : i32 to index
        %swap3A_453 = arith.constant 80 : index
        %swap3A_454 = tpu.vector_load %arg9[%swap3A_452, %swap3A_453] {strides = array<i32>} : memref<200x128xf32, #tpu.memory_space<vmem>>, vector<1x16xf32>,
        %swap3A_455 = vector.shape_cast %swap3A_454 : vector<1x16xf32> to vector<16xf32>
        %swap3A_456 = vector.shape_cast %get3A_451 : vector<16xf32> to vector<1x16xf32>
        tpu.vector_store %arg9[%swap3A_452, %swap3A_453], %swap3A_456 {add = true, strides = array<i32>} : memref<200x128xf32, #tpu.memory_space<vmem>>, vector<1x16xf32>,
        %add3A_457 = arith.constant 0 : i32
        %add3A_458 = arith.addi %mul3A_380, %add3A_457 : i32
        %add3A_459 = arith.constant 0 : i32
        %add3A_460 = arith.addi %mul3A_380, %add3A_459 : i32
        %get3A_461 = arith.index_cast %add3A_460 : i32 to index
        %get3A_462 = arith.constant 96 : index
        %get3A_463 = tpu.vector_load %arg6[%get3A_461, %get3A_462] {strides = array<i32>} : memref<200x128xf32, #tpu.memory_space<vmem>>, vector<1x16xf32>,
        %get3A_464 = vector.shape_cast %get3A_463 : vector<1x16xf32> to vector<16xf32>
        %swap3A_465 = arith.index_cast %add3A_458 : i32 to index
        %swap3A_466 = arith.constant 96 : index
        %swap3A_467 = tpu.vector_load %arg9[%swap3A_465, %swap3A_466] {strides = array<i32>} : memref<200x128xf32, #tpu.memory_space<vmem>>, vector<1x16xf32>,
        %swap3A_468 = vector.shape_cast %swap3A_467 : vector<1x16xf32> to vector<16xf32>
        %swap3A_469 = vector.shape_cast %get3A_464 : vector<16xf32> to vector<1x16xf32>
        tpu.vector_store %arg9[%swap3A_465, %swap3A_466], %swap3A_469 {add = true, strides = array<i32>} : memref<200x128xf32, #tpu.memory_space<vmem>>, vector<1x16xf32>,
        %add3A_470 = arith.constant 0 : i32
        %add3A_471 = arith.addi %mul3A_380, %add3A_470 : i32
        %add3A_472 = arith.constant 0 : i32
        %add3A_473 = arith.addi %mul3A_380, %add3A_472 : i32
        %get3A_474 = arith.index_cast %add3A_473 : i32 to index
        %get3A_475 = arith.constant 112 : index
        %get3A_476 = tpu.vector_load %arg6[%get3A_474, %get3A_475] {strides = array<i32>} : memref<200x128xf32, #tpu.memory_space<vmem>>, vector<1x16xf32>,
        %get3A_477 = vector.shape_cast %get3A_476 : vector<1x16xf32> to vector<16xf32>
        %swap3A_478 = arith.index_cast %add3A_471 : i32 to index
        %swap3A_479 = arith.constant 112 : index
        %swap3A_480 = tpu.vector_load %arg9[%swap3A_478, %swap3A_479] {strides = array<i32>} : memref<200x128xf32, #tpu.memory_space<vmem>>, vector<1x16xf32>,
        %swap3A_481 = vector.shape_cast %swap3A_480 : vector<1x16xf32> to vector<16xf32>
        %swap3A_482 = vector.shape_cast %get3A_477 : vector<16xf32> to vector<1x16xf32>
        tpu.vector_store %arg9[%swap3A_478, %swap3A_479], %swap3A_482 {add = true, strides = array<i32>} : memref<200x128xf32, #tpu.memory_space<vmem>>, vector<1x16xf32>,
        %add3A_483 = arith.constant 1 : i32
        %add3A_484 = arith.addi %mul3A_380, %add3A_483 : i32
        %add3A_485 = arith.constant 1 : i32
        %add3A_486 = arith.addi %mul3A_380, %add3A_485 : i32
        %get3A_487 = arith.index_cast %add3A_486 : i32 to index
        %get3A_488 = arith.constant 0 : index
        %get3A_489 = tpu.vector_load %arg6[%get3A_487, %get3A_488] {strides = array<i32>} : memref<200x128xf32, #tpu.memory_space<vmem>>, vector<1x16xf32>,
        %get3A_490 = vector.shape_cast %get3A_489 : vector<1x16xf32> to vector<16xf32>
        %swap3A_491 = arith.index_cast %add3A_484 : i32 to index
        %swap3A_492 = arith.constant 0 : index
        %swap3A_493 = tpu.vector_load %arg9[%swap3A_491, %swap3A_492] {strides = array<i32>} : memref<200x128xf32, #tpu.memory_space<vmem>>, vector<1x16xf32>,
        %swap3A_494 = vector.shape_cast %swap3A_493 : vector<1x16xf32> to vector<16xf32>
        %swap3A_495 = vector.shape_cast %get3A_490 : vector<16xf32> to vector<1x16xf32>
        tpu.vector_store %arg9[%swap3A_491, %swap3A_492], %swap3A_495 {add = true, strides = array<i32>} : memref<200x128xf32, #tpu.memory_space<vmem>>, vector<1x16xf32>,
        %add3A_496 = arith.constant 1 : i32
        %add3A_497 = arith.addi %mul3A_380, %add3A_496 : i32
        %add3A_498 = arith.constant 1 : i32
        %add3A_499 = arith.addi %mul3A_380, %add3A_498 : i32
        %get3A_500 = arith.index_cast %add3A_499 : i32 to index
        %get3A_501 = arith.constant 16 : index
        %get3A_502 = tpu.vector_load %arg6[%get3A_500, %get3A_501] {strides = array<i32>} : memref<200x128xf32, #tpu.memory_space<vmem>>, vector<1x16xf32>,
        %get3A_503 = vector.shape_cast %get3A_502 : vector<1x16xf32> to vector<16xf32>
        %swap3A_504 = arith.index_cast %add3A_497 : i32 to index
        %swap3A_505 = arith.constant 16 : index
        %swap3A_506 = tpu.vector_load %arg9[%swap3A_504, %swap3A_505] {strides = array<i32>} : memref<200x128xf32, #tpu.memory_space<vmem>>, vector<1x16xf32>,
        %swap3A_507 = vector.shape_cast %swap3A_506 : vector<1x16xf32> to vector<16xf32>
        %swap3A_508 = vector.shape_cast %get3A_503 : vector<16xf32> to vector<1x16xf32>
        tpu.vector_store %arg9[%swap3A_504, %swap3A_505], %swap3A_508 {add = true, strides = array<i32>} : memref<200x128xf32, #tpu.memory_space<vmem>>, vector<1x16xf32>,
        %add3A_509 = arith.constant 1 : i32
        %add3A_510 = arith.addi %mul3A_380, %add3A_509 : i32
        %add3A_511 = arith.constant 1 : i32
        %add3A_512 = arith.addi %mul3A_380, %add3A_511 : i32
        %get3A_513 = arith.index_cast %add3A_512 : i32 to index
        %get3A_514 = arith.constant 32 : index
        %get3A_515 = tpu.vector_load %arg6[%get3A_513, %get3A_514] {strides = array<i32>} : memref<200x128xf32, #tpu.memory_space<vmem>>, vector<1x16xf32>,
        %get3A_516 = vector.shape_cast %get3A_515 : vector<1x16xf32> to vector<16xf32>
        %swap3A_517 = arith.index_cast %add3A_510 : i32 to index
        %swap3A_518 = arith.constant 32 : index
        %swap3A_519 = tpu.vector_load %arg9[%swap3A_517, %swap3A_518] {strides = array<i32>} : memref<200x128xf32, #tpu.memory_space<vmem>>, vector<1x16xf32>,
        %swap3A_520 = vector.shape_cast %swap3A_519 : vector<1x16xf32> to vector<16xf32>
        %swap3A_521 = vector.shape_cast %get3A_516 : vector<16xf32> to vector<1x16xf32>
        tpu.vector_store %arg9[%swap3A_517, %swap3A_518], %swap3A_521 {add = true, strides = array<i32>} : memref<200x128xf32, #tpu.memory_space<vmem>>, vector<1x16xf32>,
        %add3A_522 = arith.constant 1 : i32
        %add3A_523 = arith.addi %mul3A_380, %add3A_522 : i32
        %add3A_524 = arith.constant 1 : i32
        %add3A_525 = arith.addi %mul3A_380, %add3A_524 : i32
        %get3A_526 = arith.index_cast %add3A_525 : i32 to index
        %get3A_527 = arith.constant 48 : index
        %get3A_528 = tpu.vector_load %arg6[%get3A_526, %get3A_527] {strides = array<i32>} : memref<200x128xf32, #tpu.memory_space<vmem>>, vector<1x16xf32>,
        %get3A_529 = vector.shape_cast %get3A_528 : vector<1x16xf32> to vector<16xf32>
        %swap3A_530 = arith.index_cast %add3A_523 : i32 to index
        %swap3A_531 = arith.constant 48 : index
        %swap3A_532 = tpu.vector_load %arg9[%swap3A_530, %swap3A_531] {strides = array<i32>} : memref<200x128xf32, #tpu.memory_space<vmem>>, vector<1x16xf32>,
        %swap3A_533 = vector.shape_cast %swap3A_532 : vector<1x16xf32> to vector<16xf32>
        %swap3A_534 = vector.shape_cast %get3A_529 : vector<16xf32> to vector<1x16xf32>
        tpu.vector_store %arg9[%swap3A_530, %swap3A_531], %swap3A_534 {add = true, strides = array<i32>} : memref<200x128xf32, #tpu.memory_space<vmem>>, vector<1x16xf32>,
        %add3A_535 = arith.constant 1 : i32
        %add3A_536 = arith.addi %mul3A_380, %add3A_535 : i32
        %add3A_537 = arith.constant 1 : i32
        %add3A_538 = arith.addi %mul3A_380, %add3A_537 : i32
        %get3A_539 = arith.index_cast %add3A_538 : i32 to index
        %get3A_540 = arith.constant 64 : index
        %get3A_541 = tpu.vector_load %arg6[%get3A_539, %get3A_540] {strides = array<i32>} : memref<200x128xf32, #tpu.memory_space<vmem>>, vector<1x16xf32>,
        %get3A_542 = vector.shape_cast %get3A_541 : vector<1x16xf32> to vector<16xf32>
        %swap3A_543 = arith.index_cast %add3A_536 : i32 to index
        %swap3A_544 = arith.constant 64 : index
        %swap3A_545 = tpu.vector_load %arg9[%swap3A_543, %swap3A_544] {strides = array<i32>} : memref<200x128xf32, #tpu.memory_space<vmem>>, vector<1x16xf32>,
        %swap3A_546 = vector.shape_cast %swap3A_545 : vector<1x16xf32> to vector<16xf32>
        %swap3A_547 = vector.shape_cast %get3A_542 : vector<16xf32> to vector<1x16xf32>
        tpu.vector_store %arg9[%swap3A_543, %swap3A_544], %swap3A_547 {add = true, strides = array<i32>} : memref<200x128xf32, #tpu.memory_space<vmem>>, vector<1x16xf32>,
        %add3A_548 = arith.constant 1 : i32
        %add3A_549 = arith.addi %mul3A_380, %add3A_548 : i32
        %add3A_550 = arith.constant 1 : i32
        %add3A_551 = arith.addi %mul3A_380, %add3A_550 : i32
        %get3A_552 = arith.index_cast %add3A_551 : i32 to index
        %get3A_553 = arith.constant 80 : index
        %get3A_554 = tpu.vector_load %arg6[%get3A_552, %get3A_553] {strides = array<i32>} : memref<200x128xf32, #tpu.memory_space<vmem>>, vector<1x16xf32>,
        %get3A_555 = vector.shape_cast %get3A_554 : vector<1x16xf32> to vector<16xf32>
        %swap3A_556 = arith.index_cast %add3A_549 : i32 to index
        %swap3A_557 = arith.constant 80 : index
        %swap3A_558 = tpu.vector_load %arg9[%swap3A_556, %swap3A_557] {strides = array<i32>} : memref<200x128xf32, #tpu.memory_space<vmem>>, vector<1x16xf32>,
        %swap3A_559 = vector.shape_cast %swap3A_558 : vector<1x16xf32> to vector<16xf32>
        %swap3A_560 = vector.shape_cast %get3A_555 : vector<16xf32> to vector<1x16xf32>
        tpu.vector_store %arg9[%swap3A_556, %swap3A_557], %swap3A_560 {add = true, strides = array<i32>} : memref<200x128xf32, #tpu.memory_space<vmem>>, vector<1x16xf32>,
        %add3A_561 = arith.constant 1 : i32
        %add3A_562 = arith.addi %mul3A_380, %add3A_561 : i32
        %add3A_563 = arith.constant 1 : i32
        %add3A_564 = arith.addi %mul3A_380, %add3A_563 : i32
        %get3A_565 = arith.index_cast %add3A_564 : i32 to index
        %get3A_566 = arith.constant 96 : index
        %get3A_567 = tpu.vector_load %arg6[%get3A_565, %get3A_566] {strides = array<i32>} : memref<200x128xf32, #tpu.memory_space<vmem>>, vector<1x16xf32>,
        %get3A_568 = vector.shape_cast %get3A_567 : vector<1x16xf32> to vector<16xf32>
        %swap3A_569 = arith.index_cast %add3A_562 : i32 to index
        %swap3A_570 = arith.constant 96 : index
        %swap3A_571 = tpu.vector_load %arg9[%swap3A_569, %swap3A_570] {strides = array<i32>} : memref<200x128xf32, #tpu.memory_space<vmem>>, vector<1x16xf32>,
        %swap3A_572 = vector.shape_cast %swap3A_571 : vector<1x16xf32> to vector<16xf32>
        %swap3A_573 = vector.shape_cast %get3A_568 : vector<16xf32> to vector<1x16xf32>
        tpu.vector_store %arg9[%swap3A_569, %swap3A_570], %swap3A_573 {add = true, strides = array<i32>} : memref<200x128xf32, #tpu.memory_space<vmem>>, vector<1x16xf32>,
        %add3A_574 = arith.constant 1 : i32
        %add3A_575 = arith.addi %mul3A_380, %add3A_574 : i32
        %add3A_576 = arith.constant 1 : i32
        %add3A_577 = arith.addi %mul3A_380, %add3A_576 : i32
        %get3A_578 = arith.index_cast %add3A_577 : i32 to index
        %get3A_579 = arith.constant 112 : index
        %get3A_580 = tpu.vector_load %arg6[%get3A_578, %get3A_579] {strides = array<i32>} : memref<200x128xf32, #tpu.memory_space<vmem>>, vector<1x16xf32>,
        %get3A_581 = vector.shape_cast %get3A_580 : vector<1x16xf32> to vector<16xf32>
        %swap3A_582 = arith.index_cast %add3A_575 : i32 to index
        %swap3A_583 = arith.constant 112 : index
        %swap3A_584 = tpu.vector_load %arg9[%swap3A_582, %swap3A_583] {strides = array<i32>} : memref<200x128xf32, #tpu.memory_space<vmem>>, vector<1x16xf32>,
        %swap3A_585 = vector.shape_cast %swap3A_584 : vector<1x16xf32> to vector<16xf32>
        %swap3A_586 = vector.shape_cast %get3A_581 : vector<16xf32> to vector<1x16xf32>
        tpu.vector_store %arg9[%swap3A_582, %swap3A_583], %swap3A_586 {add = true, strides = array<i32>} : memref<200x128xf32, #tpu.memory_space<vmem>>, vector<1x16xf32>,
        %add3A_587 = arith.constant 2 : i32
        %add3A_588 = arith.addi %mul3A_380, %add3A_587 : i32
        %add3A_589 = arith.constant 2 : i32
        %add3A_590 = arith.addi %mul3A_380, %add3A_589 : i32
        %get3A_591 = arith.index_cast %add3A_590 : i32 to index
        %get3A_592 = arith.constant 0 : index
        %get3A_593 = tpu.vector_load %arg6[%get3A_591, %get3A_592] {strides = array<i32>} : memref<200x128xf32, #tpu.memory_space<vmem>>, vector<1x16xf32>,
        %get3A_594 = vector.shape_cast %get3A_593 : vector<1x16xf32> to vector<16xf32>
        %swap3A_595 = arith.index_cast %add3A_588 : i32 to index
        %swap3A_596 = arith.constant 0 : index
        %swap3A_597 = tpu.vector_load %arg9[%swap3A_595, %swap3A_596] {strides = array<i32>} : memref<200x128xf32, #tpu.memory_space<vmem>>, vector<1x16xf32>,
        %swap3A_598 = vector.shape_cast %swap3A_597 : vector<1x16xf32> to vector<16xf32>
        %swap3A_599 = vector.shape_cast %get3A_594 : vector<16xf32> to vector<1x16xf32>
        tpu.vector_store %arg9[%swap3A_595, %swap3A_596], %swap3A_599 {add = true, strides = array<i32>} : memref<200x128xf32, #tpu.memory_space<vmem>>, vector<1x16xf32>,
        %add3A_600 = arith.constant 2 : i32
        %add3A_601 = arith.addi %mul3A_380, %add3A_600 : i32
        %add3A_602 = arith.constant 2 : i32
        %add3A_603 = arith.addi %mul3A_380, %add3A_602 : i32
        %get3A_604 = arith.index_cast %add3A_603 : i32 to index
        %get3A_605 = arith.constant 16 : index
        %get3A_606 = tpu.vector_load %arg6[%get3A_604, %get3A_605] {strides = array<i32>} : memref<200x128xf32, #tpu.memory_space<vmem>>, vector<1x16xf32>,
        %get3A_607 = vector.shape_cast %get3A_606 : vector<1x16xf32> to vector<16xf32>
        %swap3A_608 = arith.index_cast %add3A_601 : i32 to index
        %swap3A_609 = arith.constant 16 : index
        %swap3A_610 = tpu.vector_load %arg9[%swap3A_608, %swap3A_609] {strides = array<i32>} : memref<200x128xf32, #tpu.memory_space<vmem>>, vector<1x16xf32>,
        %swap3A_611 = vector.shape_cast %swap3A_610 : vector<1x16xf32> to vector<16xf32>
        %swap3A_612 = vector.shape_cast %get3A_607 : vector<16xf32> to vector<1x16xf32>
        tpu.vector_store %arg9[%swap3A_608, %swap3A_609], %swap3A_612 {add = true, strides = array<i32>} : memref<200x128xf32, #tpu.memory_space<vmem>>, vector<1x16xf32>,
        %add3A_613 = arith.constant 2 : i32
        %add3A_614 = arith.addi %mul3A_380, %add3A_613 : i32
        %add3A_615 = arith.constant 2 : i32
        %add3A_616 = arith.addi %mul3A_380, %add3A_615 : i32
        %get3A_617 = arith.index_cast %add3A_616 : i32 to index
        %get3A_618 = arith.constant 32 : index
        %get3A_619 = tpu.vector_load %arg6[%get3A_617, %get3A_618] {strides = array<i32>} : memref<200x128xf32, #tpu.memory_space<vmem>>, vector<1x16xf32>,
        %get3A_620 = vector.shape_cast %get3A_619 : vector<1x16xf32> to vector<16xf32>
        %swap3A_621 = arith.index_cast %add3A_614 : i32 to index
        %swap3A_622 = arith.constant 32 : index
        %swap3A_623 = tpu.vector_load %arg9[%swap3A_621, %swap3A_622] {strides = array<i32>} : memref<200x128xf32, #tpu.memory_space<vmem>>, vector<1x16xf32>,
        %swap3A_624 = vector.shape_cast %swap3A_623 : vector<1x16xf32> to vector<16xf32>
        %swap3A_625 = vector.shape_cast %get3A_620 : vector<16xf32> to vector<1x16xf32>
        tpu.vector_store %arg9[%swap3A_621, %swap3A_622], %swap3A_625 {add = true, strides = array<i32>} : memref<200x128xf32, #tpu.memory_space<vmem>>, vector<1x16xf32>,
        %add3A_626 = arith.constant 2 : i32
        %add3A_627 = arith.addi %mul3A_380, %add3A_626 : i32
        %add3A_628 = arith.constant 2 : i32
        %add3A_629 = arith.addi %mul3A_380, %add3A_628 : i32
        %get3A_630 = arith.index_cast %add3A_629 : i32 to index
        %get3A_631 = arith.constant 48 : index
        %get3A_632 = tpu.vector_load %arg6[%get3A_630, %get3A_631] {strides = array<i32>} : memref<200x128xf32, #tpu.memory_space<vmem>>, vector<1x16xf32>,
        %get3A_633 = vector.shape_cast %get3A_632 : vector<1x16xf32> to vector<16xf32>
        %swap3A_634 = arith.index_cast %add3A_627 : i32 to index
        %swap3A_635 = arith.constant 48 : index
        %swap3A_636 = tpu.vector_load %arg9[%swap3A_634, %swap3A_635] {strides = array<i32>} : memref<200x128xf32, #tpu.memory_space<vmem>>, vector<1x16xf32>,
        %swap3A_637 = vector.shape_cast %swap3A_636 : vector<1x16xf32> to vector<16xf32>
        %swap3A_638 = vector.shape_cast %get3A_633 : vector<16xf32> to vector<1x16xf32>
        tpu.vector_store %arg9[%swap3A_634, %swap3A_635], %swap3A_638 {add = true, strides = array<i32>} : memref<200x128xf32, #tpu.memory_space<vmem>>, vector<1x16xf32>,
        %add3A_639 = arith.constant 2 : i32
        %add3A_640 = arith.addi %mul3A_380, %add3A_639 : i32
        %add3A_641 = arith.constant 2 : i32
        %add3A_642 = arith.addi %mul3A_380, %add3A_641 : i32
        %get3A_643 = arith.index_cast %add3A_642 : i32 to index
        %get3A_644 = arith.constant 64 : index
        %get3A_645 = tpu.vector_load %arg6[%get3A_643, %get3A_644] {strides = array<i32>} : memref<200x128xf32, #tpu.memory_space<vmem>>, vector<1x16xf32>,
        %get3A_646 = vector.shape_cast %get3A_645 : vector<1x16xf32> to vector<16xf32>
        %swap3A_647 = arith.index_cast %add3A_640 : i32 to index
        %swap3A_648 = arith.constant 64 : index
        %swap3A_649 = tpu.vector_load %arg9[%swap3A_647, %swap3A_648] {strides = array<i32>} : memref<200x128xf32, #tpu.memory_space<vmem>>, vector<1x16xf32>,
        %swap3A_650 = vector.shape_cast %swap3A_649 : vector<1x16xf32> to vector<16xf32>
        %swap3A_651 = vector.shape_cast %get3A_646 : vector<16xf32> to vector<1x16xf32>
        tpu.vector_store %arg9[%swap3A_647, %swap3A_648], %swap3A_651 {add = true, strides = array<i32>} : memref<200x128xf32, #tpu.memory_space<vmem>>, vector<1x16xf32>,
        %add3A_652 = arith.constant 2 : i32
        %add3A_653 = arith.addi %mul3A_380, %add3A_652 : i32
        %add3A_654 = arith.constant 2 : i32
        %add3A_655 = arith.addi %mul3A_380, %add3A_654 : i32
        %get3A_656 = arith.index_cast %add3A_655 : i32 to index
        %get3A_657 = arith.constant 80 : index
        %get3A_658 = tpu.vector_load %arg6[%get3A_656, %get3A_657] {strides = array<i32>} : memref<200x128xf32, #tpu.memory_space<vmem>>, vector<1x16xf32>,
        %get3A_659 = vector.shape_cast %get3A_658 : vector<1x16xf32> to vector<16xf32>
        %swap3A_660 = arith.index_cast %add3A_653 : i32 to index
        %swap3A_661 = arith.constant 80 : index
        %swap3A_662 = tpu.vector_load %arg9[%swap3A_660, %swap3A_661] {strides = array<i32>} : memref<200x128xf32, #tpu.memory_space<vmem>>, vector<1x16xf32>,
        %swap3A_663 = vector.shape_cast %swap3A_662 : vector<1x16xf32> to vector<16xf32>
        %swap3A_664 = vector.shape_cast %get3A_659 : vector<16xf32> to vector<1x16xf32>
        tpu.vector_store %arg9[%swap3A_660, %swap3A_661], %swap3A_664 {add = true, strides = array<i32>} : memref<200x128xf32, #tpu.memory_space<vmem>>, vector<1x16xf32>,
        %add3A_665 = arith.constant 2 : i32
        %add3A_666 = arith.addi %mul3A_380, %add3A_665 : i32
        %add3A_667 = arith.constant 2 : i32
        %add3A_668 = arith.addi %mul3A_380, %add3A_667 : i32
        %get3A_669 = arith.index_cast %add3A_668 : i32 to index
        %get3A_670 = arith.constant 96 : index
        %get3A_671 = tpu.vector_load %arg6[%get3A_669, %get3A_670] {strides = array<i32>} : memref<200x128xf32, #tpu.memory_space<vmem>>, vector<1x16xf32>,
        %get3A_672 = vector.shape_cast %get3A_671 : vector<1x16xf32> to vector<16xf32>
        %swap3A_673 = arith.index_cast %add3A_666 : i32 to index
        %swap3A_674 = arith.constant 96 : index
        %swap3A_675 = tpu.vector_load %arg9[%swap3A_673, %swap3A_674] {strides = array<i32>} : memref<200x128xf32, #tpu.memory_space<vmem>>, vector<1x16xf32>,
        %swap3A_676 = vector.shape_cast %swap3A_675 : vector<1x16xf32> to vector<16xf32>
        %swap3A_677 = vector.shape_cast %get3A_672 : vector<16xf32> to vector<1x16xf32>
        tpu.vector_store %arg9[%swap3A_673, %swap3A_674], %swap3A_677 {add = true, strides = array<i32>} : memref<200x128xf32, #tpu.memory_space<vmem>>, vector<1x16xf32>,
        %add3A_678 = arith.constant 2 : i32
        %add3A_679 = arith.addi %mul3A_380, %add3A_678 : i32
        %add3A_680 = arith.constant 2 : i32
        %add3A_681 = arith.addi %mul3A_380, %add3A_680 : i32
        %get3A_682 = arith.index_cast %add3A_681 : i32 to index
        %get3A_683 = arith.constant 112 : index
        %get3A_684 = tpu.vector_load %arg6[%get3A_682, %get3A_683] {strides = array<i32>} : memref<200x128xf32, #tpu.memory_space<vmem>>, vector<1x16xf32>,
        %get3A_685 = vector.shape_cast %get3A_684 : vector<1x16xf32> to vector<16xf32>
        %swap3A_686 = arith.index_cast %add3A_679 : i32 to index
        %swap3A_687 = arith.constant 112 : index
        %swap3A_688 = tpu.vector_load %arg9[%swap3A_686, %swap3A_687] {strides = array<i32>} : memref<200x128xf32, #tpu.memory_space<vmem>>, vector<1x16xf32>,
        %swap3A_689 = vector.shape_cast %swap3A_688 : vector<1x16xf32> to vector<16xf32>
        %swap3A_690 = vector.shape_cast %get3A_685 : vector<16xf32> to vector<1x16xf32>
        tpu.vector_store %arg9[%swap3A_686, %swap3A_687], %swap3A_690 {add = true, strides = array<i32>} : memref<200x128xf32, #tpu.memory_space<vmem>>, vector<1x16xf32>,
        %add3A_691 = arith.constant 3 : i32
        %add3A_692 = arith.addi %mul3A_380, %add3A_691 : i32
        %add3A_693 = arith.constant 3 : i32
        %add3A_694 = arith.addi %mul3A_380, %add3A_693 : i32
        %get3A_695 = arith.index_cast %add3A_694 : i32 to index
        %get3A_696 = arith.constant 0 : index
        %get3A_697 = tpu.vector_load %arg6[%get3A_695, %get3A_696] {strides = array<i32>} : memref<200x128xf32, #tpu.memory_space<vmem>>, vector<1x16xf32>,
        %get3A_698 = vector.shape_cast %get3A_697 : vector<1x16xf32> to vector<16xf32>
        %swap3A_699 = arith.index_cast %add3A_692 : i32 to index
        %swap3A_700 = arith.constant 0 : index
        %swap3A_701 = tpu.vector_load %arg9[%swap3A_699, %swap3A_700] {strides = array<i32>} : memref<200x128xf32, #tpu.memory_space<vmem>>, vector<1x16xf32>,
        %swap3A_702 = vector.shape_cast %swap3A_701 : vector<1x16xf32> to vector<16xf32>
        %swap3A_703 = vector.shape_cast %get3A_698 : vector<16xf32> to vector<1x16xf32>
        tpu.vector_store %arg9[%swap3A_699, %swap3A_700], %swap3A_703 {add = true, strides = array<i32>} : memref<200x128xf32, #tpu.memory_space<vmem>>, vector<1x16xf32>,
        %add3A_704 = arith.constant 3 : i32
        %add3A_705 = arith.addi %mul3A_380, %add3A_704 : i32
        %add3A_706 = arith.constant 3 : i32
        %add3A_707 = arith.addi %mul3A_380, %add3A_706 : i32
        %get3A_708 = arith.index_cast %add3A_707 : i32 to index
        %get3A_709 = arith.constant 16 : index
        %get3A_710 = tpu.vector_load %arg6[%get3A_708, %get3A_709] {strides = array<i32>} : memref<200x128xf32, #tpu.memory_space<vmem>>, vector<1x16xf32>,
        %get3A_711 = vector.shape_cast %get3A_710 : vector<1x16xf32> to vector<16xf32>
        %swap3A_712 = arith.index_cast %add3A_705 : i32 to index
        %swap3A_713 = arith.constant 16 : index
        %swap3A_714 = tpu.vector_load %arg9[%swap3A_712, %swap3A_713] {strides = array<i32>} : memref<200x128xf32, #tpu.memory_space<vmem>>, vector<1x16xf32>,
        %swap3A_715 = vector.shape_cast %swap3A_714 : vector<1x16xf32> to vector<16xf32>
        %swap3A_716 = vector.shape_cast %get3A_711 : vector<16xf32> to vector<1x16xf32>
        tpu.vector_store %arg9[%swap3A_712, %swap3A_713], %swap3A_716 {add = true, strides = array<i32>} : memref<200x128xf32, #tpu.memory_space<vmem>>, vector<1x16xf32>,
        %add3A_717 = arith.constant 3 : i32
        %add3A_718 = arith.addi %mul3A_380, %add3A_717 : i32
        %add3A_719 = arith.constant 3 : i32
        %add3A_720 = arith.addi %mul3A_380, %add3A_719 : i32
        %get3A_721 = arith.index_cast %add3A_720 : i32 to index
        %get3A_722 = arith.constant 32 : index
        %get3A_723 = tpu.vector_load %arg6[%get3A_721, %get3A_722] {strides = array<i32>} : memref<200x128xf32, #tpu.memory_space<vmem>>, vector<1x16xf32>,
        %get3A_724 = vector.shape_cast %get3A_723 : vector<1x16xf32> to vector<16xf32>
        %swap3A_725 = arith.index_cast %add3A_718 : i32 to index
        %swap3A_726 = arith.constant 32 : index
        %swap3A_727 = tpu.vector_load %arg9[%swap3A_725, %swap3A_726] {strides = array<i32>} : memref<200x128xf32, #tpu.memory_space<vmem>>, vector<1x16xf32>,
        %swap3A_728 = vector.shape_cast %swap3A_727 : vector<1x16xf32> to vector<16xf32>
        %swap3A_729 = vector.shape_cast %get3A_724 : vector<16xf32> to vector<1x16xf32>
        tpu.vector_store %arg9[%swap3A_725, %swap3A_726], %swap3A_729 {add = true, strides = array<i32>} : memref<200x128xf32, #tpu.memory_space<vmem>>, vector<1x16xf32>,
        %add3A_730 = arith.constant 3 : i32
        %add3A_731 = arith.addi %mul3A_380, %add3A_730 : i32
        %add3A_732 = arith.constant 3 : i32
        %add3A_733 = arith.addi %mul3A_380, %add3A_732 : i32
        %get3A_734 = arith.index_cast %add3A_733 : i32 to index
        %get3A_735 = arith.constant 48 : index
        %get3A_736 = tpu.vector_load %arg6[%get3A_734, %get3A_735] {strides = array<i32>} : memref<200x128xf32, #tpu.memory_space<vmem>>, vector<1x16xf32>,
        %get3A_737 = vector.shape_cast %get3A_736 : vector<1x16xf32> to vector<16xf32>
        %swap3A_738 = arith.index_cast %add3A_731 : i32 to index
        %swap3A_739 = arith.constant 48 : index
        %swap3A_740 = tpu.vector_load %arg9[%swap3A_738, %swap3A_739] {strides = array<i32>} : memref<200x128xf32, #tpu.memory_space<vmem>>, vector<1x16xf32>,
        %swap3A_741 = vector.shape_cast %swap3A_740 : vector<1x16xf32> to vector<16xf32>
        %swap3A_742 = vector.shape_cast %get3A_737 : vector<16xf32> to vector<1x16xf32>
        tpu.vector_store %arg9[%swap3A_738, %swap3A_739], %swap3A_742 {add = true, strides = array<i32>} : memref<200x128xf32, #tpu.memory_space<vmem>>, vector<1x16xf32>,
        %add3A_743 = arith.constant 3 : i32
        %add3A_744 = arith.addi %mul3A_380, %add3A_743 : i32
        %add3A_745 = arith.constant 3 : i32
        %add3A_746 = arith.addi %mul3A_380, %add3A_745 : i32
        %get3A_747 = arith.index_cast %add3A_746 : i32 to index
        %get3A_748 = arith.constant 64 : index
        %get3A_749 = tpu.vector_load %arg6[%get3A_747, %get3A_748] {strides = array<i32>} : memref<200x128xf32, #tpu.memory_space<vmem>>, vector<1x16xf32>,
        %get3A_750 = vector.shape_cast %get3A_749 : vector<1x16xf32> to vector<16xf32>
        %swap3A_751 = arith.index_cast %add3A_744 : i32 to index
        %swap3A_752 = arith.constant 64 : index
        %swap3A_753 = tpu.vector_load %arg9[%swap3A_751, %swap3A_752] {strides = array<i32>} : memref<200x128xf32, #tpu.memory_space<vmem>>, vector<1x16xf32>,
        %swap3A_754 = vector.shape_cast %swap3A_753 : vector<1x16xf32> to vector<16xf32>
        %swap3A_755 = vector.shape_cast %get3A_750 : vector<16xf32> to vector<1x16xf32>
        tpu.vector_store %arg9[%swap3A_751, %swap3A_752], %swap3A_755 {add = true, strides = array<i32>} : memref<200x128xf32, #tpu.memory_space<vmem>>, vector<1x16xf32>,
        %add3A_756 = arith.constant 3 : i32
        %add3A_757 = arith.addi %mul3A_380, %add3A_756 : i32
        %add3A_758 = arith.constant 3 : i32
        %add3A_759 = arith.addi %mul3A_380, %add3A_758 : i32
        %get3A_760 = arith.index_cast %add3A_759 : i32 to index
        %get3A_761 = arith.constant 80 : index
        %get3A_762 = tpu.vector_load %arg6[%get3A_760, %get3A_761] {strides = array<i32>} : memref<200x128xf32, #tpu.memory_space<vmem>>, vector<1x16xf32>,
        %get3A_763 = vector.shape_cast %get3A_762 : vector<1x16xf32> to vector<16xf32>
        %swap3A_764 = arith.index_cast %add3A_757 : i32 to index
        %swap3A_765 = arith.constant 80 : index
        %swap3A_766 = tpu.vector_load %arg9[%swap3A_764, %swap3A_765] {strides = array<i32>} : memref<200x128xf32, #tpu.memory_space<vmem>>, vector<1x16xf32>,
        %swap3A_767 = vector.shape_cast %swap3A_766 : vector<1x16xf32> to vector<16xf32>
        %swap3A_768 = vector.shape_cast %get3A_763 : vector<16xf32> to vector<1x16xf32>
        tpu.vector_store %arg9[%swap3A_764, %swap3A_765], %swap3A_768 {add = true, strides = array<i32>} : memref<200x128xf32, #tpu.memory_space<vmem>>, vector<1x16xf32>,
        %add3A_769 = arith.constant 3 : i32
        %add3A_770 = arith.addi %mul3A_380, %add3A_769 : i32
        %add3A_771 = arith.constant 3 : i32
        %add3A_772 = arith.addi %mul3A_380, %add3A_771 : i32
        %get3A_773 = arith.index_cast %add3A_772 : i32 to index
        %get3A_774 = arith.constant 96 : index
        %get3A_775 = tpu.vector_load %arg6[%get3A_773, %get3A_774] {strides = array<i32>} : memref<200x128xf32, #tpu.memory_space<vmem>>, vector<1x16xf32>,
        %get3A_776 = vector.shape_cast %get3A_775 : vector<1x16xf32> to vector<16xf32>
        %swap3A_777 = arith.index_cast %add3A_770 : i32 to index
        %swap3A_778 = arith.constant 96 : index
        %swap3A_779 = tpu.vector_load %arg9[%swap3A_777, %swap3A_778] {strides = array<i32>} : memref<200x128xf32, #tpu.memory_space<vmem>>, vector<1x16xf32>,
        %swap3A_780 = vector.shape_cast %swap3A_779 : vector<1x16xf32> to vector<16xf32>
        %swap3A_781 = vector.shape_cast %get3A_776 : vector<16xf32> to vector<1x16xf32>
        tpu.vector_store %arg9[%swap3A_777, %swap3A_778], %swap3A_781 {add = true, strides = array<i32>} : memref<200x128xf32, #tpu.memory_space<vmem>>, vector<1x16xf32>,
        %add3A_782 = arith.constant 3 : i32
        %add3A_783 = arith.addi %mul3A_380, %add3A_782 : i32
        %add3A_784 = arith.constant 3 : i32
        %add3A_785 = arith.addi %mul3A_380, %add3A_784 : i32
        %get3A_786 = arith.index_cast %add3A_785 : i32 to index
        %get3A_787 = arith.constant 112 : index
        %get3A_788 = tpu.vector_load %arg6[%get3A_786, %get3A_787] {strides = array<i32>} : memref<200x128xf32, #tpu.memory_space<vmem>>, vector<1x16xf32>,
        %get3A_789 = vector.shape_cast %get3A_788 : vector<1x16xf32> to vector<16xf32>
        %swap3A_790 = arith.index_cast %add3A_783 : i32 to index
        %swap3A_791 = arith.constant 112 : index
        %swap3A_792 = tpu.vector_load %arg9[%swap3A_790, %swap3A_791] {strides = array<i32>} : memref<200x128xf32, #tpu.memory_space<vmem>>, vector<1x16xf32>,
        %swap3A_793 = vector.shape_cast %swap3A_792 : vector<1x16xf32> to vector<16xf32>
        %swap3A_794 = vector.shape_cast %get3A_789 : vector<16xf32> to vector<1x16xf32>
        tpu.vector_store %arg9[%swap3A_790, %swap3A_791], %swap3A_794 {add = true, strides = array<i32>} : memref<200x128xf32, #tpu.memory_space<vmem>>, vector<1x16xf32>,
      }
      %scan3A_260 = arith.constant 50 : i32
      %add3A_261 = arith.addi %mul3A_2, %add3A_219 : i32
      %dma_start3A_262 = arith.constant 0 : i32
      %dma_start3A_263 = arith.constant 0 : i32
      %dma_start3A_264 = tpu.memref_slice %arg5[%add3A_261, %dma_start3A_262, %dma_start3A_263] : memref<1024x200x128xf32, #tpu.memory_space<hbm>> -> memref<1x200x128xf32, #tpu.memory_space<hbm>>
      %dma_start3A_265 = tpu.memref_squeeze %dma_start3A_264 : memref<1x200x128xf32, #tpu.memory_space<hbm>> -> memref<200x128xf32, #tpu.memory_space<hbm>>
      %dma_start3A_266 = arith.constant 0 : i32
      %dma_start3A_267 = arith.constant 0 : i32
      %dma_start3A_268 = tpu.memref_slice %arg5[%add3A_261, %dma_start3A_266, %dma_start3A_267] : memref<1024x200x128xf32, #tpu.memory_space<hbm>> -> memref<1x200x128xf32, #tpu.memory_space<hbm>>
      %dma_start3A_269 = tpu.memref_squeeze %dma_start3A_268 : memref<1x200x128xf32, #tpu.memory_space<hbm>> -> memref<200x128xf32, #tpu.memory_space<hbm>>
      tpu.enqueue_dma source(%arg9 : memref<200x128xf32, #tpu.memory_space<vmem>>) target(%dma_start3A_269 : memref<200x128xf32, #tpu.memory_space<hbm>>) target_semaphore(%arg17 : memref<!tpu.dma_semaphore, #tpu.memory_space<semaphore_mem>>)
      %mul3A_270 = arith.constant 4 : i32
      %mul3A_271 = arith.muli %mul3A_270, %scan3A_164 : i32
      %add3A_272 = arith.constant 2 : i32
      %add3A_273 = arith.addi %mul3A_271, %add3A_272 : i32
      %add3A_274 = arith.constant 3 : i32
      %add3A_275 = arith.addi %add3A_273, %add3A_274 : i32
      %lt3A_276 = arith.constant 32 : i32
      %lt3A_277 = arith.cmpi slt, %add3A_275, %lt3A_276 : i32
      %convert_element_type3A_278 = arith.extui %lt3A_277 : i1 to i32
      %cond3A_279 = arith.constant 0 : i32
      %cond3A_280 = arith.cmpi ne, %convert_element_type3A_278, %cond3A_279 : i32
      scf.if %cond3A_280 {
        %add3A_378 = arith.constant 3 : i32
        %add3A_379 = arith.addi %add3A_273, %add3A_378 : i32
        %add3A_380 = arith.addi %mul3A_2, %add3A_379 : i32
        %dma_start3A_381 = arith.constant 1 : i32
        %dma_start3A_382 = arith.constant 0 : i32
        %dma_start3A_383 = arith.constant 0 : i32
        %dma_start3A_384 = tpu.memref_slice %arg7[%dma_start3A_381, %dma_start3A_382, %dma_start3A_383] : memref<4x2x100xi32, #tpu.memory_space<vmem>> -> memref<1x2x100xi32, #tpu.memory_space<vmem>>
        %dma_start3A_385 = tpu.memref_squeeze %dma_start3A_384 : memref<1x2x100xi32, #tpu.memory_space<vmem>> -> memref<2x100xi32, #tpu.memory_space<vmem>>
        %dma_start3A_386 = arith.constant 0 : i32
        %dma_start3A_387 = arith.constant 0 : i32
        %dma_start3A_388 = tpu.memref_slice %arg2[%add3A_380, %dma_start3A_386, %dma_start3A_387] : memref<1024x2x100xi32, #tpu.memory_space<hbm>> -> memref<1x2x100xi32, #tpu.memory_space<hbm>>
        %dma_start3A_389 = tpu.memref_squeeze %dma_start3A_388 : memref<1x2x100xi32, #tpu.memory_space<hbm>> -> memref<2x100xi32, #tpu.memory_space<hbm>>
        %dma_start3A_390 = arith.constant 0 : i32
        %dma_start3A_391 = arith.constant 0 : i32
        %dma_start3A_392 = tpu.memref_slice %arg7[%dma_start3A_381, %dma_start3A_390, %dma_start3A_391] : memref<4x2x100xi32, #tpu.memory_space<vmem>> -> memref<1x2x100xi32, #tpu.memory_space<vmem>>
        %dma_start3A_393 = tpu.memref_squeeze %dma_start3A_392 : memref<1x2x100xi32, #tpu.memory_space<vmem>> -> memref<2x100xi32, #tpu.memory_space<vmem>>
        %dma_start3A_394 = arith.constant 0 : i32
        %dma_start3A_395 = arith.constant 0 : i32
        %dma_start3A_396 = tpu.memref_slice %arg2[%add3A_380, %dma_start3A_394, %dma_start3A_395] : memref<1024x2x100xi32, #tpu.memory_space<hbm>> -> memref<1x2x100xi32, #tpu.memory_space<hbm>>
        %dma_start3A_397 = tpu.memref_squeeze %dma_start3A_396 : memref<1x2x100xi32, #tpu.memory_space<hbm>> -> memref<2x100xi32, #tpu.memory_space<hbm>>
        tpu.enqueue_dma source(%dma_start3A_397 : memref<2x100xi32, #tpu.memory_space<hbm>>) target(%dma_start3A_393 : memref<2x100xi32, #tpu.memory_space<vmem>>) target_semaphore(%arg21 : memref<!tpu.dma_semaphore, #tpu.memory_space<semaphore_mem>>)
      } else {
      }
      %add3A_281 = arith.constant 2 : i32
      %add3A_282 = arith.addi %add3A_273, %add3A_281 : i32
      %lt3A_283 = arith.constant 32 : i32
      %lt3A_284 = arith.cmpi slt, %add3A_282, %lt3A_283 : i32
      %convert_element_type3A_285 = arith.extui %lt3A_284 : i1 to i32
      %cond3A_286 = arith.constant 0 : i32
      %cond3A_287 = arith.cmpi ne, %convert_element_type3A_285, %cond3A_286 : i32
      scf.if %cond3A_287 {
        %ge3A = arith.constant 2 : i32
        %ge3A_378 = arith.cmpi sge, %add3A_273, %ge3A : i32
        %convert_element_type3A_379 = arith.extui %ge3A_378 : i1 to i32
        %cond3A_380 = arith.constant 0 : i32
        %cond3A_381 = arith.cmpi ne, %convert_element_type3A_379, %cond3A_380 : i32
        scf.if %cond3A_381 {
          %sub3A = arith.constant 2 : i32
          %sub3A_426 = arith.subi %add3A_273, %sub3A : i32
          %add3A_427 = arith.addi %mul3A_2, %sub3A_426 : i32
          %dma_wait3A_428 = arith.constant 0 : i32
          %dma_wait3A_429 = arith.constant 0 : i32
          %dma_wait3A_430 = tpu.memref_slice %arg5[%add3A_427, %dma_wait3A_428, %dma_wait3A_429] : memref<1024x200x128xf32, #tpu.memory_space<hbm>> -> memref<1x200x128xf32, #tpu.memory_space<hbm>>
          %dma_wait3A_431 = tpu.memref_squeeze %dma_wait3A_430 : memref<1x200x128xf32, #tpu.memory_space<hbm>> -> memref<200x128xf32, #tpu.memory_space<hbm>>
          %dma_wait3A_432 = arith.constant 0 : i32
          %dma_wait3A_433 = arith.constant 0 : i32
          %dma_wait3A_434 = tpu.memref_slice %arg5[%add3A_427, %dma_wait3A_432, %dma_wait3A_433] : memref<1024x200x128xf32, #tpu.memory_space<hbm>> -> memref<1x200x128xf32, #tpu.memory_space<hbm>>
          %dma_wait3A_435 = tpu.memref_squeeze %dma_wait3A_434 : memref<1x200x128xf32, #tpu.memory_space<hbm>> -> memref<200x128xf32, #tpu.memory_space<hbm>>
          tpu.wait_dma2 semaphore(%arg16 : memref<!tpu.dma_semaphore, #tpu.memory_space<semaphore_mem>>) src(%arg8 : memref<200x128xf32, #tpu.memory_space<vmem>>) dst(%dma_wait3A_435 : memref<200x128xf32, #tpu.memory_space<hbm>>)
        } else {
        }
        %add3A_382 = arith.constant 2 : i32
        %add3A_383 = arith.addi %add3A_273, %add3A_382 : i32
        %add3A_384 = arith.addi %mul3A_2, %add3A_383 : i32
        %dma_wait3A_385 = arith.constant 0 : i32
        %dma_wait3A_386 = arith.constant 0 : i32
        %dma_wait3A_387 = arith.constant 0 : i32
        %dma_wait3A_388 = tpu.memref_slice %arg7[%dma_wait3A_385, %dma_wait3A_386, %dma_wait3A_387] : memref<4x2x100xi32, #tpu.memory_space<vmem>> -> memref<1x2x100xi32, #tpu.memory_space<vmem>>
        %dma_wait3A_389 = tpu.memref_squeeze %dma_wait3A_388 : memref<1x2x100xi32, #tpu.memory_space<vmem>> -> memref<2x100xi32, #tpu.memory_space<vmem>>
        %dma_wait3A_390 = arith.constant 0 : i32
        %dma_wait3A_391 = arith.constant 0 : i32
        %dma_wait3A_392 = tpu.memref_slice %arg2[%add3A_384, %dma_wait3A_390, %dma_wait3A_391] : memref<1024x2x100xi32, #tpu.memory_space<hbm>> -> memref<1x2x100xi32, #tpu.memory_space<hbm>>
        %dma_wait3A_393 = tpu.memref_squeeze %dma_wait3A_392 : memref<1x2x100xi32, #tpu.memory_space<hbm>> -> memref<2x100xi32, #tpu.memory_space<hbm>>
        %dma_wait3A_394 = arith.constant 0 : i32
        %dma_wait3A_395 = arith.constant 0 : i32
        %dma_wait3A_396 = tpu.memref_slice %arg7[%dma_wait3A_385, %dma_wait3A_394, %dma_wait3A_395] : memref<4x2x100xi32, #tpu.memory_space<vmem>> -> memref<1x2x100xi32, #tpu.memory_space<vmem>>
        %dma_wait3A_397 = tpu.memref_squeeze %dma_wait3A_396 : memref<1x2x100xi32, #tpu.memory_space<vmem>> -> memref<2x100xi32, #tpu.memory_space<vmem>>
        %dma_wait3A_398 = arith.constant 0 : i32
        %dma_wait3A_399 = arith.constant 0 : i32
        %dma_wait3A_400 = tpu.memref_slice %arg2[%add3A_384, %dma_wait3A_398, %dma_wait3A_399] : memref<1024x2x100xi32, #tpu.memory_space<hbm>> -> memref<1x2x100xi32, #tpu.memory_space<hbm>>
        %dma_wait3A_401 = tpu.memref_squeeze %dma_wait3A_400 : memref<1x2x100xi32, #tpu.memory_space<hbm>> -> memref<2x100xi32, #tpu.memory_space<hbm>>
        tpu.wait_dma2 semaphore(%arg20 : memref<!tpu.dma_semaphore, #tpu.memory_space<semaphore_mem>>) src(%dma_wait3A_401 : memref<2x100xi32, #tpu.memory_space<hbm>>) dst(%dma_wait3A_397 : memref<2x100xi32, #tpu.memory_space<vmem>>)
        %add3A_402 = arith.constant 2 : i32
        %add3A_403 = arith.addi %add3A_273, %add3A_402 : i32
        %dma_start3A_404 = arith.constant 0 : i32
        %dma_start3A_405 = arith.constant 0 : i32
        %dma_start3A_406 = arith.constant 0 : i32
        %dma_start3A_407 = arith.constant 0 : i32
        %dma_start3A_408 = tpu.memref_slice %arg8[%dma_start3A_406, %dma_start3A_407] : memref<200x128xf32, #tpu.memory_space<vmem>> -> memref<100x128xf32, #tpu.memory_space<vmem>>
        %dma_start3A_409 = arith.constant 0 : i32
        %dma_start3A_410 = tpu.memref_slice %arg7[%dma_start3A_404, %dma_start3A_405, %dma_start3A_409] : memref<4x2x100xi32, #tpu.memory_space<vmem>> -> memref<1x1x100xi32, #tpu.memory_space<vmem>>
        %dma_start3A_411 = tpu.memref_squeeze %dma_start3A_410 : memref<1x1x100xi32, #tpu.memory_space<vmem>> -> memref<100xi32, #tpu.memory_space<vmem>>
        %dma_start3A_412 = arith.constant 0 : i32
        %dma_start3A_413 = arith.constant 0 : i32
        %dma_start3A_414 = tpu.memref_slice %arg4[%dma_start3A_412, %dma_start3A_413] : memref<100000x128xf32, #tpu.memory_space<hbm>> -> memref<100000x128xf32, #tpu.memory_space<hbm>>
        tpu.enqueue_indirect_dma source(%dma_start3A_414 : memref<100000x128xf32, #tpu.memory_space<hbm>>) target(%dma_start3A_408 : memref<100x128xf32, #tpu.memory_space<vmem>>) offsets(%dma_start3A_411 : memref<100xi32, #tpu.memory_space<vmem>>) semaphore(%arg12 : memref<!tpu.dma_semaphore, #tpu.memory_space<semaphore_mem>>)
        %dma_start3A_415 = arith.constant 0 : i32
        %dma_start3A_416 = arith.constant 1 : i32
        %dma_start3A_417 = arith.constant 100 : i32
        %dma_start3A_418 = arith.constant 0 : i32
        %dma_start3A_419 = tpu.memref_slice %arg8[%dma_start3A_417, %dma_start3A_418] : memref<200x128xf32, #tpu.memory_space<vmem>> -> memref<100x128xf32, #tpu.memory_space<vmem>>
        %dma_start3A_420 = arith.constant 0 : i32
        %dma_start3A_421 = tpu.memref_slice %arg7[%dma_start3A_415, %dma_start3A_416, %dma_start3A_420] : memref<4x2x100xi32, #tpu.memory_space<vmem>> -> memref<1x1x100xi32, #tpu.memory_space<vmem>>
        %dma_start3A_422 = tpu.memref_squeeze %dma_start3A_421 : memref<1x1x100xi32, #tpu.memory_space<vmem>> -> memref<100xi32, #tpu.memory_space<vmem>>
        %dma_start3A_423 = arith.constant 0 : i32
        %dma_start3A_424 = arith.constant 0 : i32
        %dma_start3A_425 = tpu.memref_slice %arg4[%dma_start3A_423, %dma_start3A_424] : memref<100000x128xf32, #tpu.memory_space<hbm>> -> memref<100000x128xf32, #tpu.memory_space<hbm>>
        tpu.enqueue_indirect_dma source(%dma_start3A_425 : memref<100000x128xf32, #tpu.memory_space<hbm>>) target(%dma_start3A_419 : memref<100x128xf32, #tpu.memory_space<vmem>>) offsets(%dma_start3A_422 : memref<100xi32, #tpu.memory_space<vmem>>) semaphore(%arg12 : memref<!tpu.dma_semaphore, #tpu.memory_space<semaphore_mem>>)
      } else {
      }
      %dma_wait3A_288 = arith.constant 2 : i32
      %dma_wait3A_289 = arith.constant 0 : i32
      %dma_wait3A_290 = arith.constant 0 : i32
      %dma_wait3A_291 = arith.constant 0 : i32
      %dma_wait3A_292 = tpu.memref_slice %arg10[%dma_wait3A_290, %dma_wait3A_291] : memref<200x128xf32, #tpu.memory_space<vmem>> -> memref<100x128xf32, #tpu.memory_space<vmem>>
      %dma_wait3A_293 = arith.constant 0 : i32
      %dma_wait3A_294 = tpu.memref_slice %arg7[%dma_wait3A_288, %dma_wait3A_289, %dma_wait3A_293] : memref<4x2x100xi32, #tpu.memory_space<vmem>> -> memref<1x1x100xi32, #tpu.memory_space<vmem>>
      %dma_wait3A_295 = tpu.memref_squeeze %dma_wait3A_294 : memref<1x1x100xi32, #tpu.memory_space<vmem>> -> memref<100xi32, #tpu.memory_space<vmem>>
      %dma_wait3A_296 = arith.constant 0 : i32
      %dma_wait3A_297 = arith.constant 0 : i32
      %dma_wait3A_298 = tpu.memref_slice %arg4[%dma_wait3A_296, %dma_wait3A_297] : memref<100000x128xf32, #tpu.memory_space<hbm>> -> memref<100000x128xf32, #tpu.memory_space<hbm>>
      tpu.wait_indirect_dma semaphore(%arg14 : memref<!tpu.dma_semaphore, #tpu.memory_space<semaphore_mem>>) src(%dma_wait3A_298 : memref<100000x128xf32, #tpu.memory_space<hbm>>) dst(%dma_wait3A_292 : memref<100x128xf32, #tpu.memory_space<vmem>>)
      %dma_wait3A_299 = arith.constant 2 : i32
      %dma_wait3A_300 = arith.constant 1 : i32
      %dma_wait3A_301 = arith.constant 100 : i32
      %dma_wait3A_302 = arith.constant 0 : i32
      %dma_wait3A_303 = tpu.memref_slice %arg10[%dma_wait3A_301, %dma_wait3A_302] : memref<200x128xf32, #tpu.memory_space<vmem>> -> memref<100x128xf32, #tpu.memory_space<vmem>>
      %dma_wait3A_304 = arith.constant 0 : i32
      %dma_wait3A_305 = tpu.memref_slice %arg7[%dma_wait3A_299, %dma_wait3A_300, %dma_wait3A_304] : memref<4x2x100xi32, #tpu.memory_space<vmem>> -> memref<1x1x100xi32, #tpu.memory_space<vmem>>
      %dma_wait3A_306 = tpu.memref_squeeze %dma_wait3A_305 : memref<1x1x100xi32, #tpu.memory_space<vmem>> -> memref<100xi32, #tpu.memory_space<vmem>>
      %dma_wait3A_307 = arith.constant 0 : i32
      %dma_wait3A_308 = arith.constant 0 : i32
      %dma_wait3A_309 = tpu.memref_slice %arg4[%dma_wait3A_307, %dma_wait3A_308] : memref<100000x128xf32, #tpu.memory_space<hbm>> -> memref<100000x128xf32, #tpu.memory_space<hbm>>
      tpu.wait_indirect_dma semaphore(%arg14 : memref<!tpu.dma_semaphore, #tpu.memory_space<semaphore_mem>>) src(%dma_wait3A_309 : memref<100000x128xf32, #tpu.memory_space<hbm>>) dst(%dma_wait3A_303 : memref<100x128xf32, #tpu.memory_space<vmem>>)
      %scan3A_310 = arith.constant 0 : i32
      %scan3A_311 = arith.constant 50 : i32
      %scan3A_312 = arith.addi %scan3A_310, %scan3A_311 : i32
      %scan3A_313 = arith.constant 1 : i32
      scf.for %scan3A_378 = %scan3A_310 to %scan3A_312 step %scan3A_313  : i32 {
        %mul3A_379 = arith.constant 4 : i32
        %mul3A_380 = arith.muli %scan3A_378, %mul3A_379 : i32
        %add3A_381 = arith.constant 0 : i32
        %add3A_382 = arith.addi %mul3A_380, %add3A_381 : i32
        %add3A_383 = arith.constant 0 : i32
        %add3A_384 = arith.addi %mul3A_380, %add3A_383 : i32
        %get3A = arith.index_cast %add3A_384 : i32 to index
        %get3A_385 = arith.constant 0 : index
        %get3A_386 = tpu.vector_load %arg6[%get3A, %get3A_385] {strides = array<i32>} : memref<200x128xf32, #tpu.memory_space<vmem>>, vector<1x16xf32>,
        %get3A_387 = vector.shape_cast %get3A_386 : vector<1x16xf32> to vector<16xf32>
        %swap3A = arith.index_cast %add3A_382 : i32 to index
        %swap3A_388 = arith.constant 0 : index
        %swap3A_389 = tpu.vector_load %arg10[%swap3A, %swap3A_388] {strides = array<i32>} : memref<200x128xf32, #tpu.memory_space<vmem>>, vector<1x16xf32>,
        %swap3A_390 = vector.shape_cast %swap3A_389 : vector<1x16xf32> to vector<16xf32>
        %swap3A_391 = vector.shape_cast %get3A_387 : vector<16xf32> to vector<1x16xf32>
        tpu.vector_store %arg10[%swap3A, %swap3A_388], %swap3A_391 {add = true, strides = array<i32>} : memref<200x128xf32, #tpu.memory_space<vmem>>, vector<1x16xf32>,
        %add3A_392 = arith.constant 0 : i32
        %add3A_393 = arith.addi %mul3A_380, %add3A_392 : i32
        %add3A_394 = arith.constant 0 : i32
        %add3A_395 = arith.addi %mul3A_380, %add3A_394 : i32
        %get3A_396 = arith.index_cast %add3A_395 : i32 to index
        %get3A_397 = arith.constant 16 : index
        %get3A_398 = tpu.vector_load %arg6[%get3A_396, %get3A_397] {strides = array<i32>} : memref<200x128xf32, #tpu.memory_space<vmem>>, vector<1x16xf32>,
        %get3A_399 = vector.shape_cast %get3A_398 : vector<1x16xf32> to vector<16xf32>
        %swap3A_400 = arith.index_cast %add3A_393 : i32 to index
        %swap3A_401 = arith.constant 16 : index
        %swap3A_402 = tpu.vector_load %arg10[%swap3A_400, %swap3A_401] {strides = array<i32>} : memref<200x128xf32, #tpu.memory_space<vmem>>, vector<1x16xf32>,
        %swap3A_403 = vector.shape_cast %swap3A_402 : vector<1x16xf32> to vector<16xf32>
        %swap3A_404 = vector.shape_cast %get3A_399 : vector<16xf32> to vector<1x16xf32>
        tpu.vector_store %arg10[%swap3A_400, %swap3A_401], %swap3A_404 {add = true, strides = array<i32>} : memref<200x128xf32, #tpu.memory_space<vmem>>, vector<1x16xf32>,
        %add3A_405 = arith.constant 0 : i32
        %add3A_406 = arith.addi %mul3A_380, %add3A_405 : i32
        %add3A_407 = arith.constant 0 : i32
        %add3A_408 = arith.addi %mul3A_380, %add3A_407 : i32
        %get3A_409 = arith.index_cast %add3A_408 : i32 to index
        %get3A_410 = arith.constant 32 : index
        %get3A_411 = tpu.vector_load %arg6[%get3A_409, %get3A_410] {strides = array<i32>} : memref<200x128xf32, #tpu.memory_space<vmem>>, vector<1x16xf32>,
        %get3A_412 = vector.shape_cast %get3A_411 : vector<1x16xf32> to vector<16xf32>
        %swap3A_413 = arith.index_cast %add3A_406 : i32 to index
        %swap3A_414 = arith.constant 32 : index
        %swap3A_415 = tpu.vector_load %arg10[%swap3A_413, %swap3A_414] {strides = array<i32>} : memref<200x128xf32, #tpu.memory_space<vmem>>, vector<1x16xf32>,
        %swap3A_416 = vector.shape_cast %swap3A_415 : vector<1x16xf32> to vector<16xf32>
        %swap3A_417 = vector.shape_cast %get3A_412 : vector<16xf32> to vector<1x16xf32>
        tpu.vector_store %arg10[%swap3A_413, %swap3A_414], %swap3A_417 {add = true, strides = array<i32>} : memref<200x128xf32, #tpu.memory_space<vmem>>, vector<1x16xf32>,
        %add3A_418 = arith.constant 0 : i32
        %add3A_419 = arith.addi %mul3A_380, %add3A_418 : i32
        %add3A_420 = arith.constant 0 : i32
        %add3A_421 = arith.addi %mul3A_380, %add3A_420 : i32
        %get3A_422 = arith.index_cast %add3A_421 : i32 to index
        %get3A_423 = arith.constant 48 : index
        %get3A_424 = tpu.vector_load %arg6[%get3A_422, %get3A_423] {strides = array<i32>} : memref<200x128xf32, #tpu.memory_space<vmem>>, vector<1x16xf32>,
        %get3A_425 = vector.shape_cast %get3A_424 : vector<1x16xf32> to vector<16xf32>
        %swap3A_426 = arith.index_cast %add3A_419 : i32 to index
        %swap3A_427 = arith.constant 48 : index
        %swap3A_428 = tpu.vector_load %arg10[%swap3A_426, %swap3A_427] {strides = array<i32>} : memref<200x128xf32, #tpu.memory_space<vmem>>, vector<1x16xf32>,
        %swap3A_429 = vector.shape_cast %swap3A_428 : vector<1x16xf32> to vector<16xf32>
        %swap3A_430 = vector.shape_cast %get3A_425 : vector<16xf32> to vector<1x16xf32>
        tpu.vector_store %arg10[%swap3A_426, %swap3A_427], %swap3A_430 {add = true, strides = array<i32>} : memref<200x128xf32, #tpu.memory_space<vmem>>, vector<1x16xf32>,
        %add3A_431 = arith.constant 0 : i32
        %add3A_432 = arith.addi %mul3A_380, %add3A_431 : i32
        %add3A_433 = arith.constant 0 : i32
        %add3A_434 = arith.addi %mul3A_380, %add3A_433 : i32
        %get3A_435 = arith.index_cast %add3A_434 : i32 to index
        %get3A_436 = arith.constant 64 : index
        %get3A_437 = tpu.vector_load %arg6[%get3A_435, %get3A_436] {strides = array<i32>} : memref<200x128xf32, #tpu.memory_space<vmem>>, vector<1x16xf32>,
        %get3A_438 = vector.shape_cast %get3A_437 : vector<1x16xf32> to vector<16xf32>
        %swap3A_439 = arith.index_cast %add3A_432 : i32 to index
        %swap3A_440 = arith.constant 64 : index
        %swap3A_441 = tpu.vector_load %arg10[%swap3A_439, %swap3A_440] {strides = array<i32>} : memref<200x128xf32, #tpu.memory_space<vmem>>, vector<1x16xf32>,
        %swap3A_442 = vector.shape_cast %swap3A_441 : vector<1x16xf32> to vector<16xf32>
        %swap3A_443 = vector.shape_cast %get3A_438 : vector<16xf32> to vector<1x16xf32>
        tpu.vector_store %arg10[%swap3A_439, %swap3A_440], %swap3A_443 {add = true, strides = array<i32>} : memref<200x128xf32, #tpu.memory_space<vmem>>, vector<1x16xf32>,
        %add3A_444 = arith.constant 0 : i32
        %add3A_445 = arith.addi %mul3A_380, %add3A_444 : i32
        %add3A_446 = arith.constant 0 : i32
        %add3A_447 = arith.addi %mul3A_380, %add3A_446 : i32
        %get3A_448 = arith.index_cast %add3A_447 : i32 to index
        %get3A_449 = arith.constant 80 : index
        %get3A_450 = tpu.vector_load %arg6[%get3A_448, %get3A_449] {strides = array<i32>} : memref<200x128xf32, #tpu.memory_space<vmem>>, vector<1x16xf32>,
        %get3A_451 = vector.shape_cast %get3A_450 : vector<1x16xf32> to vector<16xf32>
        %swap3A_452 = arith.index_cast %add3A_445 : i32 to index
        %swap3A_453 = arith.constant 80 : index
        %swap3A_454 = tpu.vector_load %arg10[%swap3A_452, %swap3A_453] {strides = array<i32>} : memref<200x128xf32, #tpu.memory_space<vmem>>, vector<1x16xf32>,
        %swap3A_455 = vector.shape_cast %swap3A_454 : vector<1x16xf32> to vector<16xf32>
        %swap3A_456 = vector.shape_cast %get3A_451 : vector<16xf32> to vector<1x16xf32>
        tpu.vector_store %arg10[%swap3A_452, %swap3A_453], %swap3A_456 {add = true, strides = array<i32>} : memref<200x128xf32, #tpu.memory_space<vmem>>, vector<1x16xf32>,
        %add3A_457 = arith.constant 0 : i32
        %add3A_458 = arith.addi %mul3A_380, %add3A_457 : i32
        %add3A_459 = arith.constant 0 : i32
        %add3A_460 = arith.addi %mul3A_380, %add3A_459 : i32
        %get3A_461 = arith.index_cast %add3A_460 : i32 to index
        %get3A_462 = arith.constant 96 : index
        %get3A_463 = tpu.vector_load %arg6[%get3A_461, %get3A_462] {strides = array<i32>} : memref<200x128xf32, #tpu.memory_space<vmem>>, vector<1x16xf32>,
        %get3A_464 = vector.shape_cast %get3A_463 : vector<1x16xf32> to vector<16xf32>
        %swap3A_465 = arith.index_cast %add3A_458 : i32 to index
        %swap3A_466 = arith.constant 96 : index
        %swap3A_467 = tpu.vector_load %arg10[%swap3A_465, %swap3A_466] {strides = array<i32>} : memref<200x128xf32, #tpu.memory_space<vmem>>, vector<1x16xf32>,
        %swap3A_468 = vector.shape_cast %swap3A_467 : vector<1x16xf32> to vector<16xf32>
        %swap3A_469 = vector.shape_cast %get3A_464 : vector<16xf32> to vector<1x16xf32>
        tpu.vector_store %arg10[%swap3A_465, %swap3A_466], %swap3A_469 {add = true, strides = array<i32>} : memref<200x128xf32, #tpu.memory_space<vmem>>, vector<1x16xf32>,
        %add3A_470 = arith.constant 0 : i32
        %add3A_471 = arith.addi %mul3A_380, %add3A_470 : i32
        %add3A_472 = arith.constant 0 : i32
        %add3A_473 = arith.addi %mul3A_380, %add3A_472 : i32
        %get3A_474 = arith.index_cast %add3A_473 : i32 to index
        %get3A_475 = arith.constant 112 : index
        %get3A_476 = tpu.vector_load %arg6[%get3A_474, %get3A_475] {strides = array<i32>} : memref<200x128xf32, #tpu.memory_space<vmem>>, vector<1x16xf32>,
        %get3A_477 = vector.shape_cast %get3A_476 : vector<1x16xf32> to vector<16xf32>
        %swap3A_478 = arith.index_cast %add3A_471 : i32 to index
        %swap3A_479 = arith.constant 112 : index
        %swap3A_480 = tpu.vector_load %arg10[%swap3A_478, %swap3A_479] {strides = array<i32>} : memref<200x128xf32, #tpu.memory_space<vmem>>, vector<1x16xf32>,
        %swap3A_481 = vector.shape_cast %swap3A_480 : vector<1x16xf32> to vector<16xf32>
        %swap3A_482 = vector.shape_cast %get3A_477 : vector<16xf32> to vector<1x16xf32>
        tpu.vector_store %arg10[%swap3A_478, %swap3A_479], %swap3A_482 {add = true, strides = array<i32>} : memref<200x128xf32, #tpu.memory_space<vmem>>, vector<1x16xf32>,
        %add3A_483 = arith.constant 1 : i32
        %add3A_484 = arith.addi %mul3A_380, %add3A_483 : i32
        %add3A_485 = arith.constant 1 : i32
        %add3A_486 = arith.addi %mul3A_380, %add3A_485 : i32
        %get3A_487 = arith.index_cast %add3A_486 : i32 to index
        %get3A_488 = arith.constant 0 : index
        %get3A_489 = tpu.vector_load %arg6[%get3A_487, %get3A_488] {strides = array<i32>} : memref<200x128xf32, #tpu.memory_space<vmem>>, vector<1x16xf32>,
        %get3A_490 = vector.shape_cast %get3A_489 : vector<1x16xf32> to vector<16xf32>
        %swap3A_491 = arith.index_cast %add3A_484 : i32 to index
        %swap3A_492 = arith.constant 0 : index
        %swap3A_493 = tpu.vector_load %arg10[%swap3A_491, %swap3A_492] {strides = array<i32>} : memref<200x128xf32, #tpu.memory_space<vmem>>, vector<1x16xf32>,
        %swap3A_494 = vector.shape_cast %swap3A_493 : vector<1x16xf32> to vector<16xf32>
        %swap3A_495 = vector.shape_cast %get3A_490 : vector<16xf32> to vector<1x16xf32>
        tpu.vector_store %arg10[%swap3A_491, %swap3A_492], %swap3A_495 {add = true, strides = array<i32>} : memref<200x128xf32, #tpu.memory_space<vmem>>, vector<1x16xf32>,
        %add3A_496 = arith.constant 1 : i32
        %add3A_497 = arith.addi %mul3A_380, %add3A_496 : i32
        %add3A_498 = arith.constant 1 : i32
        %add3A_499 = arith.addi %mul3A_380, %add3A_498 : i32
        %get3A_500 = arith.index_cast %add3A_499 : i32 to index
        %get3A_501 = arith.constant 16 : index
        %get3A_502 = tpu.vector_load %arg6[%get3A_500, %get3A_501] {strides = array<i32>} : memref<200x128xf32, #tpu.memory_space<vmem>>, vector<1x16xf32>,
        %get3A_503 = vector.shape_cast %get3A_502 : vector<1x16xf32> to vector<16xf32>
        %swap3A_504 = arith.index_cast %add3A_497 : i32 to index
        %swap3A_505 = arith.constant 16 : index
        %swap3A_506 = tpu.vector_load %arg10[%swap3A_504, %swap3A_505] {strides = array<i32>} : memref<200x128xf32, #tpu.memory_space<vmem>>, vector<1x16xf32>,
        %swap3A_507 = vector.shape_cast %swap3A_506 : vector<1x16xf32> to vector<16xf32>
        %swap3A_508 = vector.shape_cast %get3A_503 : vector<16xf32> to vector<1x16xf32>
        tpu.vector_store %arg10[%swap3A_504, %swap3A_505], %swap3A_508 {add = true, strides = array<i32>} : memref<200x128xf32, #tpu.memory_space<vmem>>, vector<1x16xf32>,
        %add3A_509 = arith.constant 1 : i32
        %add3A_510 = arith.addi %mul3A_380, %add3A_509 : i32
        %add3A_511 = arith.constant 1 : i32
        %add3A_512 = arith.addi %mul3A_380, %add3A_511 : i32
        %get3A_513 = arith.index_cast %add3A_512 : i32 to index
        %get3A_514 = arith.constant 32 : index
        %get3A_515 = tpu.vector_load %arg6[%get3A_513, %get3A_514] {strides = array<i32>} : memref<200x128xf32, #tpu.memory_space<vmem>>, vector<1x16xf32>,
        %get3A_516 = vector.shape_cast %get3A_515 : vector<1x16xf32> to vector<16xf32>
        %swap3A_517 = arith.index_cast %add3A_510 : i32 to index
        %swap3A_518 = arith.constant 32 : index
        %swap3A_519 = tpu.vector_load %arg10[%swap3A_517, %swap3A_518] {strides = array<i32>} : memref<200x128xf32, #tpu.memory_space<vmem>>, vector<1x16xf32>,
        %swap3A_520 = vector.shape_cast %swap3A_519 : vector<1x16xf32> to vector<16xf32>
        %swap3A_521 = vector.shape_cast %get3A_516 : vector<16xf32> to vector<1x16xf32>
        tpu.vector_store %arg10[%swap3A_517, %swap3A_518], %swap3A_521 {add = true, strides = array<i32>} : memref<200x128xf32, #tpu.memory_space<vmem>>, vector<1x16xf32>,
        %add3A_522 = arith.constant 1 : i32
        %add3A_523 = arith.addi %mul3A_380, %add3A_522 : i32
        %add3A_524 = arith.constant 1 : i32
        %add3A_525 = arith.addi %mul3A_380, %add3A_524 : i32
        %get3A_526 = arith.index_cast %add3A_525 : i32 to index
        %get3A_527 = arith.constant 48 : index
        %get3A_528 = tpu.vector_load %arg6[%get3A_526, %get3A_527] {strides = array<i32>} : memref<200x128xf32, #tpu.memory_space<vmem>>, vector<1x16xf32>,
        %get3A_529 = vector.shape_cast %get3A_528 : vector<1x16xf32> to vector<16xf32>
        %swap3A_530 = arith.index_cast %add3A_523 : i32 to index
        %swap3A_531 = arith.constant 48 : index
        %swap3A_532 = tpu.vector_load %arg10[%swap3A_530, %swap3A_531] {strides = array<i32>} : memref<200x128xf32, #tpu.memory_space<vmem>>, vector<1x16xf32>,
        %swap3A_533 = vector.shape_cast %swap3A_532 : vector<1x16xf32> to vector<16xf32>
        %swap3A_534 = vector.shape_cast %get3A_529 : vector<16xf32> to vector<1x16xf32>
        tpu.vector_store %arg10[%swap3A_530, %swap3A_531], %swap3A_534 {add = true, strides = array<i32>} : memref<200x128xf32, #tpu.memory_space<vmem>>, vector<1x16xf32>,
        %add3A_535 = arith.constant 1 : i32
        %add3A_536 = arith.addi %mul3A_380, %add3A_535 : i32
        %add3A_537 = arith.constant 1 : i32
        %add3A_538 = arith.addi %mul3A_380, %add3A_537 : i32
        %get3A_539 = arith.index_cast %add3A_538 : i32 to index
        %get3A_540 = arith.constant 64 : index
        %get3A_541 = tpu.vector_load %arg6[%get3A_539, %get3A_540] {strides = array<i32>} : memref<200x128xf32, #tpu.memory_space<vmem>>, vector<1x16xf32>,
        %get3A_542 = vector.shape_cast %get3A_541 : vector<1x16xf32> to vector<16xf32>
        %swap3A_543 = arith.index_cast %add3A_536 : i32 to index
        %swap3A_544 = arith.constant 64 : index
        %swap3A_545 = tpu.vector_load %arg10[%swap3A_543, %swap3A_544] {strides = array<i32>} : memref<200x128xf32, #tpu.memory_space<vmem>>, vector<1x16xf32>,
        %swap3A_546 = vector.shape_cast %swap3A_545 : vector<1x16xf32> to vector<16xf32>
        %swap3A_547 = vector.shape_cast %get3A_542 : vector<16xf32> to vector<1x16xf32>
        tpu.vector_store %arg10[%swap3A_543, %swap3A_544], %swap3A_547 {add = true, strides = array<i32>} : memref<200x128xf32, #tpu.memory_space<vmem>>, vector<1x16xf32>,
        %add3A_548 = arith.constant 1 : i32
        %add3A_549 = arith.addi %mul3A_380, %add3A_548 : i32
        %add3A_550 = arith.constant 1 : i32
        %add3A_551 = arith.addi %mul3A_380, %add3A_550 : i32
        %get3A_552 = arith.index_cast %add3A_551 : i32 to index
        %get3A_553 = arith.constant 80 : index
        %get3A_554 = tpu.vector_load %arg6[%get3A_552, %get3A_553] {strides = array<i32>} : memref<200x128xf32, #tpu.memory_space<vmem>>, vector<1x16xf32>,
        %get3A_555 = vector.shape_cast %get3A_554 : vector<1x16xf32> to vector<16xf32>
        %swap3A_556 = arith.index_cast %add3A_549 : i32 to index
        %swap3A_557 = arith.constant 80 : index
        %swap3A_558 = tpu.vector_load %arg10[%swap3A_556, %swap3A_557] {strides = array<i32>} : memref<200x128xf32, #tpu.memory_space<vmem>>, vector<1x16xf32>,
        %swap3A_559 = vector.shape_cast %swap3A_558 : vector<1x16xf32> to vector<16xf32>
        %swap3A_560 = vector.shape_cast %get3A_555 : vector<16xf32> to vector<1x16xf32>
        tpu.vector_store %arg10[%swap3A_556, %swap3A_557], %swap3A_560 {add = true, strides = array<i32>} : memref<200x128xf32, #tpu.memory_space<vmem>>, vector<1x16xf32>,
        %add3A_561 = arith.constant 1 : i32
        %add3A_562 = arith.addi %mul3A_380, %add3A_561 : i32
        %add3A_563 = arith.constant 1 : i32
        %add3A_564 = arith.addi %mul3A_380, %add3A_563 : i32
        %get3A_565 = arith.index_cast %add3A_564 : i32 to index
        %get3A_566 = arith.constant 96 : index
        %get3A_567 = tpu.vector_load %arg6[%get3A_565, %get3A_566] {strides = array<i32>} : memref<200x128xf32, #tpu.memory_space<vmem>>, vector<1x16xf32>,
        %get3A_568 = vector.shape_cast %get3A_567 : vector<1x16xf32> to vector<16xf32>
        %swap3A_569 = arith.index_cast %add3A_562 : i32 to index
        %swap3A_570 = arith.constant 96 : index
        %swap3A_571 = tpu.vector_load %arg10[%swap3A_569, %swap3A_570] {strides = array<i32>} : memref<200x128xf32, #tpu.memory_space<vmem>>, vector<1x16xf32>,
        %swap3A_572 = vector.shape_cast %swap3A_571 : vector<1x16xf32> to vector<16xf32>
        %swap3A_573 = vector.shape_cast %get3A_568 : vector<16xf32> to vector<1x16xf32>
        tpu.vector_store %arg10[%swap3A_569, %swap3A_570], %swap3A_573 {add = true, strides = array<i32>} : memref<200x128xf32, #tpu.memory_space<vmem>>, vector<1x16xf32>,
        %add3A_574 = arith.constant 1 : i32
        %add3A_575 = arith.addi %mul3A_380, %add3A_574 : i32
        %add3A_576 = arith.constant 1 : i32
        %add3A_577 = arith.addi %mul3A_380, %add3A_576 : i32
        %get3A_578 = arith.index_cast %add3A_577 : i32 to index
        %get3A_579 = arith.constant 112 : index
        %get3A_580 = tpu.vector_load %arg6[%get3A_578, %get3A_579] {strides = array<i32>} : memref<200x128xf32, #tpu.memory_space<vmem>>, vector<1x16xf32>,
        %get3A_581 = vector.shape_cast %get3A_580 : vector<1x16xf32> to vector<16xf32>
        %swap3A_582 = arith.index_cast %add3A_575 : i32 to index
        %swap3A_583 = arith.constant 112 : index
        %swap3A_584 = tpu.vector_load %arg10[%swap3A_582, %swap3A_583] {strides = array<i32>} : memref<200x128xf32, #tpu.memory_space<vmem>>, vector<1x16xf32>,
        %swap3A_585 = vector.shape_cast %swap3A_584 : vector<1x16xf32> to vector<16xf32>
        %swap3A_586 = vector.shape_cast %get3A_581 : vector<16xf32> to vector<1x16xf32>
        tpu.vector_store %arg10[%swap3A_582, %swap3A_583], %swap3A_586 {add = true, strides = array<i32>} : memref<200x128xf32, #tpu.memory_space<vmem>>, vector<1x16xf32>,
        %add3A_587 = arith.constant 2 : i32
        %add3A_588 = arith.addi %mul3A_380, %add3A_587 : i32
        %add3A_589 = arith.constant 2 : i32
        %add3A_590 = arith.addi %mul3A_380, %add3A_589 : i32
        %get3A_591 = arith.index_cast %add3A_590 : i32 to index
        %get3A_592 = arith.constant 0 : index
        %get3A_593 = tpu.vector_load %arg6[%get3A_591, %get3A_592] {strides = array<i32>} : memref<200x128xf32, #tpu.memory_space<vmem>>, vector<1x16xf32>,
        %get3A_594 = vector.shape_cast %get3A_593 : vector<1x16xf32> to vector<16xf32>
        %swap3A_595 = arith.index_cast %add3A_588 : i32 to index
        %swap3A_596 = arith.constant 0 : index
        %swap3A_597 = tpu.vector_load %arg10[%swap3A_595, %swap3A_596] {strides = array<i32>} : memref<200x128xf32, #tpu.memory_space<vmem>>, vector<1x16xf32>,
        %swap3A_598 = vector.shape_cast %swap3A_597 : vector<1x16xf32> to vector<16xf32>
        %swap3A_599 = vector.shape_cast %get3A_594 : vector<16xf32> to vector<1x16xf32>
        tpu.vector_store %arg10[%swap3A_595, %swap3A_596], %swap3A_599 {add = true, strides = array<i32>} : memref<200x128xf32, #tpu.memory_space<vmem>>, vector<1x16xf32>,
        %add3A_600 = arith.constant 2 : i32
        %add3A_601 = arith.addi %mul3A_380, %add3A_600 : i32
        %add3A_602 = arith.constant 2 : i32
        %add3A_603 = arith.addi %mul3A_380, %add3A_602 : i32
        %get3A_604 = arith.index_cast %add3A_603 : i32 to index
        %get3A_605 = arith.constant 16 : index
        %get3A_606 = tpu.vector_load %arg6[%get3A_604, %get3A_605] {strides = array<i32>} : memref<200x128xf32, #tpu.memory_space<vmem>>, vector<1x16xf32>,
        %get3A_607 = vector.shape_cast %get3A_606 : vector<1x16xf32> to vector<16xf32>
        %swap3A_608 = arith.index_cast %add3A_601 : i32 to index
        %swap3A_609 = arith.constant 16 : index
        %swap3A_610 = tpu.vector_load %arg10[%swap3A_608, %swap3A_609] {strides = array<i32>} : memref<200x128xf32, #tpu.memory_space<vmem>>, vector<1x16xf32>,
        %swap3A_611 = vector.shape_cast %swap3A_610 : vector<1x16xf32> to vector<16xf32>
        %swap3A_612 = vector.shape_cast %get3A_607 : vector<16xf32> to vector<1x16xf32>
        tpu.vector_store %arg10[%swap3A_608, %swap3A_609], %swap3A_612 {add = true, strides = array<i32>} : memref<200x128xf32, #tpu.memory_space<vmem>>, vector<1x16xf32>,
        %add3A_613 = arith.constant 2 : i32
        %add3A_614 = arith.addi %mul3A_380, %add3A_613 : i32
        %add3A_615 = arith.constant 2 : i32
        %add3A_616 = arith.addi %mul3A_380, %add3A_615 : i32
        %get3A_617 = arith.index_cast %add3A_616 : i32 to index
        %get3A_618 = arith.constant 32 : index
        %get3A_619 = tpu.vector_load %arg6[%get3A_617, %get3A_618] {strides = array<i32>} : memref<200x128xf32, #tpu.memory_space<vmem>>, vector<1x16xf32>,
        %get3A_620 = vector.shape_cast %get3A_619 : vector<1x16xf32> to vector<16xf32>
        %swap3A_621 = arith.index_cast %add3A_614 : i32 to index
        %swap3A_622 = arith.constant 32 : index
        %swap3A_623 = tpu.vector_load %arg10[%swap3A_621, %swap3A_622] {strides = array<i32>} : memref<200x128xf32, #tpu.memory_space<vmem>>, vector<1x16xf32>,
        %swap3A_624 = vector.shape_cast %swap3A_623 : vector<1x16xf32> to vector<16xf32>
        %swap3A_625 = vector.shape_cast %get3A_620 : vector<16xf32> to vector<1x16xf32>
        tpu.vector_store %arg10[%swap3A_621, %swap3A_622], %swap3A_625 {add = true, strides = array<i32>} : memref<200x128xf32, #tpu.memory_space<vmem>>, vector<1x16xf32>,
        %add3A_626 = arith.constant 2 : i32
        %add3A_627 = arith.addi %mul3A_380, %add3A_626 : i32
        %add3A_628 = arith.constant 2 : i32
        %add3A_629 = arith.addi %mul3A_380, %add3A_628 : i32
        %get3A_630 = arith.index_cast %add3A_629 : i32 to index
        %get3A_631 = arith.constant 48 : index
        %get3A_632 = tpu.vector_load %arg6[%get3A_630, %get3A_631] {strides = array<i32>} : memref<200x128xf32, #tpu.memory_space<vmem>>, vector<1x16xf32>,
        %get3A_633 = vector.shape_cast %get3A_632 : vector<1x16xf32> to vector<16xf32>
        %swap3A_634 = arith.index_cast %add3A_627 : i32 to index
        %swap3A_635 = arith.constant 48 : index
        %swap3A_636 = tpu.vector_load %arg10[%swap3A_634, %swap3A_635] {strides = array<i32>} : memref<200x128xf32, #tpu.memory_space<vmem>>, vector<1x16xf32>,
        %swap3A_637 = vector.shape_cast %swap3A_636 : vector<1x16xf32> to vector<16xf32>
        %swap3A_638 = vector.shape_cast %get3A_633 : vector<16xf32> to vector<1x16xf32>
        tpu.vector_store %arg10[%swap3A_634, %swap3A_635], %swap3A_638 {add = true, strides = array<i32>} : memref<200x128xf32, #tpu.memory_space<vmem>>, vector<1x16xf32>,
        %add3A_639 = arith.constant 2 : i32
        %add3A_640 = arith.addi %mul3A_380, %add3A_639 : i32
        %add3A_641 = arith.constant 2 : i32
        %add3A_642 = arith.addi %mul3A_380, %add3A_641 : i32
        %get3A_643 = arith.index_cast %add3A_642 : i32 to index
        %get3A_644 = arith.constant 64 : index
        %get3A_645 = tpu.vector_load %arg6[%get3A_643, %get3A_644] {strides = array<i32>} : memref<200x128xf32, #tpu.memory_space<vmem>>, vector<1x16xf32>,
        %get3A_646 = vector.shape_cast %get3A_645 : vector<1x16xf32> to vector<16xf32>
        %swap3A_647 = arith.index_cast %add3A_640 : i32 to index
        %swap3A_648 = arith.constant 64 : index
        %swap3A_649 = tpu.vector_load %arg10[%swap3A_647, %swap3A_648] {strides = array<i32>} : memref<200x128xf32, #tpu.memory_space<vmem>>, vector<1x16xf32>,
        %swap3A_650 = vector.shape_cast %swap3A_649 : vector<1x16xf32> to vector<16xf32>
        %swap3A_651 = vector.shape_cast %get3A_646 : vector<16xf32> to vector<1x16xf32>
        tpu.vector_store %arg10[%swap3A_647, %swap3A_648], %swap3A_651 {add = true, strides = array<i32>} : memref<200x128xf32, #tpu.memory_space<vmem>>, vector<1x16xf32>,
        %add3A_652 = arith.constant 2 : i32
        %add3A_653 = arith.addi %mul3A_380, %add3A_652 : i32
        %add3A_654 = arith.constant 2 : i32
        %add3A_655 = arith.addi %mul3A_380, %add3A_654 : i32
        %get3A_656 = arith.index_cast %add3A_655 : i32 to index
        %get3A_657 = arith.constant 80 : index
        %get3A_658 = tpu.vector_load %arg6[%get3A_656, %get3A_657] {strides = array<i32>} : memref<200x128xf32, #tpu.memory_space<vmem>>, vector<1x16xf32>,
        %get3A_659 = vector.shape_cast %get3A_658 : vector<1x16xf32> to vector<16xf32>
        %swap3A_660 = arith.index_cast %add3A_653 : i32 to index
        %swap3A_661 = arith.constant 80 : index
        %swap3A_662 = tpu.vector_load %arg10[%swap3A_660, %swap3A_661] {strides = array<i32>} : memref<200x128xf32, #tpu.memory_space<vmem>>, vector<1x16xf32>,
        %swap3A_663 = vector.shape_cast %swap3A_662 : vector<1x16xf32> to vector<16xf32>
        %swap3A_664 = vector.shape_cast %get3A_659 : vector<16xf32> to vector<1x16xf32>
        tpu.vector_store %arg10[%swap3A_660, %swap3A_661], %swap3A_664 {add = true, strides = array<i32>} : memref<200x128xf32, #tpu.memory_space<vmem>>, vector<1x16xf32>,
        %add3A_665 = arith.constant 2 : i32
        %add3A_666 = arith.addi %mul3A_380, %add3A_665 : i32
        %add3A_667 = arith.constant 2 : i32
        %add3A_668 = arith.addi %mul3A_380, %add3A_667 : i32
        %get3A_669 = arith.index_cast %add3A_668 : i32 to index
        %get3A_670 = arith.constant 96 : index
        %get3A_671 = tpu.vector_load %arg6[%get3A_669, %get3A_670] {strides = array<i32>} : memref<200x128xf32, #tpu.memory_space<vmem>>, vector<1x16xf32>,
        %get3A_672 = vector.shape_cast %get3A_671 : vector<1x16xf32> to vector<16xf32>
        %swap3A_673 = arith.index_cast %add3A_666 : i32 to index
        %swap3A_674 = arith.constant 96 : index
        %swap3A_675 = tpu.vector_load %arg10[%swap3A_673, %swap3A_674] {strides = array<i32>} : memref<200x128xf32, #tpu.memory_space<vmem>>, vector<1x16xf32>,
        %swap3A_676 = vector.shape_cast %swap3A_675 : vector<1x16xf32> to vector<16xf32>
        %swap3A_677 = vector.shape_cast %get3A_672 : vector<16xf32> to vector<1x16xf32>
        tpu.vector_store %arg10[%swap3A_673, %swap3A_674], %swap3A_677 {add = true, strides = array<i32>} : memref<200x128xf32, #tpu.memory_space<vmem>>, vector<1x16xf32>,
        %add3A_678 = arith.constant 2 : i32
        %add3A_679 = arith.addi %mul3A_380, %add3A_678 : i32
        %add3A_680 = arith.constant 2 : i32
        %add3A_681 = arith.addi %mul3A_380, %add3A_680 : i32
        %get3A_682 = arith.index_cast %add3A_681 : i32 to index
        %get3A_683 = arith.constant 112 : index
        %get3A_684 = tpu.vector_load %arg6[%get3A_682, %get3A_683] {strides = array<i32>} : memref<200x128xf32, #tpu.memory_space<vmem>>, vector<1x16xf32>,
        %get3A_685 = vector.shape_cast %get3A_684 : vector<1x16xf32> to vector<16xf32>
        %swap3A_686 = arith.index_cast %add3A_679 : i32 to index
        %swap3A_687 = arith.constant 112 : index
        %swap3A_688 = tpu.vector_load %arg10[%swap3A_686, %swap3A_687] {strides = array<i32>} : memref<200x128xf32, #tpu.memory_space<vmem>>, vector<1x16xf32>,
        %swap3A_689 = vector.shape_cast %swap3A_688 : vector<1x16xf32> to vector<16xf32>
        %swap3A_690 = vector.shape_cast %get3A_685 : vector<16xf32> to vector<1x16xf32>
        tpu.vector_store %arg10[%swap3A_686, %swap3A_687], %swap3A_690 {add = true, strides = array<i32>} : memref<200x128xf32, #tpu.memory_space<vmem>>, vector<1x16xf32>,
        %add3A_691 = arith.constant 3 : i32
        %add3A_692 = arith.addi %mul3A_380, %add3A_691 : i32
        %add3A_693 = arith.constant 3 : i32
        %add3A_694 = arith.addi %mul3A_380, %add3A_693 : i32
        %get3A_695 = arith.index_cast %add3A_694 : i32 to index
        %get3A_696 = arith.constant 0 : index
        %get3A_697 = tpu.vector_load %arg6[%get3A_695, %get3A_696] {strides = array<i32>} : memref<200x128xf32, #tpu.memory_space<vmem>>, vector<1x16xf32>,
        %get3A_698 = vector.shape_cast %get3A_697 : vector<1x16xf32> to vector<16xf32>
        %swap3A_699 = arith.index_cast %add3A_692 : i32 to index
        %swap3A_700 = arith.constant 0 : index
        %swap3A_701 = tpu.vector_load %arg10[%swap3A_699, %swap3A_700] {strides = array<i32>} : memref<200x128xf32, #tpu.memory_space<vmem>>, vector<1x16xf32>,
        %swap3A_702 = vector.shape_cast %swap3A_701 : vector<1x16xf32> to vector<16xf32>
        %swap3A_703 = vector.shape_cast %get3A_698 : vector<16xf32> to vector<1x16xf32>
        tpu.vector_store %arg10[%swap3A_699, %swap3A_700], %swap3A_703 {add = true, strides = array<i32>} : memref<200x128xf32, #tpu.memory_space<vmem>>, vector<1x16xf32>,
        %add3A_704 = arith.constant 3 : i32
        %add3A_705 = arith.addi %mul3A_380, %add3A_704 : i32
        %add3A_706 = arith.constant 3 : i32
        %add3A_707 = arith.addi %mul3A_380, %add3A_706 : i32
        %get3A_708 = arith.index_cast %add3A_707 : i32 to index
        %get3A_709 = arith.constant 16 : index
        %get3A_710 = tpu.vector_load %arg6[%get3A_708, %get3A_709] {strides = array<i32>} : memref<200x128xf32, #tpu.memory_space<vmem>>, vector<1x16xf32>,
        %get3A_711 = vector.shape_cast %get3A_710 : vector<1x16xf32> to vector<16xf32>
        %swap3A_712 = arith.index_cast %add3A_705 : i32 to index
        %swap3A_713 = arith.constant 16 : index
        %swap3A_714 = tpu.vector_load %arg10[%swap3A_712, %swap3A_713] {strides = array<i32>} : memref<200x128xf32, #tpu.memory_space<vmem>>, vector<1x16xf32>,
        %swap3A_715 = vector.shape_cast %swap3A_714 : vector<1x16xf32> to vector<16xf32>
        %swap3A_716 = vector.shape_cast %get3A_711 : vector<16xf32> to vector<1x16xf32>
        tpu.vector_store %arg10[%swap3A_712, %swap3A_713], %swap3A_716 {add = true, strides = array<i32>} : memref<200x128xf32, #tpu.memory_space<vmem>>, vector<1x16xf32>,
        %add3A_717 = arith.constant 3 : i32
        %add3A_718 = arith.addi %mul3A_380, %add3A_717 : i32
        %add3A_719 = arith.constant 3 : i32
        %add3A_720 = arith.addi %mul3A_380, %add3A_719 : i32
        %get3A_721 = arith.index_cast %add3A_720 : i32 to index
        %get3A_722 = arith.constant 32 : index
        %get3A_723 = tpu.vector_load %arg6[%get3A_721, %get3A_722] {strides = array<i32>} : memref<200x128xf32, #tpu.memory_space<vmem>>, vector<1x16xf32>,
        %get3A_724 = vector.shape_cast %get3A_723 : vector<1x16xf32> to vector<16xf32>
        %swap3A_725 = arith.index_cast %add3A_718 : i32 to index
        %swap3A_726 = arith.constant 32 : index
        %swap3A_727 = tpu.vector_load %arg10[%swap3A_725, %swap3A_726] {strides = array<i32>} : memref<200x128xf32, #tpu.memory_space<vmem>>, vector<1x16xf32>,
        %swap3A_728 = vector.shape_cast %swap3A_727 : vector<1x16xf32> to vector<16xf32>
        %swap3A_729 = vector.shape_cast %get3A_724 : vector<16xf32> to vector<1x16xf32>
        tpu.vector_store %arg10[%swap3A_725, %swap3A_726], %swap3A_729 {add = true, strides = array<i32>} : memref<200x128xf32, #tpu.memory_space<vmem>>, vector<1x16xf32>,
        %add3A_730 = arith.constant 3 : i32
        %add3A_731 = arith.addi %mul3A_380, %add3A_730 : i32
        %add3A_732 = arith.constant 3 : i32
        %add3A_733 = arith.addi %mul3A_380, %add3A_732 : i32
        %get3A_734 = arith.index_cast %add3A_733 : i32 to index
        %get3A_735 = arith.constant 48 : index
        %get3A_736 = tpu.vector_load %arg6[%get3A_734, %get3A_735] {strides = array<i32>} : memref<200x128xf32, #tpu.memory_space<vmem>>, vector<1x16xf32>,
        %get3A_737 = vector.shape_cast %get3A_736 : vector<1x16xf32> to vector<16xf32>
        %swap3A_738 = arith.index_cast %add3A_731 : i32 to index
        %swap3A_739 = arith.constant 48 : index
        %swap3A_740 = tpu.vector_load %arg10[%swap3A_738, %swap3A_739] {strides = array<i32>} : memref<200x128xf32, #tpu.memory_space<vmem>>, vector<1x16xf32>,
        %swap3A_741 = vector.shape_cast %swap3A_740 : vector<1x16xf32> to vector<16xf32>
        %swap3A_742 = vector.shape_cast %get3A_737 : vector<16xf32> to vector<1x16xf32>
        tpu.vector_store %arg10[%swap3A_738, %swap3A_739], %swap3A_742 {add = true, strides = array<i32>} : memref<200x128xf32, #tpu.memory_space<vmem>>, vector<1x16xf32>,
        %add3A_743 = arith.constant 3 : i32
        %add3A_744 = arith.addi %mul3A_380, %add3A_743 : i32
        %add3A_745 = arith.constant 3 : i32
        %add3A_746 = arith.addi %mul3A_380, %add3A_745 : i32
        %get3A_747 = arith.index_cast %add3A_746 : i32 to index
        %get3A_748 = arith.constant 64 : index
        %get3A_749 = tpu.vector_load %arg6[%get3A_747, %get3A_748] {strides = array<i32>} : memref<200x128xf32, #tpu.memory_space<vmem>>, vector<1x16xf32>,
        %get3A_750 = vector.shape_cast %get3A_749 : vector<1x16xf32> to vector<16xf32>
        %swap3A_751 = arith.index_cast %add3A_744 : i32 to index
        %swap3A_752 = arith.constant 64 : index
        %swap3A_753 = tpu.vector_load %arg10[%swap3A_751, %swap3A_752] {strides = array<i32>} : memref<200x128xf32, #tpu.memory_space<vmem>>, vector<1x16xf32>,
        %swap3A_754 = vector.shape_cast %swap3A_753 : vector<1x16xf32> to vector<16xf32>
        %swap3A_755 = vector.shape_cast %get3A_750 : vector<16xf32> to vector<1x16xf32>
        tpu.vector_store %arg10[%swap3A_751, %swap3A_752], %swap3A_755 {add = true, strides = array<i32>} : memref<200x128xf32, #tpu.memory_space<vmem>>, vector<1x16xf32>,
        %add3A_756 = arith.constant 3 : i32
        %add3A_757 = arith.addi %mul3A_380, %add3A_756 : i32
        %add3A_758 = arith.constant 3 : i32
        %add3A_759 = arith.addi %mul3A_380, %add3A_758 : i32
        %get3A_760 = arith.index_cast %add3A_759 : i32 to index
        %get3A_761 = arith.constant 80 : index
        %get3A_762 = tpu.vector_load %arg6[%get3A_760, %get3A_761] {strides = array<i32>} : memref<200x128xf32, #tpu.memory_space<vmem>>, vector<1x16xf32>,
        %get3A_763 = vector.shape_cast %get3A_762 : vector<1x16xf32> to vector<16xf32>
        %swap3A_764 = arith.index_cast %add3A_757 : i32 to index
        %swap3A_765 = arith.constant 80 : index
        %swap3A_766 = tpu.vector_load %arg10[%swap3A_764, %swap3A_765] {strides = array<i32>} : memref<200x128xf32, #tpu.memory_space<vmem>>, vector<1x16xf32>,
        %swap3A_767 = vector.shape_cast %swap3A_766 : vector<1x16xf32> to vector<16xf32>
        %swap3A_768 = vector.shape_cast %get3A_763 : vector<16xf32> to vector<1x16xf32>
        tpu.vector_store %arg10[%swap3A_764, %swap3A_765], %swap3A_768 {add = true, strides = array<i32>} : memref<200x128xf32, #tpu.memory_space<vmem>>, vector<1x16xf32>,
        %add3A_769 = arith.constant 3 : i32
        %add3A_770 = arith.addi %mul3A_380, %add3A_769 : i32
        %add3A_771 = arith.constant 3 : i32
        %add3A_772 = arith.addi %mul3A_380, %add3A_771 : i32
        %get3A_773 = arith.index_cast %add3A_772 : i32 to index
        %get3A_774 = arith.constant 96 : index
        %get3A_775 = tpu.vector_load %arg6[%get3A_773, %get3A_774] {strides = array<i32>} : memref<200x128xf32, #tpu.memory_space<vmem>>, vector<1x16xf32>,
        %get3A_776 = vector.shape_cast %get3A_775 : vector<1x16xf32> to vector<16xf32>
        %swap3A_777 = arith.index_cast %add3A_770 : i32 to index
        %swap3A_778 = arith.constant 96 : index
        %swap3A_779 = tpu.vector_load %arg10[%swap3A_777, %swap3A_778] {strides = array<i32>} : memref<200x128xf32, #tpu.memory_space<vmem>>, vector<1x16xf32>,
        %swap3A_780 = vector.shape_cast %swap3A_779 : vector<1x16xf32> to vector<16xf32>
        %swap3A_781 = vector.shape_cast %get3A_776 : vector<16xf32> to vector<1x16xf32>
        tpu.vector_store %arg10[%swap3A_777, %swap3A_778], %swap3A_781 {add = true, strides = array<i32>} : memref<200x128xf32, #tpu.memory_space<vmem>>, vector<1x16xf32>,
        %add3A_782 = arith.constant 3 : i32
        %add3A_783 = arith.addi %mul3A_380, %add3A_782 : i32
        %add3A_784 = arith.constant 3 : i32
        %add3A_785 = arith.addi %mul3A_380, %add3A_784 : i32
        %get3A_786 = arith.index_cast %add3A_785 : i32 to index
        %get3A_787 = arith.constant 112 : index
        %get3A_788 = tpu.vector_load %arg6[%get3A_786, %get3A_787] {strides = array<i32>} : memref<200x128xf32, #tpu.memory_space<vmem>>, vector<1x16xf32>,
        %get3A_789 = vector.shape_cast %get3A_788 : vector<1x16xf32> to vector<16xf32>
        %swap3A_790 = arith.index_cast %add3A_783 : i32 to index
        %swap3A_791 = arith.constant 112 : index
        %swap3A_792 = tpu.vector_load %arg10[%swap3A_790, %swap3A_791] {strides = array<i32>} : memref<200x128xf32, #tpu.memory_space<vmem>>, vector<1x16xf32>,
        %swap3A_793 = vector.shape_cast %swap3A_792 : vector<1x16xf32> to vector<16xf32>
        %swap3A_794 = vector.shape_cast %get3A_789 : vector<16xf32> to vector<1x16xf32>
        tpu.vector_store %arg10[%swap3A_790, %swap3A_791], %swap3A_794 {add = true, strides = array<i32>} : memref<200x128xf32, #tpu.memory_space<vmem>>, vector<1x16xf32>,
      }
      %scan3A_314 = arith.constant 50 : i32
      %add3A_315 = arith.addi %mul3A_2, %add3A_273 : i32
      %dma_start3A_316 = arith.constant 0 : i32
      %dma_start3A_317 = arith.constant 0 : i32
      %dma_start3A_318 = tpu.memref_slice %arg5[%add3A_315, %dma_start3A_316, %dma_start3A_317] : memref<1024x200x128xf32, #tpu.memory_space<hbm>> -> memref<1x200x128xf32, #tpu.memory_space<hbm>>
      %dma_start3A_319 = tpu.memref_squeeze %dma_start3A_318 : memref<1x200x128xf32, #tpu.memory_space<hbm>> -> memref<200x128xf32, #tpu.memory_space<hbm>>
      %dma_start3A_320 = arith.constant 0 : i32
      %dma_start3A_321 = arith.constant 0 : i32
      %dma_start3A_322 = tpu.memref_slice %arg5[%add3A_315, %dma_start3A_320, %dma_start3A_321] : memref<1024x200x128xf32, #tpu.memory_space<hbm>> -> memref<1x200x128xf32, #tpu.memory_space<hbm>>
      %dma_start3A_323 = tpu.memref_squeeze %dma_start3A_322 : memref<1x200x128xf32, #tpu.memory_space<hbm>> -> memref<200x128xf32, #tpu.memory_space<hbm>>
      tpu.enqueue_dma source(%arg10 : memref<200x128xf32, #tpu.memory_space<vmem>>) target(%dma_start3A_323 : memref<200x128xf32, #tpu.memory_space<hbm>>) target_semaphore(%arg18 : memref<!tpu.dma_semaphore, #tpu.memory_space<semaphore_mem>>)
      %mul3A_324 = arith.constant 4 : i32
      %mul3A_325 = arith.muli %mul3A_324, %scan3A_164 : i32
      %add3A_326 = arith.constant 3 : i32
      %add3A_327 = arith.addi %mul3A_325, %add3A_326 : i32
      %add3A_328 = arith.constant 3 : i32
      %add3A_329 = arith.addi %add3A_327, %add3A_328 : i32
      %lt3A_330 = arith.constant 32 : i32
      %lt3A_331 = arith.cmpi slt, %add3A_329, %lt3A_330 : i32
      %convert_element_type3A_332 = arith.extui %lt3A_331 : i1 to i32
      %cond3A_333 = arith.constant 0 : i32
      %cond3A_334 = arith.cmpi ne, %convert_element_type3A_332, %cond3A_333 : i32
      scf.if %cond3A_334 {
        %add3A_378 = arith.constant 3 : i32
        %add3A_379 = arith.addi %add3A_327, %add3A_378 : i32
        %add3A_380 = arith.addi %mul3A_2, %add3A_379 : i32
        %dma_start3A_381 = arith.constant 2 : i32
        %dma_start3A_382 = arith.constant 0 : i32
        %dma_start3A_383 = arith.constant 0 : i32
        %dma_start3A_384 = tpu.memref_slice %arg7[%dma_start3A_381, %dma_start3A_382, %dma_start3A_383] : memref<4x2x100xi32, #tpu.memory_space<vmem>> -> memref<1x2x100xi32, #tpu.memory_space<vmem>>
        %dma_start3A_385 = tpu.memref_squeeze %dma_start3A_384 : memref<1x2x100xi32, #tpu.memory_space<vmem>> -> memref<2x100xi32, #tpu.memory_space<vmem>>
        %dma_start3A_386 = arith.constant 0 : i32
        %dma_start3A_387 = arith.constant 0 : i32
        %dma_start3A_388 = tpu.memref_slice %arg2[%add3A_380, %dma_start3A_386, %dma_start3A_387] : memref<1024x2x100xi32, #tpu.memory_space<hbm>> -> memref<1x2x100xi32, #tpu.memory_space<hbm>>
        %dma_start3A_389 = tpu.memref_squeeze %dma_start3A_388 : memref<1x2x100xi32, #tpu.memory_space<hbm>> -> memref<2x100xi32, #tpu.memory_space<hbm>>
        %dma_start3A_390 = arith.constant 0 : i32
        %dma_start3A_391 = arith.constant 0 : i32
        %dma_start3A_392 = tpu.memref_slice %arg7[%dma_start3A_381, %dma_start3A_390, %dma_start3A_391] : memref<4x2x100xi32, #tpu.memory_space<vmem>> -> memref<1x2x100xi32, #tpu.memory_space<vmem>>
        %dma_start3A_393 = tpu.memref_squeeze %dma_start3A_392 : memref<1x2x100xi32, #tpu.memory_space<vmem>> -> memref<2x100xi32, #tpu.memory_space<vmem>>
        %dma_start3A_394 = arith.constant 0 : i32
        %dma_start3A_395 = arith.constant 0 : i32
        %dma_start3A_396 = tpu.memref_slice %arg2[%add3A_380, %dma_start3A_394, %dma_start3A_395] : memref<1024x2x100xi32, #tpu.memory_space<hbm>> -> memref<1x2x100xi32, #tpu.memory_space<hbm>>
        %dma_start3A_397 = tpu.memref_squeeze %dma_start3A_396 : memref<1x2x100xi32, #tpu.memory_space<hbm>> -> memref<2x100xi32, #tpu.memory_space<hbm>>
        tpu.enqueue_dma source(%dma_start3A_397 : memref<2x100xi32, #tpu.memory_space<hbm>>) target(%dma_start3A_393 : memref<2x100xi32, #tpu.memory_space<vmem>>) target_semaphore(%arg22 : memref<!tpu.dma_semaphore, #tpu.memory_space<semaphore_mem>>)
      } else {
      }
      %add3A_335 = arith.constant 2 : i32
      %add3A_336 = arith.addi %add3A_327, %add3A_335 : i32
      %lt3A_337 = arith.constant 32 : i32
      %lt3A_338 = arith.cmpi slt, %add3A_336, %lt3A_337 : i32
      %convert_element_type3A_339 = arith.extui %lt3A_338 : i1 to i32
      %cond3A_340 = arith.constant 0 : i32
      %cond3A_341 = arith.cmpi ne, %convert_element_type3A_339, %cond3A_340 : i32
      scf.if %cond3A_341 {
        %ge3A = arith.constant 2 : i32
        %ge3A_378 = arith.cmpi sge, %add3A_327, %ge3A : i32
        %convert_element_type3A_379 = arith.extui %ge3A_378 : i1 to i32
        %cond3A_380 = arith.constant 0 : i32
        %cond3A_381 = arith.cmpi ne, %convert_element_type3A_379, %cond3A_380 : i32
        scf.if %cond3A_381 {
          %sub3A = arith.constant 2 : i32
          %sub3A_426 = arith.subi %add3A_327, %sub3A : i32
          %add3A_427 = arith.addi %mul3A_2, %sub3A_426 : i32
          %dma_wait3A_428 = arith.constant 0 : i32
          %dma_wait3A_429 = arith.constant 0 : i32
          %dma_wait3A_430 = tpu.memref_slice %arg5[%add3A_427, %dma_wait3A_428, %dma_wait3A_429] : memref<1024x200x128xf32, #tpu.memory_space<hbm>> -> memref<1x200x128xf32, #tpu.memory_space<hbm>>
          %dma_wait3A_431 = tpu.memref_squeeze %dma_wait3A_430 : memref<1x200x128xf32, #tpu.memory_space<hbm>> -> memref<200x128xf32, #tpu.memory_space<hbm>>
          %dma_wait3A_432 = arith.constant 0 : i32
          %dma_wait3A_433 = arith.constant 0 : i32
          %dma_wait3A_434 = tpu.memref_slice %arg5[%add3A_427, %dma_wait3A_432, %dma_wait3A_433] : memref<1024x200x128xf32, #tpu.memory_space<hbm>> -> memref<1x200x128xf32, #tpu.memory_space<hbm>>
          %dma_wait3A_435 = tpu.memref_squeeze %dma_wait3A_434 : memref<1x200x128xf32, #tpu.memory_space<hbm>> -> memref<200x128xf32, #tpu.memory_space<hbm>>
          tpu.wait_dma2 semaphore(%arg17 : memref<!tpu.dma_semaphore, #tpu.memory_space<semaphore_mem>>) src(%arg9 : memref<200x128xf32, #tpu.memory_space<vmem>>) dst(%dma_wait3A_435 : memref<200x128xf32, #tpu.memory_space<hbm>>)
        } else {
        }
        %add3A_382 = arith.constant 2 : i32
        %add3A_383 = arith.addi %add3A_327, %add3A_382 : i32
        %add3A_384 = arith.addi %mul3A_2, %add3A_383 : i32
        %dma_wait3A_385 = arith.constant 1 : i32
        %dma_wait3A_386 = arith.constant 0 : i32
        %dma_wait3A_387 = arith.constant 0 : i32
        %dma_wait3A_388 = tpu.memref_slice %arg7[%dma_wait3A_385, %dma_wait3A_386, %dma_wait3A_387] : memref<4x2x100xi32, #tpu.memory_space<vmem>> -> memref<1x2x100xi32, #tpu.memory_space<vmem>>
        %dma_wait3A_389 = tpu.memref_squeeze %dma_wait3A_388 : memref<1x2x100xi32, #tpu.memory_space<vmem>> -> memref<2x100xi32, #tpu.memory_space<vmem>>
        %dma_wait3A_390 = arith.constant 0 : i32
        %dma_wait3A_391 = arith.constant 0 : i32
        %dma_wait3A_392 = tpu.memref_slice %arg2[%add3A_384, %dma_wait3A_390, %dma_wait3A_391] : memref<1024x2x100xi32, #tpu.memory_space<hbm>> -> memref<1x2x100xi32, #tpu.memory_space<hbm>>
        %dma_wait3A_393 = tpu.memref_squeeze %dma_wait3A_392 : memref<1x2x100xi32, #tpu.memory_space<hbm>> -> memref<2x100xi32, #tpu.memory_space<hbm>>
        %dma_wait3A_394 = arith.constant 0 : i32
        %dma_wait3A_395 = arith.constant 0 : i32
        %dma_wait3A_396 = tpu.memref_slice %arg7[%dma_wait3A_385, %dma_wait3A_394, %dma_wait3A_395] : memref<4x2x100xi32, #tpu.memory_space<vmem>> -> memref<1x2x100xi32, #tpu.memory_space<vmem>>
        %dma_wait3A_397 = tpu.memref_squeeze %dma_wait3A_396 : memref<1x2x100xi32, #tpu.memory_space<vmem>> -> memref<2x100xi32, #tpu.memory_space<vmem>>
        %dma_wait3A_398 = arith.constant 0 : i32
        %dma_wait3A_399 = arith.constant 0 : i32
        %dma_wait3A_400 = tpu.memref_slice %arg2[%add3A_384, %dma_wait3A_398, %dma_wait3A_399] : memref<1024x2x100xi32, #tpu.memory_space<hbm>> -> memref<1x2x100xi32, #tpu.memory_space<hbm>>
        %dma_wait3A_401 = tpu.memref_squeeze %dma_wait3A_400 : memref<1x2x100xi32, #tpu.memory_space<hbm>> -> memref<2x100xi32, #tpu.memory_space<hbm>>
        tpu.wait_dma2 semaphore(%arg21 : memref<!tpu.dma_semaphore, #tpu.memory_space<semaphore_mem>>) src(%dma_wait3A_401 : memref<2x100xi32, #tpu.memory_space<hbm>>) dst(%dma_wait3A_397 : memref<2x100xi32, #tpu.memory_space<vmem>>)
        %add3A_402 = arith.constant 2 : i32
        %add3A_403 = arith.addi %add3A_327, %add3A_402 : i32
        %dma_start3A_404 = arith.constant 1 : i32
        %dma_start3A_405 = arith.constant 0 : i32
        %dma_start3A_406 = arith.constant 0 : i32
        %dma_start3A_407 = arith.constant 0 : i32
        %dma_start3A_408 = tpu.memref_slice %arg9[%dma_start3A_406, %dma_start3A_407] : memref<200x128xf32, #tpu.memory_space<vmem>> -> memref<100x128xf32, #tpu.memory_space<vmem>>
        %dma_start3A_409 = arith.constant 0 : i32
        %dma_start3A_410 = tpu.memref_slice %arg7[%dma_start3A_404, %dma_start3A_405, %dma_start3A_409] : memref<4x2x100xi32, #tpu.memory_space<vmem>> -> memref<1x1x100xi32, #tpu.memory_space<vmem>>
        %dma_start3A_411 = tpu.memref_squeeze %dma_start3A_410 : memref<1x1x100xi32, #tpu.memory_space<vmem>> -> memref<100xi32, #tpu.memory_space<vmem>>
        %dma_start3A_412 = arith.constant 0 : i32
        %dma_start3A_413 = arith.constant 0 : i32
        %dma_start3A_414 = tpu.memref_slice %arg4[%dma_start3A_412, %dma_start3A_413] : memref<100000x128xf32, #tpu.memory_space<hbm>> -> memref<100000x128xf32, #tpu.memory_space<hbm>>
        tpu.enqueue_indirect_dma source(%dma_start3A_414 : memref<100000x128xf32, #tpu.memory_space<hbm>>) target(%dma_start3A_408 : memref<100x128xf32, #tpu.memory_space<vmem>>) offsets(%dma_start3A_411 : memref<100xi32, #tpu.memory_space<vmem>>) semaphore(%arg13 : memref<!tpu.dma_semaphore, #tpu.memory_space<semaphore_mem>>)
        %dma_start3A_415 = arith.constant 1 : i32
        %dma_start3A_416 = arith.constant 1 : i32
        %dma_start3A_417 = arith.constant 100 : i32
        %dma_start3A_418 = arith.constant 0 : i32
        %dma_start3A_419 = tpu.memref_slice %arg9[%dma_start3A_417, %dma_start3A_418] : memref<200x128xf32, #tpu.memory_space<vmem>> -> memref<100x128xf32, #tpu.memory_space<vmem>>
        %dma_start3A_420 = arith.constant 0 : i32
        %dma_start3A_421 = tpu.memref_slice %arg7[%dma_start3A_415, %dma_start3A_416, %dma_start3A_420] : memref<4x2x100xi32, #tpu.memory_space<vmem>> -> memref<1x1x100xi32, #tpu.memory_space<vmem>>
        %dma_start3A_422 = tpu.memref_squeeze %dma_start3A_421 : memref<1x1x100xi32, #tpu.memory_space<vmem>> -> memref<100xi32, #tpu.memory_space<vmem>>
        %dma_start3A_423 = arith.constant 0 : i32
        %dma_start3A_424 = arith.constant 0 : i32
        %dma_start3A_425 = tpu.memref_slice %arg4[%dma_start3A_423, %dma_start3A_424] : memref<100000x128xf32, #tpu.memory_space<hbm>> -> memref<100000x128xf32, #tpu.memory_space<hbm>>
        tpu.enqueue_indirect_dma source(%dma_start3A_425 : memref<100000x128xf32, #tpu.memory_space<hbm>>) target(%dma_start3A_419 : memref<100x128xf32, #tpu.memory_space<vmem>>) offsets(%dma_start3A_422 : memref<100xi32, #tpu.memory_space<vmem>>) semaphore(%arg13 : memref<!tpu.dma_semaphore, #tpu.memory_space<semaphore_mem>>)
      } else {
      }
      %dma_wait3A_342 = arith.constant 3 : i32
      %dma_wait3A_343 = arith.constant 0 : i32
      %dma_wait3A_344 = arith.constant 0 : i32
      %dma_wait3A_345 = arith.constant 0 : i32
      %dma_wait3A_346 = tpu.memref_slice %arg11[%dma_wait3A_344, %dma_wait3A_345] : memref<200x128xf32, #tpu.memory_space<vmem>> -> memref<100x128xf32, #tpu.memory_space<vmem>>
      %dma_wait3A_347 = arith.constant 0 : i32
      %dma_wait3A_348 = tpu.memref_slice %arg7[%dma_wait3A_342, %dma_wait3A_343, %dma_wait3A_347] : memref<4x2x100xi32, #tpu.memory_space<vmem>> -> memref<1x1x100xi32, #tpu.memory_space<vmem>>
      %dma_wait3A_349 = tpu.memref_squeeze %dma_wait3A_348 : memref<1x1x100xi32, #tpu.memory_space<vmem>> -> memref<100xi32, #tpu.memory_space<vmem>>
      %dma_wait3A_350 = arith.constant 0 : i32
      %dma_wait3A_351 = arith.constant 0 : i32
      %dma_wait3A_352 = tpu.memref_slice %arg4[%dma_wait3A_350, %dma_wait3A_351] : memref<100000x128xf32, #tpu.memory_space<hbm>> -> memref<100000x128xf32, #tpu.memory_space<hbm>>
      tpu.wait_indirect_dma semaphore(%arg15 : memref<!tpu.dma_semaphore, #tpu.memory_space<semaphore_mem>>) src(%dma_wait3A_352 : memref<100000x128xf32, #tpu.memory_space<hbm>>) dst(%dma_wait3A_346 : memref<100x128xf32, #tpu.memory_space<vmem>>)
      %dma_wait3A_353 = arith.constant 3 : i32
      %dma_wait3A_354 = arith.constant 1 : i32
      %dma_wait3A_355 = arith.constant 100 : i32
      %dma_wait3A_356 = arith.constant 0 : i32
      %dma_wait3A_357 = tpu.memref_slice %arg11[%dma_wait3A_355, %dma_wait3A_356] : memref<200x128xf32, #tpu.memory_space<vmem>> -> memref<100x128xf32, #tpu.memory_space<vmem>>
      %dma_wait3A_358 = arith.constant 0 : i32
      %dma_wait3A_359 = tpu.memref_slice %arg7[%dma_wait3A_353, %dma_wait3A_354, %dma_wait3A_358] : memref<4x2x100xi32, #tpu.memory_space<vmem>> -> memref<1x1x100xi32, #tpu.memory_space<vmem>>
      %dma_wait3A_360 = tpu.memref_squeeze %dma_wait3A_359 : memref<1x1x100xi32, #tpu.memory_space<vmem>> -> memref<100xi32, #tpu.memory_space<vmem>>
      %dma_wait3A_361 = arith.constant 0 : i32
      %dma_wait3A_362 = arith.constant 0 : i32
      %dma_wait3A_363 = tpu.memref_slice %arg4[%dma_wait3A_361, %dma_wait3A_362] : memref<100000x128xf32, #tpu.memory_space<hbm>> -> memref<100000x128xf32, #tpu.memory_space<hbm>>
      tpu.wait_indirect_dma semaphore(%arg15 : memref<!tpu.dma_semaphore, #tpu.memory_space<semaphore_mem>>) src(%dma_wait3A_363 : memref<100000x128xf32, #tpu.memory_space<hbm>>) dst(%dma_wait3A_357 : memref<100x128xf32, #tpu.memory_space<vmem>>)
      %scan3A_364 = arith.constant 0 : i32
      %scan3A_365 = arith.constant 50 : i32
      %scan3A_366 = arith.addi %scan3A_364, %scan3A_365 : i32
      %scan3A_367 = arith.constant 1 : i32
      scf.for %scan3A_378 = %scan3A_364 to %scan3A_366 step %scan3A_367  : i32 {
        %mul3A_379 = arith.constant 4 : i32
        %mul3A_380 = arith.muli %scan3A_378, %mul3A_379 : i32
        %add3A_381 = arith.constant 0 : i32
        %add3A_382 = arith.addi %mul3A_380, %add3A_381 : i32
        %add3A_383 = arith.constant 0 : i32
        %add3A_384 = arith.addi %mul3A_380, %add3A_383 : i32
        %get3A = arith.index_cast %add3A_384 : i32 to index
        %get3A_385 = arith.constant 0 : index
        %get3A_386 = tpu.vector_load %arg6[%get3A, %get3A_385] {strides = array<i32>} : memref<200x128xf32, #tpu.memory_space<vmem>>, vector<1x16xf32>,
        %get3A_387 = vector.shape_cast %get3A_386 : vector<1x16xf32> to vector<16xf32>
        %swap3A = arith.index_cast %add3A_382 : i32 to index
        %swap3A_388 = arith.constant 0 : index
        %swap3A_389 = tpu.vector_load %arg11[%swap3A, %swap3A_388] {strides = array<i32>} : memref<200x128xf32, #tpu.memory_space<vmem>>, vector<1x16xf32>,
        %swap3A_390 = vector.shape_cast %swap3A_389 : vector<1x16xf32> to vector<16xf32>
        %swap3A_391 = vector.shape_cast %get3A_387 : vector<16xf32> to vector<1x16xf32>
        tpu.vector_store %arg11[%swap3A, %swap3A_388], %swap3A_391 {add = true, strides = array<i32>} : memref<200x128xf32, #tpu.memory_space<vmem>>, vector<1x16xf32>,
        %add3A_392 = arith.constant 0 : i32
        %add3A_393 = arith.addi %mul3A_380, %add3A_392 : i32
        %add3A_394 = arith.constant 0 : i32
        %add3A_395 = arith.addi %mul3A_380, %add3A_394 : i32
        %get3A_396 = arith.index_cast %add3A_395 : i32 to index
        %get3A_397 = arith.constant 16 : index
        %get3A_398 = tpu.vector_load %arg6[%get3A_396, %get3A_397] {strides = array<i32>} : memref<200x128xf32, #tpu.memory_space<vmem>>, vector<1x16xf32>,
        %get3A_399 = vector.shape_cast %get3A_398 : vector<1x16xf32> to vector<16xf32>
        %swap3A_400 = arith.index_cast %add3A_393 : i32 to index
        %swap3A_401 = arith.constant 16 : index
        %swap3A_402 = tpu.vector_load %arg11[%swap3A_400, %swap3A_401] {strides = array<i32>} : memref<200x128xf32, #tpu.memory_space<vmem>>, vector<1x16xf32>,
        %swap3A_403 = vector.shape_cast %swap3A_402 : vector<1x16xf32> to vector<16xf32>
        %swap3A_404 = vector.shape_cast %get3A_399 : vector<16xf32> to vector<1x16xf32>
        tpu.vector_store %arg11[%swap3A_400, %swap3A_401], %swap3A_404 {add = true, strides = array<i32>} : memref<200x128xf32, #tpu.memory_space<vmem>>, vector<1x16xf32>,
        %add3A_405 = arith.constant 0 : i32
        %add3A_406 = arith.addi %mul3A_380, %add3A_405 : i32
        %add3A_407 = arith.constant 0 : i32
        %add3A_408 = arith.addi %mul3A_380, %add3A_407 : i32
        %get3A_409 = arith.index_cast %add3A_408 : i32 to index
        %get3A_410 = arith.constant 32 : index
        %get3A_411 = tpu.vector_load %arg6[%get3A_409, %get3A_410] {strides = array<i32>} : memref<200x128xf32, #tpu.memory_space<vmem>>, vector<1x16xf32>,
        %get3A_412 = vector.shape_cast %get3A_411 : vector<1x16xf32> to vector<16xf32>
        %swap3A_413 = arith.index_cast %add3A_406 : i32 to index
        %swap3A_414 = arith.constant 32 : index
        %swap3A_415 = tpu.vector_load %arg11[%swap3A_413, %swap3A_414] {strides = array<i32>} : memref<200x128xf32, #tpu.memory_space<vmem>>, vector<1x16xf32>,
        %swap3A_416 = vector.shape_cast %swap3A_415 : vector<1x16xf32> to vector<16xf32>
        %swap3A_417 = vector.shape_cast %get3A_412 : vector<16xf32> to vector<1x16xf32>
        tpu.vector_store %arg11[%swap3A_413, %swap3A_414], %swap3A_417 {add = true, strides = array<i32>} : memref<200x128xf32, #tpu.memory_space<vmem>>, vector<1x16xf32>,
        %add3A_418 = arith.constant 0 : i32
        %add3A_419 = arith.addi %mul3A_380, %add3A_418 : i32
        %add3A_420 = arith.constant 0 : i32
        %add3A_421 = arith.addi %mul3A_380, %add3A_420 : i32
        %get3A_422 = arith.index_cast %add3A_421 : i32 to index
        %get3A_423 = arith.constant 48 : index
        %get3A_424 = tpu.vector_load %arg6[%get3A_422, %get3A_423] {strides = array<i32>} : memref<200x128xf32, #tpu.memory_space<vmem>>, vector<1x16xf32>,
        %get3A_425 = vector.shape_cast %get3A_424 : vector<1x16xf32> to vector<16xf32>
        %swap3A_426 = arith.index_cast %add3A_419 : i32 to index
        %swap3A_427 = arith.constant 48 : index
        %swap3A_428 = tpu.vector_load %arg11[%swap3A_426, %swap3A_427] {strides = array<i32>} : memref<200x128xf32, #tpu.memory_space<vmem>>, vector<1x16xf32>,
        %swap3A_429 = vector.shape_cast %swap3A_428 : vector<1x16xf32> to vector<16xf32>
        %swap3A_430 = vector.shape_cast %get3A_425 : vector<16xf32> to vector<1x16xf32>
        tpu.vector_store %arg11[%swap3A_426, %swap3A_427], %swap3A_430 {add = true, strides = array<i32>} : memref<200x128xf32, #tpu.memory_space<vmem>>, vector<1x16xf32>,
        %add3A_431 = arith.constant 0 : i32
        %add3A_432 = arith.addi %mul3A_380, %add3A_431 : i32
        %add3A_433 = arith.constant 0 : i32
        %add3A_434 = arith.addi %mul3A_380, %add3A_433 : i32
        %get3A_435 = arith.index_cast %add3A_434 : i32 to index
        %get3A_436 = arith.constant 64 : index
        %get3A_437 = tpu.vector_load %arg6[%get3A_435, %get3A_436] {strides = array<i32>} : memref<200x128xf32, #tpu.memory_space<vmem>>, vector<1x16xf32>,
        %get3A_438 = vector.shape_cast %get3A_437 : vector<1x16xf32> to vector<16xf32>
        %swap3A_439 = arith.index_cast %add3A_432 : i32 to index
        %swap3A_440 = arith.constant 64 : index
        %swap3A_441 = tpu.vector_load %arg11[%swap3A_439, %swap3A_440] {strides = array<i32>} : memref<200x128xf32, #tpu.memory_space<vmem>>, vector<1x16xf32>,
        %swap3A_442 = vector.shape_cast %swap3A_441 : vector<1x16xf32> to vector<16xf32>
        %swap3A_443 = vector.shape_cast %get3A_438 : vector<16xf32> to vector<1x16xf32>
        tpu.vector_store %arg11[%swap3A_439, %swap3A_440], %swap3A_443 {add = true, strides = array<i32>} : memref<200x128xf32, #tpu.memory_space<vmem>>, vector<1x16xf32>,
        %add3A_444 = arith.constant 0 : i32
        %add3A_445 = arith.addi %mul3A_380, %add3A_444 : i32
        %add3A_446 = arith.constant 0 : i32
        %add3A_447 = arith.addi %mul3A_380, %add3A_446 : i32
        %get3A_448 = arith.index_cast %add3A_447 : i32 to index
        %get3A_449 = arith.constant 80 : index
        %get3A_450 = tpu.vector_load %arg6[%get3A_448, %get3A_449] {strides = array<i32>} : memref<200x128xf32, #tpu.memory_space<vmem>>, vector<1x16xf32>,
        %get3A_451 = vector.shape_cast %get3A_450 : vector<1x16xf32> to vector<16xf32>
        %swap3A_452 = arith.index_cast %add3A_445 : i32 to index
        %swap3A_453 = arith.constant 80 : index
        %swap3A_454 = tpu.vector_load %arg11[%swap3A_452, %swap3A_453] {strides = array<i32>} : memref<200x128xf32, #tpu.memory_space<vmem>>, vector<1x16xf32>,
        %swap3A_455 = vector.shape_cast %swap3A_454 : vector<1x16xf32> to vector<16xf32>
        %swap3A_456 = vector.shape_cast %get3A_451 : vector<16xf32> to vector<1x16xf32>
        tpu.vector_store %arg11[%swap3A_452, %swap3A_453], %swap3A_456 {add = true, strides = array<i32>} : memref<200x128xf32, #tpu.memory_space<vmem>>, vector<1x16xf32>,
        %add3A_457 = arith.constant 0 : i32
        %add3A_458 = arith.addi %mul3A_380, %add3A_457 : i32
        %add3A_459 = arith.constant 0 : i32
        %add3A_460 = arith.addi %mul3A_380, %add3A_459 : i32
        %get3A_461 = arith.index_cast %add3A_460 : i32 to index
        %get3A_462 = arith.constant 96 : index
        %get3A_463 = tpu.vector_load %arg6[%get3A_461, %get3A_462] {strides = array<i32>} : memref<200x128xf32, #tpu.memory_space<vmem>>, vector<1x16xf32>,
        %get3A_464 = vector.shape_cast %get3A_463 : vector<1x16xf32> to vector<16xf32>
        %swap3A_465 = arith.index_cast %add3A_458 : i32 to index
        %swap3A_466 = arith.constant 96 : index
        %swap3A_467 = tpu.vector_load %arg11[%swap3A_465, %swap3A_466] {strides = array<i32>} : memref<200x128xf32, #tpu.memory_space<vmem>>, vector<1x16xf32>,
        %swap3A_468 = vector.shape_cast %swap3A_467 : vector<1x16xf32> to vector<16xf32>
        %swap3A_469 = vector.shape_cast %get3A_464 : vector<16xf32> to vector<1x16xf32>
        tpu.vector_store %arg11[%swap3A_465, %swap3A_466], %swap3A_469 {add = true, strides = array<i32>} : memref<200x128xf32, #tpu.memory_space<vmem>>, vector<1x16xf32>,
        %add3A_470 = arith.constant 0 : i32
        %add3A_471 = arith.addi %mul3A_380, %add3A_470 : i32
        %add3A_472 = arith.constant 0 : i32
        %add3A_473 = arith.addi %mul3A_380, %add3A_472 : i32
        %get3A_474 = arith.index_cast %add3A_473 : i32 to index
        %get3A_475 = arith.constant 112 : index
        %get3A_476 = tpu.vector_load %arg6[%get3A_474, %get3A_475] {strides = array<i32>} : memref<200x128xf32, #tpu.memory_space<vmem>>, vector<1x16xf32>,
        %get3A_477 = vector.shape_cast %get3A_476 : vector<1x16xf32> to vector<16xf32>
        %swap3A_478 = arith.index_cast %add3A_471 : i32 to index
        %swap3A_479 = arith.constant 112 : index
        %swap3A_480 = tpu.vector_load %arg11[%swap3A_478, %swap3A_479] {strides = array<i32>} : memref<200x128xf32, #tpu.memory_space<vmem>>, vector<1x16xf32>,
        %swap3A_481 = vector.shape_cast %swap3A_480 : vector<1x16xf32> to vector<16xf32>
        %swap3A_482 = vector.shape_cast %get3A_477 : vector<16xf32> to vector<1x16xf32>
        tpu.vector_store %arg11[%swap3A_478, %swap3A_479], %swap3A_482 {add = true, strides = array<i32>} : memref<200x128xf32, #tpu.memory_space<vmem>>, vector<1x16xf32>,
        %add3A_483 = arith.constant 1 : i32
        %add3A_484 = arith.addi %mul3A_380, %add3A_483 : i32
        %add3A_485 = arith.constant 1 : i32
        %add3A_486 = arith.addi %mul3A_380, %add3A_485 : i32
        %get3A_487 = arith.index_cast %add3A_486 : i32 to index
        %get3A_488 = arith.constant 0 : index
        %get3A_489 = tpu.vector_load %arg6[%get3A_487, %get3A_488] {strides = array<i32>} : memref<200x128xf32, #tpu.memory_space<vmem>>, vector<1x16xf32>,
        %get3A_490 = vector.shape_cast %get3A_489 : vector<1x16xf32> to vector<16xf32>
        %swap3A_491 = arith.index_cast %add3A_484 : i32 to index
        %swap3A_492 = arith.constant 0 : index
        %swap3A_493 = tpu.vector_load %arg11[%swap3A_491, %swap3A_492] {strides = array<i32>} : memref<200x128xf32, #tpu.memory_space<vmem>>, vector<1x16xf32>,
        %swap3A_494 = vector.shape_cast %swap3A_493 : vector<1x16xf32> to vector<16xf32>
        %swap3A_495 = vector.shape_cast %get3A_490 : vector<16xf32> to vector<1x16xf32>
        tpu.vector_store %arg11[%swap3A_491, %swap3A_492], %swap3A_495 {add = true, strides = array<i32>} : memref<200x128xf32, #tpu.memory_space<vmem>>, vector<1x16xf32>,
        %add3A_496 = arith.constant 1 : i32
        %add3A_497 = arith.addi %mul3A_380, %add3A_496 : i32
        %add3A_498 = arith.constant 1 : i32
        %add3A_499 = arith.addi %mul3A_380, %add3A_498 : i32
        %get3A_500 = arith.index_cast %add3A_499 : i32 to index
        %get3A_501 = arith.constant 16 : index
        %get3A_502 = tpu.vector_load %arg6[%get3A_500, %get3A_501] {strides = array<i32>} : memref<200x128xf32, #tpu.memory_space<vmem>>, vector<1x16xf32>,
        %get3A_503 = vector.shape_cast %get3A_502 : vector<1x16xf32> to vector<16xf32>
        %swap3A_504 = arith.index_cast %add3A_497 : i32 to index
        %swap3A_505 = arith.constant 16 : index
        %swap3A_506 = tpu.vector_load %arg11[%swap3A_504, %swap3A_505] {strides = array<i32>} : memref<200x128xf32, #tpu.memory_space<vmem>>, vector<1x16xf32>,
        %swap3A_507 = vector.shape_cast %swap3A_506 : vector<1x16xf32> to vector<16xf32>
        %swap3A_508 = vector.shape_cast %get3A_503 : vector<16xf32> to vector<1x16xf32>
        tpu.vector_store %arg11[%swap3A_504, %swap3A_505], %swap3A_508 {add = true, strides = array<i32>} : memref<200x128xf32, #tpu.memory_space<vmem>>, vector<1x16xf32>,
        %add3A_509 = arith.constant 1 : i32
        %add3A_510 = arith.addi %mul3A_380, %add3A_509 : i32
        %add3A_511 = arith.constant 1 : i32
        %add3A_512 = arith.addi %mul3A_380, %add3A_511 : i32
        %get3A_513 = arith.index_cast %add3A_512 : i32 to index
        %get3A_514 = arith.constant 32 : index
        %get3A_515 = tpu.vector_load %arg6[%get3A_513, %get3A_514] {strides = array<i32>} : memref<200x128xf32, #tpu.memory_space<vmem>>, vector<1x16xf32>,
        %get3A_516 = vector.shape_cast %get3A_515 : vector<1x16xf32> to vector<16xf32>
        %swap3A_517 = arith.index_cast %add3A_510 : i32 to index
        %swap3A_518 = arith.constant 32 : index
        %swap3A_519 = tpu.vector_load %arg11[%swap3A_517, %swap3A_518] {strides = array<i32>} : memref<200x128xf32, #tpu.memory_space<vmem>>, vector<1x16xf32>,
        %swap3A_520 = vector.shape_cast %swap3A_519 : vector<1x16xf32> to vector<16xf32>
        %swap3A_521 = vector.shape_cast %get3A_516 : vector<16xf32> to vector<1x16xf32>
        tpu.vector_store %arg11[%swap3A_517, %swap3A_518], %swap3A_521 {add = true, strides = array<i32>} : memref<200x128xf32, #tpu.memory_space<vmem>>, vector<1x16xf32>,
        %add3A_522 = arith.constant 1 : i32
        %add3A_523 = arith.addi %mul3A_380, %add3A_522 : i32
        %add3A_524 = arith.constant 1 : i32
        %add3A_525 = arith.addi %mul3A_380, %add3A_524 : i32
        %get3A_526 = arith.index_cast %add3A_525 : i32 to index
        %get3A_527 = arith.constant 48 : index
        %get3A_528 = tpu.vector_load %arg6[%get3A_526, %get3A_527] {strides = array<i32>} : memref<200x128xf32, #tpu.memory_space<vmem>>, vector<1x16xf32>,
        %get3A_529 = vector.shape_cast %get3A_528 : vector<1x16xf32> to vector<16xf32>
        %swap3A_530 = arith.index_cast %add3A_523 : i32 to index
        %swap3A_531 = arith.constant 48 : index
        %swap3A_532 = tpu.vector_load %arg11[%swap3A_530, %swap3A_531] {strides = array<i32>} : memref<200x128xf32, #tpu.memory_space<vmem>>, vector<1x16xf32>,
        %swap3A_533 = vector.shape_cast %swap3A_532 : vector<1x16xf32> to vector<16xf32>
        %swap3A_534 = vector.shape_cast %get3A_529 : vector<16xf32> to vector<1x16xf32>
        tpu.vector_store %arg11[%swap3A_530, %swap3A_531], %swap3A_534 {add = true, strides = array<i32>} : memref<200x128xf32, #tpu.memory_space<vmem>>, vector<1x16xf32>,
        %add3A_535 = arith.constant 1 : i32
        %add3A_536 = arith.addi %mul3A_380, %add3A_535 : i32
        %add3A_537 = arith.constant 1 : i32
        %add3A_538 = arith.addi %mul3A_380, %add3A_537 : i32
        %get3A_539 = arith.index_cast %add3A_538 : i32 to index
        %get3A_540 = arith.constant 64 : index
        %get3A_541 = tpu.vector_load %arg6[%get3A_539, %get3A_540] {strides = array<i32>} : memref<200x128xf32, #tpu.memory_space<vmem>>, vector<1x16xf32>,
        %get3A_542 = vector.shape_cast %get3A_541 : vector<1x16xf32> to vector<16xf32>
        %swap3A_543 = arith.index_cast %add3A_536 : i32 to index
        %swap3A_544 = arith.constant 64 : index
        %swap3A_545 = tpu.vector_load %arg11[%swap3A_543, %swap3A_544] {strides = array<i32>} : memref<200x128xf32, #tpu.memory_space<vmem>>, vector<1x16xf32>,
        %swap3A_546 = vector.shape_cast %swap3A_545 : vector<1x16xf32> to vector<16xf32>
        %swap3A_547 = vector.shape_cast %get3A_542 : vector<16xf32> to vector<1x16xf32>
        tpu.vector_store %arg11[%swap3A_543, %swap3A_544], %swap3A_547 {add = true, strides = array<i32>} : memref<200x128xf32, #tpu.memory_space<vmem>>, vector<1x16xf32>,
        %add3A_548 = arith.constant 1 : i32
        %add3A_549 = arith.addi %mul3A_380, %add3A_548 : i32
        %add3A_550 = arith.constant 1 : i32
        %add3A_551 = arith.addi %mul3A_380, %add3A_550 : i32
        %get3A_552 = arith.index_cast %add3A_551 : i32 to index
        %get3A_553 = arith.constant 80 : index
        %get3A_554 = tpu.vector_load %arg6[%get3A_552, %get3A_553] {strides = array<i32>} : memref<200x128xf32, #tpu.memory_space<vmem>>, vector<1x16xf32>,
        %get3A_555 = vector.shape_cast %get3A_554 : vector<1x16xf32> to vector<16xf32>
        %swap3A_556 = arith.index_cast %add3A_549 : i32 to index
        %swap3A_557 = arith.constant 80 : index
        %swap3A_558 = tpu.vector_load %arg11[%swap3A_556, %swap3A_557] {strides = array<i32>} : memref<200x128xf32, #tpu.memory_space<vmem>>, vector<1x16xf32>,
        %swap3A_559 = vector.shape_cast %swap3A_558 : vector<1x16xf32> to vector<16xf32>
        %swap3A_560 = vector.shape_cast %get3A_555 : vector<16xf32> to vector<1x16xf32>
        tpu.vector_store %arg11[%swap3A_556, %swap3A_557], %swap3A_560 {add = true, strides = array<i32>} : memref<200x128xf32, #tpu.memory_space<vmem>>, vector<1x16xf32>,
        %add3A_561 = arith.constant 1 : i32
        %add3A_562 = arith.addi %mul3A_380, %add3A_561 : i32
        %add3A_563 = arith.constant 1 : i32
        %add3A_564 = arith.addi %mul3A_380, %add3A_563 : i32
        %get3A_565 = arith.index_cast %add3A_564 : i32 to index
        %get3A_566 = arith.constant 96 : index
        %get3A_567 = tpu.vector_load %arg6[%get3A_565, %get3A_566] {strides = array<i32>} : memref<200x128xf32, #tpu.memory_space<vmem>>, vector<1x16xf32>,
        %get3A_568 = vector.shape_cast %get3A_567 : vector<1x16xf32> to vector<16xf32>
        %swap3A_569 = arith.index_cast %add3A_562 : i32 to index
        %swap3A_570 = arith.constant 96 : index
        %swap3A_571 = tpu.vector_load %arg11[%swap3A_569, %swap3A_570] {strides = array<i32>} : memref<200x128xf32, #tpu.memory_space<vmem>>, vector<1x16xf32>,
        %swap3A_572 = vector.shape_cast %swap3A_571 : vector<1x16xf32> to vector<16xf32>
        %swap3A_573 = vector.shape_cast %get3A_568 : vector<16xf32> to vector<1x16xf32>
        tpu.vector_store %arg11[%swap3A_569, %swap3A_570], %swap3A_573 {add = true, strides = array<i32>} : memref<200x128xf32, #tpu.memory_space<vmem>>, vector<1x16xf32>,
        %add3A_574 = arith.constant 1 : i32
        %add3A_575 = arith.addi %mul3A_380, %add3A_574 : i32
        %add3A_576 = arith.constant 1 : i32
        %add3A_577 = arith.addi %mul3A_380, %add3A_576 : i32
        %get3A_578 = arith.index_cast %add3A_577 : i32 to index
        %get3A_579 = arith.constant 112 : index
        %get3A_580 = tpu.vector_load %arg6[%get3A_578, %get3A_579] {strides = array<i32>} : memref<200x128xf32, #tpu.memory_space<vmem>>, vector<1x16xf32>,
        %get3A_581 = vector.shape_cast %get3A_580 : vector<1x16xf32> to vector<16xf32>
        %swap3A_582 = arith.index_cast %add3A_575 : i32 to index
        %swap3A_583 = arith.constant 112 : index
        %swap3A_584 = tpu.vector_load %arg11[%swap3A_582, %swap3A_583] {strides = array<i32>} : memref<200x128xf32, #tpu.memory_space<vmem>>, vector<1x16xf32>,
        %swap3A_585 = vector.shape_cast %swap3A_584 : vector<1x16xf32> to vector<16xf32>
        %swap3A_586 = vector.shape_cast %get3A_581 : vector<16xf32> to vector<1x16xf32>
        tpu.vector_store %arg11[%swap3A_582, %swap3A_583], %swap3A_586 {add = true, strides = array<i32>} : memref<200x128xf32, #tpu.memory_space<vmem>>, vector<1x16xf32>,
        %add3A_587 = arith.constant 2 : i32
        %add3A_588 = arith.addi %mul3A_380, %add3A_587 : i32
        %add3A_589 = arith.constant 2 : i32
        %add3A_590 = arith.addi %mul3A_380, %add3A_589 : i32
        %get3A_591 = arith.index_cast %add3A_590 : i32 to index
        %get3A_592 = arith.constant 0 : index
        %get3A_593 = tpu.vector_load %arg6[%get3A_591, %get3A_592] {strides = array<i32>} : memref<200x128xf32, #tpu.memory_space<vmem>>, vector<1x16xf32>,
        %get3A_594 = vector.shape_cast %get3A_593 : vector<1x16xf32> to vector<16xf32>
        %swap3A_595 = arith.index_cast %add3A_588 : i32 to index
        %swap3A_596 = arith.constant 0 : index
        %swap3A_597 = tpu.vector_load %arg11[%swap3A_595, %swap3A_596] {strides = array<i32>} : memref<200x128xf32, #tpu.memory_space<vmem>>, vector<1x16xf32>,
        %swap3A_598 = vector.shape_cast %swap3A_597 : vector<1x16xf32> to vector<16xf32>
        %swap3A_599 = vector.shape_cast %get3A_594 : vector<16xf32> to vector<1x16xf32>
        tpu.vector_store %arg11[%swap3A_595, %swap3A_596], %swap3A_599 {add = true, strides = array<i32>} : memref<200x128xf32, #tpu.memory_space<vmem>>, vector<1x16xf32>,
        %add3A_600 = arith.constant 2 : i32
        %add3A_601 = arith.addi %mul3A_380, %add3A_600 : i32
        %add3A_602 = arith.constant 2 : i32
        %add3A_603 = arith.addi %mul3A_380, %add3A_602 : i32
        %get3A_604 = arith.index_cast %add3A_603 : i32 to index
        %get3A_605 = arith.constant 16 : index
        %get3A_606 = tpu.vector_load %arg6[%get3A_604, %get3A_605] {strides = array<i32>} : memref<200x128xf32, #tpu.memory_space<vmem>>, vector<1x16xf32>,
        %get3A_607 = vector.shape_cast %get3A_606 : vector<1x16xf32> to vector<16xf32>
        %swap3A_608 = arith.index_cast %add3A_601 : i32 to index
        %swap3A_609 = arith.constant 16 : index
        %swap3A_610 = tpu.vector_load %arg11[%swap3A_608, %swap3A_609] {strides = array<i32>} : memref<200x128xf32, #tpu.memory_space<vmem>>, vector<1x16xf32>,
        %swap3A_611 = vector.shape_cast %swap3A_610 : vector<1x16xf32> to vector<16xf32>
        %swap3A_612 = vector.shape_cast %get3A_607 : vector<16xf32> to vector<1x16xf32>
        tpu.vector_store %arg11[%swap3A_608, %swap3A_609], %swap3A_612 {add = true, strides = array<i32>} : memref<200x128xf32, #tpu.memory_space<vmem>>, vector<1x16xf32>,
        %add3A_613 = arith.constant 2 : i32
        %add3A_614 = arith.addi %mul3A_380, %add3A_613 : i32
        %add3A_615 = arith.constant 2 : i32
        %add3A_616 = arith.addi %mul3A_380, %add3A_615 : i32
        %get3A_617 = arith.index_cast %add3A_616 : i32 to index
        %get3A_618 = arith.constant 32 : index
        %get3A_619 = tpu.vector_load %arg6[%get3A_617, %get3A_618] {strides = array<i32>} : memref<200x128xf32, #tpu.memory_space<vmem>>, vector<1x16xf32>,
        %get3A_620 = vector.shape_cast %get3A_619 : vector<1x16xf32> to vector<16xf32>
        %swap3A_621 = arith.index_cast %add3A_614 : i32 to index
        %swap3A_622 = arith.constant 32 : index
        %swap3A_623 = tpu.vector_load %arg11[%swap3A_621, %swap3A_622] {strides = array<i32>} : memref<200x128xf32, #tpu.memory_space<vmem>>, vector<1x16xf32>,
        %swap3A_624 = vector.shape_cast %swap3A_623 : vector<1x16xf32> to vector<16xf32>
        %swap3A_625 = vector.shape_cast %get3A_620 : vector<16xf32> to vector<1x16xf32>
        tpu.vector_store %arg11[%swap3A_621, %swap3A_622], %swap3A_625 {add = true, strides = array<i32>} : memref<200x128xf32, #tpu.memory_space<vmem>>, vector<1x16xf32>,
        %add3A_626 = arith.constant 2 : i32
        %add3A_627 = arith.addi %mul3A_380, %add3A_626 : i32
        %add3A_628 = arith.constant 2 : i32
        %add3A_629 = arith.addi %mul3A_380, %add3A_628 : i32
        %get3A_630 = arith.index_cast %add3A_629 : i32 to index
        %get3A_631 = arith.constant 48 : index
        %get3A_632 = tpu.vector_load %arg6[%get3A_630, %get3A_631] {strides = array<i32>} : memref<200x128xf32, #tpu.memory_space<vmem>>, vector<1x16xf32>,
        %get3A_633 = vector.shape_cast %get3A_632 : vector<1x16xf32> to vector<16xf32>
        %swap3A_634 = arith.index_cast %add3A_627 : i32 to index
        %swap3A_635 = arith.constant 48 : index
        %swap3A_636 = tpu.vector_load %arg11[%swap3A_634, %swap3A_635] {strides = array<i32>} : memref<200x128xf32, #tpu.memory_space<vmem>>, vector<1x16xf32>,
        %swap3A_637 = vector.shape_cast %swap3A_636 : vector<1x16xf32> to vector<16xf32>
        %swap3A_638 = vector.shape_cast %get3A_633 : vector<16xf32> to vector<1x16xf32>
        tpu.vector_store %arg11[%swap3A_634, %swap3A_635], %swap3A_638 {add = true, strides = array<i32>} : memref<200x128xf32, #tpu.memory_space<vmem>>, vector<1x16xf32>,
        %add3A_639 = arith.constant 2 : i32
        %add3A_640 = arith.addi %mul3A_380, %add3A_639 : i32
        %add3A_641 = arith.constant 2 : i32
        %add3A_642 = arith.addi %mul3A_380, %add3A_641 : i32
        %get3A_643 = arith.index_cast %add3A_642 : i32 to index
        %get3A_644 = arith.constant 64 : index
        %get3A_645 = tpu.vector_load %arg6[%get3A_643, %get3A_644] {strides = array<i32>} : memref<200x128xf32, #tpu.memory_space<vmem>>, vector<1x16xf32>,
        %get3A_646 = vector.shape_cast %get3A_645 : vector<1x16xf32> to vector<16xf32>
        %swap3A_647 = arith.index_cast %add3A_640 : i32 to index
        %swap3A_648 = arith.constant 64 : index
        %swap3A_649 = tpu.vector_load %arg11[%swap3A_647, %swap3A_648] {strides = array<i32>} : memref<200x128xf32, #tpu.memory_space<vmem>>, vector<1x16xf32>,
        %swap3A_650 = vector.shape_cast %swap3A_649 : vector<1x16xf32> to vector<16xf32>
        %swap3A_651 = vector.shape_cast %get3A_646 : vector<16xf32> to vector<1x16xf32>
        tpu.vector_store %arg11[%swap3A_647, %swap3A_648], %swap3A_651 {add = true, strides = array<i32>} : memref<200x128xf32, #tpu.memory_space<vmem>>, vector<1x16xf32>,
        %add3A_652 = arith.constant 2 : i32
        %add3A_653 = arith.addi %mul3A_380, %add3A_652 : i32
        %add3A_654 = arith.constant 2 : i32
        %add3A_655 = arith.addi %mul3A_380, %add3A_654 : i32
        %get3A_656 = arith.index_cast %add3A_655 : i32 to index
        %get3A_657 = arith.constant 80 : index
        %get3A_658 = tpu.vector_load %arg6[%get3A_656, %get3A_657] {strides = array<i32>} : memref<200x128xf32, #tpu.memory_space<vmem>>, vector<1x16xf32>,
        %get3A_659 = vector.shape_cast %get3A_658 : vector<1x16xf32> to vector<16xf32>
        %swap3A_660 = arith.index_cast %add3A_653 : i32 to index
        %swap3A_661 = arith.constant 80 : index
        %swap3A_662 = tpu.vector_load %arg11[%swap3A_660, %swap3A_661] {strides = array<i32>} : memref<200x128xf32, #tpu.memory_space<vmem>>, vector<1x16xf32>,
        %swap3A_663 = vector.shape_cast %swap3A_662 : vector<1x16xf32> to vector<16xf32>
        %swap3A_664 = vector.shape_cast %get3A_659 : vector<16xf32> to vector<1x16xf32>
        tpu.vector_store %arg11[%swap3A_660, %swap3A_661], %swap3A_664 {add = true, strides = array<i32>} : memref<200x128xf32, #tpu.memory_space<vmem>>, vector<1x16xf32>,
        %add3A_665 = arith.constant 2 : i32
        %add3A_666 = arith.addi %mul3A_380, %add3A_665 : i32
        %add3A_667 = arith.constant 2 : i32
        %add3A_668 = arith.addi %mul3A_380, %add3A_667 : i32
        %get3A_669 = arith.index_cast %add3A_668 : i32 to index
        %get3A_670 = arith.constant 96 : index
        %get3A_671 = tpu.vector_load %arg6[%get3A_669, %get3A_670] {strides = array<i32>} : memref<200x128xf32, #tpu.memory_space<vmem>>, vector<1x16xf32>,
        %get3A_672 = vector.shape_cast %get3A_671 : vector<1x16xf32> to vector<16xf32>
        %swap3A_673 = arith.index_cast %add3A_666 : i32 to index
        %swap3A_674 = arith.constant 96 : index
        %swap3A_675 = tpu.vector_load %arg11[%swap3A_673, %swap3A_674] {strides = array<i32>} : memref<200x128xf32, #tpu.memory_space<vmem>>, vector<1x16xf32>,
        %swap3A_676 = vector.shape_cast %swap3A_675 : vector<1x16xf32> to vector<16xf32>
        %swap3A_677 = vector.shape_cast %get3A_672 : vector<16xf32> to vector<1x16xf32>
        tpu.vector_store %arg11[%swap3A_673, %swap3A_674], %swap3A_677 {add = true, strides = array<i32>} : memref<200x128xf32, #tpu.memory_space<vmem>>, vector<1x16xf32>,
        %add3A_678 = arith.constant 2 : i32
        %add3A_679 = arith.addi %mul3A_380, %add3A_678 : i32
        %add3A_680 = arith.constant 2 : i32
        %add3A_681 = arith.addi %mul3A_380, %add3A_680 : i32
        %get3A_682 = arith.index_cast %add3A_681 : i32 to index
        %get3A_683 = arith.constant 112 : index
        %get3A_684 = tpu.vector_load %arg6[%get3A_682, %get3A_683] {strides = array<i32>} : memref<200x128xf32, #tpu.memory_space<vmem>>, vector<1x16xf32>,
        %get3A_685 = vector.shape_cast %get3A_684 : vector<1x16xf32> to vector<16xf32>
        %swap3A_686 = arith.index_cast %add3A_679 : i32 to index
        %swap3A_687 = arith.constant 112 : index
        %swap3A_688 = tpu.vector_load %arg11[%swap3A_686, %swap3A_687] {strides = array<i32>} : memref<200x128xf32, #tpu.memory_space<vmem>>, vector<1x16xf32>,
        %swap3A_689 = vector.shape_cast %swap3A_688 : vector<1x16xf32> to vector<16xf32>
        %swap3A_690 = vector.shape_cast %get3A_685 : vector<16xf32> to vector<1x16xf32>
        tpu.vector_store %arg11[%swap3A_686, %swap3A_687], %swap3A_690 {add = true, strides = array<i32>} : memref<200x128xf32, #tpu.memory_space<vmem>>, vector<1x16xf32>,
        %add3A_691 = arith.constant 3 : i32
        %add3A_692 = arith.addi %mul3A_380, %add3A_691 : i32
        %add3A_693 = arith.constant 3 : i32
        %add3A_694 = arith.addi %mul3A_380, %add3A_693 : i32
        %get3A_695 = arith.index_cast %add3A_694 : i32 to index
        %get3A_696 = arith.constant 0 : index
        %get3A_697 = tpu.vector_load %arg6[%get3A_695, %get3A_696] {strides = array<i32>} : memref<200x128xf32, #tpu.memory_space<vmem>>, vector<1x16xf32>,
        %get3A_698 = vector.shape_cast %get3A_697 : vector<1x16xf32> to vector<16xf32>
        %swap3A_699 = arith.index_cast %add3A_692 : i32 to index
        %swap3A_700 = arith.constant 0 : index
        %swap3A_701 = tpu.vector_load %arg11[%swap3A_699, %swap3A_700] {strides = array<i32>} : memref<200x128xf32, #tpu.memory_space<vmem>>, vector<1x16xf32>,
        %swap3A_702 = vector.shape_cast %swap3A_701 : vector<1x16xf32> to vector<16xf32>
        %swap3A_703 = vector.shape_cast %get3A_698 : vector<16xf32> to vector<1x16xf32>
        tpu.vector_store %arg11[%swap3A_699, %swap3A_700], %swap3A_703 {add = true, strides = array<i32>} : memref<200x128xf32, #tpu.memory_space<vmem>>, vector<1x16xf32>,
        %add3A_704 = arith.constant 3 : i32
        %add3A_705 = arith.addi %mul3A_380, %add3A_704 : i32
        %add3A_706 = arith.constant 3 : i32
        %add3A_707 = arith.addi %mul3A_380, %add3A_706 : i32
        %get3A_708 = arith.index_cast %add3A_707 : i32 to index
        %get3A_709 = arith.constant 16 : index
        %get3A_710 = tpu.vector_load %arg6[%get3A_708, %get3A_709] {strides = array<i32>} : memref<200x128xf32, #tpu.memory_space<vmem>>, vector<1x16xf32>,
        %get3A_711 = vector.shape_cast %get3A_710 : vector<1x16xf32> to vector<16xf32>
        %swap3A_712 = arith.index_cast %add3A_705 : i32 to index
        %swap3A_713 = arith.constant 16 : index
        %swap3A_714 = tpu.vector_load %arg11[%swap3A_712, %swap3A_713] {strides = array<i32>} : memref<200x128xf32, #tpu.memory_space<vmem>>, vector<1x16xf32>,
        %swap3A_715 = vector.shape_cast %swap3A_714 : vector<1x16xf32> to vector<16xf32>
        %swap3A_716 = vector.shape_cast %get3A_711 : vector<16xf32> to vector<1x16xf32>
        tpu.vector_store %arg11[%swap3A_712, %swap3A_713], %swap3A_716 {add = true, strides = array<i32>} : memref<200x128xf32, #tpu.memory_space<vmem>>, vector<1x16xf32>,
        %add3A_717 = arith.constant 3 : i32
        %add3A_718 = arith.addi %mul3A_380, %add3A_717 : i32
        %add3A_719 = arith.constant 3 : i32
        %add3A_720 = arith.addi %mul3A_380, %add3A_719 : i32
        %get3A_721 = arith.index_cast %add3A_720 : i32 to index
        %get3A_722 = arith.constant 32 : index
        %get3A_723 = tpu.vector_load %arg6[%get3A_721, %get3A_722] {strides = array<i32>} : memref<200x128xf32, #tpu.memory_space<vmem>>, vector<1x16xf32>,
        %get3A_724 = vector.shape_cast %get3A_723 : vector<1x16xf32> to vector<16xf32>
        %swap3A_725 = arith.index_cast %add3A_718 : i32 to index
        %swap3A_726 = arith.constant 32 : index
        %swap3A_727 = tpu.vector_load %arg11[%swap3A_725, %swap3A_726] {strides = array<i32>} : memref<200x128xf32, #tpu.memory_space<vmem>>, vector<1x16xf32>,
        %swap3A_728 = vector.shape_cast %swap3A_727 : vector<1x16xf32> to vector<16xf32>
        %swap3A_729 = vector.shape_cast %get3A_724 : vector<16xf32> to vector<1x16xf32>
        tpu.vector_store %arg11[%swap3A_725, %swap3A_726], %swap3A_729 {add = true, strides = array<i32>} : memref<200x128xf32, #tpu.memory_space<vmem>>, vector<1x16xf32>,
        %add3A_730 = arith.constant 3 : i32
        %add3A_731 = arith.addi %mul3A_380, %add3A_730 : i32
        %add3A_732 = arith.constant 3 : i32
        %add3A_733 = arith.addi %mul3A_380, %add3A_732 : i32
        %get3A_734 = arith.index_cast %add3A_733 : i32 to index
        %get3A_735 = arith.constant 48 : index
        %get3A_736 = tpu.vector_load %arg6[%get3A_734, %get3A_735] {strides = array<i32>} : memref<200x128xf32, #tpu.memory_space<vmem>>, vector<1x16xf32>,
        %get3A_737 = vector.shape_cast %get3A_736 : vector<1x16xf32> to vector<16xf32>
        %swap3A_738 = arith.index_cast %add3A_731 : i32 to index
        %swap3A_739 = arith.constant 48 : index
        %swap3A_740 = tpu.vector_load %arg11[%swap3A_738, %swap3A_739] {strides = array<i32>} : memref<200x128xf32, #tpu.memory_space<vmem>>, vector<1x16xf32>,
        %swap3A_741 = vector.shape_cast %swap3A_740 : vector<1x16xf32> to vector<16xf32>
        %swap3A_742 = vector.shape_cast %get3A_737 : vector<16xf32> to vector<1x16xf32>
        tpu.vector_store %arg11[%swap3A_738, %swap3A_739], %swap3A_742 {add = true, strides = array<i32>} : memref<200x128xf32, #tpu.memory_space<vmem>>, vector<1x16xf32>,
        %add3A_743 = arith.constant 3 : i32
        %add3A_744 = arith.addi %mul3A_380, %add3A_743 : i32
        %add3A_745 = arith.constant 3 : i32
        %add3A_746 = arith.addi %mul3A_380, %add3A_745 : i32
        %get3A_747 = arith.index_cast %add3A_746 : i32 to index
        %get3A_748 = arith.constant 64 : index
        %get3A_749 = tpu.vector_load %arg6[%get3A_747, %get3A_748] {strides = array<i32>} : memref<200x128xf32, #tpu.memory_space<vmem>>, vector<1x16xf32>,
        %get3A_750 = vector.shape_cast %get3A_749 : vector<1x16xf32> to vector<16xf32>
        %swap3A_751 = arith.index_cast %add3A_744 : i32 to index
        %swap3A_752 = arith.constant 64 : index
        %swap3A_753 = tpu.vector_load %arg11[%swap3A_751, %swap3A_752] {strides = array<i32>} : memref<200x128xf32, #tpu.memory_space<vmem>>, vector<1x16xf32>,
        %swap3A_754 = vector.shape_cast %swap3A_753 : vector<1x16xf32> to vector<16xf32>
        %swap3A_755 = vector.shape_cast %get3A_750 : vector<16xf32> to vector<1x16xf32>
        tpu.vector_store %arg11[%swap3A_751, %swap3A_752], %swap3A_755 {add = true, strides = array<i32>} : memref<200x128xf32, #tpu.memory_space<vmem>>, vector<1x16xf32>,
        %add3A_756 = arith.constant 3 : i32
        %add3A_757 = arith.addi %mul3A_380, %add3A_756 : i32
        %add3A_758 = arith.constant 3 : i32
        %add3A_759 = arith.addi %mul3A_380, %add3A_758 : i32
        %get3A_760 = arith.index_cast %add3A_759 : i32 to index
        %get3A_761 = arith.constant 80 : index
        %get3A_762 = tpu.vector_load %arg6[%get3A_760, %get3A_761] {strides = array<i32>} : memref<200x128xf32, #tpu.memory_space<vmem>>, vector<1x16xf32>,
        %get3A_763 = vector.shape_cast %get3A_762 : vector<1x16xf32> to vector<16xf32>
        %swap3A_764 = arith.index_cast %add3A_757 : i32 to index
        %swap3A_765 = arith.constant 80 : index
        %swap3A_766 = tpu.vector_load %arg11[%swap3A_764, %swap3A_765] {strides = array<i32>} : memref<200x128xf32, #tpu.memory_space<vmem>>, vector<1x16xf32>,
        %swap3A_767 = vector.shape_cast %swap3A_766 : vector<1x16xf32> to vector<16xf32>
        %swap3A_768 = vector.shape_cast %get3A_763 : vector<16xf32> to vector<1x16xf32>
        tpu.vector_store %arg11[%swap3A_764, %swap3A_765], %swap3A_768 {add = true, strides = array<i32>} : memref<200x128xf32, #tpu.memory_space<vmem>>, vector<1x16xf32>,
        %add3A_769 = arith.constant 3 : i32
        %add3A_770 = arith.addi %mul3A_380, %add3A_769 : i32
        %add3A_771 = arith.constant 3 : i32
        %add3A_772 = arith.addi %mul3A_380, %add3A_771 : i32
        %get3A_773 = arith.index_cast %add3A_772 : i32 to index
        %get3A_774 = arith.constant 96 : index
        %get3A_775 = tpu.vector_load %arg6[%get3A_773, %get3A_774] {strides = array<i32>} : memref<200x128xf32, #tpu.memory_space<vmem>>, vector<1x16xf32>,
        %get3A_776 = vector.shape_cast %get3A_775 : vector<1x16xf32> to vector<16xf32>
        %swap3A_777 = arith.index_cast %add3A_770 : i32 to index
        %swap3A_778 = arith.constant 96 : index
        %swap3A_779 = tpu.vector_load %arg11[%swap3A_777, %swap3A_778] {strides = array<i32>} : memref<200x128xf32, #tpu.memory_space<vmem>>, vector<1x16xf32>,
        %swap3A_780 = vector.shape_cast %swap3A_779 : vector<1x16xf32> to vector<16xf32>
        %swap3A_781 = vector.shape_cast %get3A_776 : vector<16xf32> to vector<1x16xf32>
        tpu.vector_store %arg11[%swap3A_777, %swap3A_778], %swap3A_781 {add = true, strides = array<i32>} : memref<200x128xf32, #tpu.memory_space<vmem>>, vector<1x16xf32>,
        %add3A_782 = arith.constant 3 : i32
        %add3A_783 = arith.addi %mul3A_380, %add3A_782 : i32
        %add3A_784 = arith.constant 3 : i32
        %add3A_785 = arith.addi %mul3A_380, %add3A_784 : i32
        %get3A_786 = arith.index_cast %add3A_785 : i32 to index
        %get3A_787 = arith.constant 112 : index
        %get3A_788 = tpu.vector_load %arg6[%get3A_786, %get3A_787] {strides = array<i32>} : memref<200x128xf32, #tpu.memory_space<vmem>>, vector<1x16xf32>,
        %get3A_789 = vector.shape_cast %get3A_788 : vector<1x16xf32> to vector<16xf32>
        %swap3A_790 = arith.index_cast %add3A_783 : i32 to index
        %swap3A_791 = arith.constant 112 : index
        %swap3A_792 = tpu.vector_load %arg11[%swap3A_790, %swap3A_791] {strides = array<i32>} : memref<200x128xf32, #tpu.memory_space<vmem>>, vector<1x16xf32>,
        %swap3A_793 = vector.shape_cast %swap3A_792 : vector<1x16xf32> to vector<16xf32>
        %swap3A_794 = vector.shape_cast %get3A_789 : vector<16xf32> to vector<1x16xf32>
        tpu.vector_store %arg11[%swap3A_790, %swap3A_791], %swap3A_794 {add = true, strides = array<i32>} : memref<200x128xf32, #tpu.memory_space<vmem>>, vector<1x16xf32>,
      }
      %scan3A_368 = arith.constant 50 : i32
      %add3A_369 = arith.addi %mul3A_2, %add3A_327 : i32
      %dma_start3A_370 = arith.constant 0 : i32
      %dma_start3A_371 = arith.constant 0 : i32
      %dma_start3A_372 = tpu.memref_slice %arg5[%add3A_369, %dma_start3A_370, %dma_start3A_371] : memref<1024x200x128xf32, #tpu.memory_space<hbm>> -> memref<1x200x128xf32, #tpu.memory_space<hbm>>
      %dma_start3A_373 = tpu.memref_squeeze %dma_start3A_372 : memref<1x200x128xf32, #tpu.memory_space<hbm>> -> memref<200x128xf32, #tpu.memory_space<hbm>>
      %dma_start3A_374 = arith.constant 0 : i32
      %dma_start3A_375 = arith.constant 0 : i32
      %dma_start3A_376 = tpu.memref_slice %arg5[%add3A_369, %dma_start3A_374, %dma_start3A_375] : memref<1024x200x128xf32, #tpu.memory_space<hbm>> -> memref<1x200x128xf32, #tpu.memory_space<hbm>>
      %dma_start3A_377 = tpu.memref_squeeze %dma_start3A_376 : memref<1x200x128xf32, #tpu.memory_space<hbm>> -> memref<200x128xf32, #tpu.memory_space<hbm>>
      tpu.enqueue_dma source(%arg11 : memref<200x128xf32, #tpu.memory_space<vmem>>) target(%dma_start3A_377 : memref<200x128xf32, #tpu.memory_space<hbm>>) target_semaphore(%arg19 : memref<!tpu.dma_semaphore, #tpu.memory_space<semaphore_mem>>)
    }
    %scan3A_143 = arith.constant 8 : i32
    %add3A_144 = arith.constant 30 : i32
    %add3A_145 = arith.addi %mul3A_2, %add3A_144 : i32
    %dma_wait3A_146 = arith.constant 0 : i32
    %dma_wait3A_147 = arith.constant 0 : i32
    %dma_wait3A_148 = tpu.memref_slice %arg5[%add3A_145, %dma_wait3A_146, %dma_wait3A_147] : memref<1024x200x128xf32, #tpu.memory_space<hbm>> -> memref<1x200x128xf32, #tpu.memory_space<hbm>>
    %dma_wait3A_149 = tpu.memref_squeeze %dma_wait3A_148 : memref<1x200x128xf32, #tpu.memory_space<hbm>> -> memref<200x128xf32, #tpu.memory_space<hbm>>
    %dma_wait3A_150 = arith.constant 0 : i32
    %dma_wait3A_151 = arith.constant 0 : i32
    %dma_wait3A_152 = tpu.memref_slice %arg5[%add3A_145, %dma_wait3A_150, %dma_wait3A_151] : memref<1024x200x128xf32, #tpu.memory_space<hbm>> -> memref<1x200x128xf32, #tpu.memory_space<hbm>>
    %dma_wait3A_153 = tpu.memref_squeeze %dma_wait3A_152 : memref<1x200x128xf32, #tpu.memory_space<hbm>> -> memref<200x128xf32, #tpu.memory_space<hbm>>
    tpu.wait_dma2 semaphore(%arg18 : memref<!tpu.dma_semaphore, #tpu.memory_space<semaphore_mem>>) src(%arg10 : memref<200x128xf32, #tpu.memory_space<vmem>>) dst(%dma_wait3A_153 : memref<200x128xf32, #tpu.memory_space<hbm>>)
    %add3A_154 = arith.constant 31 : i32
    %add3A_155 = arith.addi %mul3A_2, %add3A_154 : i32
    %dma_wait3A_156 = arith.constant 0 : i32
    %dma_wait3A_157 = arith.constant 0 : i32
    %dma_wait3A_158 = tpu.memref_slice %arg5[%add3A_155, %dma_wait3A_156, %dma_wait3A_157] : memref<1024x200x128xf32, #tpu.memory_space<hbm>> -> memref<1x200x128xf32, #tpu.memory_space<hbm>>
    %dma_wait3A_159 = tpu.memref_squeeze %dma_wait3A_158 : memref<1x200x128xf32, #tpu.memory_space<hbm>> -> memref<200x128xf32, #tpu.memory_space<hbm>>
    %dma_wait3A_160 = arith.constant 0 : i32
    %dma_wait3A_161 = arith.constant 0 : i32
    %dma_wait3A_162 = tpu.memref_slice %arg5[%add3A_155, %dma_wait3A_160, %dma_wait3A_161] : memref<1024x200x128xf32, #tpu.memory_space<hbm>> -> memref<1x200x128xf32, #tpu.memory_space<hbm>>
    %dma_wait3A_163 = tpu.memref_squeeze %dma_wait3A_162 : memref<1x200x128xf32, #tpu.memory_space<hbm>> -> memref<200x128xf32, #tpu.memory_space<hbm>>
    tpu.wait_dma2 semaphore(%arg19 : memref<!tpu.dma_semaphore, #tpu.memory_space<semaphore_mem>>) src(%arg11 : memref<200x128xf32, #tpu.memory_space<vmem>>) dst(%dma_wait3A_163 : memref<200x128xf32, #tpu.memory_space<hbm>>)
    return
  }
}

</mosaic_0001>

<sc_bundles>
// kernel: _emb.3.cloned.1.call-start
scs
__scs_entry_jumppad:
0x0: {  	(pc) =	sbr.rel $0x88, $3  }
0x1: {  	(tag) =	ssettag $0x0;
	lr =	simm.s32 $0x1  }
0x2: {  	[smem:$0x3F9E] =	sst lr;
	_ =	strace $0xD0000000  }
0x3: {  	_ = 	snop  }
0x4: {  	_ = 	snop  }
0x5: {  	_ = 	snop  }
0x6: {  	_ = 	snop  }
0x7: {  	_ = 	snop  }
__scs_overlays_trampoline_lowered:
0x8: {  	[smem:$0x3FAD] =	sst s0  }
0x9: {  	[smem:$0x3FAE] =	sst s1  }
0xa: {  	[smem:$0x3FAF] =	sst s2  }
0xb: {  	[smem:$0x3FB0] =	sst s3  }
0xc: {  	[smem:$0x3FB1] =	sst s4  }
0xd: {  	[smem:$0x3FB2] =	sst s5  }
0xe: {  	[smem:$0x3FB3] =	sst s6  }
0xf: {  	[smem:$0x3FB4] =	sst s7  }
0x10: {  	[smem:$0x3FB5] =	sst s8  }
0x11: {  	[smem:$0x3FB6] =	sst s9;
	s0 =	simm.s32 @!p0 $0x0  }
0x12: {  	s1 =	sld [smem:$0x3F9C];
	s0 =	simm.s32 @p0 $0x1  }
0x13: {  	[smem:$0x3FB7] =	sst s0;
	s0 =	simm.s32 @!p1 $0x0  }
0x14: {  	s2 =	sld [smem:$0x3F9B];
	s0 =	simm.s32 @p1 $0x1  }
0x15: {  	[smem:$0x3FB8] =	sst s0;
	s0 =	simm.s32 @!p2 $0x0  }
0x16: {  	s3 =	sld [smem:$0x3FDB];
	s0 =	simm.s32 @p2 $0x1  }
0x17: {  	s4 =	simm.s32 $0x1BF5;
	[smem:$0x3FBA] =	sst s0  }
0x18: {  	s0 =	sld [smem:$0x3F9D];
	_ =	swait.ge [sflag:s4], $0x0  }
0x19: {  	s7 =	sld [smem:$0x3F9E]  }
0x1a: {  	s8 =	sadd.s32 $0xFFFFE003, lr  }
0x1b: {  	s9 =	sadd.s32 $0xFFFFFEF7, lr;
	s5 =	simm.s32 $0xFFFFFFFF;
	p2 =	slt.u32 s8, $0xFFFFF086  }
0x1c: {  	p1 =	slt.u32 s9, $0xF7A;
	s5 =	simm.s32 @!p2 $0x0  }
0x1d: {  	s5 =	simm.s32 @p1 $0x1;
	p0 =	seq.s32 s7, s2  }
0x1e: {  	s7 =	smul.u32 @!p0 $0xF7A, s2;
	p2 =	seq.s32 @!p0 s5, $0x0  }
0x1f: {  	s9 =	smul.u32 $0xF7A, s1;
	s8 =	simm.s32 @!p0 $0x1BF5;
	p2 =	por !p2, p0  }
0x20: {  	[sflag:s8] =	ssyncset.s32 @!p0 $0xFFFFF086;
	s6 =	sadd.s32 @!p0 s3, s7;
	s7 =	simm.s32 @!p0 $0x108  }
0x21: {  	s3 =	sadd.s32 s3, s9;
	s6 =	sadd.s32 @!p0 $0x88, s6;
	s7 =	simm.s32 @p2 $0x1082  }
0x22: {  	[simem:s7], [sflag:s8] =	dma.local @!p0 [hbm:s6], $0xF7A  }
0x23: {  	s9 =	sor.u32 $0xD0000000, s2;
	s6 =	simm.s32 $0x108;
	_ =	swait.ge @!p0 [sflag:s8], $0x0  }
0x24: {  	s3 =	sadd.s32 $0x88, s3;
	s6 =	simm.s32 @!p1 $0x1082;
	[sflag:s4] =	ssyncset.s32 $0xFFFFF086  }
0x25: {  	[simem:s6], [sflag:s4] =	dma.local [hbm:s3], $0xF7A  }
0x26: {  	[smem:$0x3F9E] =	sst s1;
	(tag) =	ssettag s2;
	_ =	strace s9  }
0x27: {  	s1 =	sld [smem:$0x3FAE]  }
0x28: {  	s2 =	sld [smem:$0x3FAF]  }
0x29: {  	s4 =	sld [smem:$0x3FB1]  }
0x2a: {  	p0 =	seq.s32 s5, $0x0;
	s5 =	sld [smem:$0x3FB2]  }
0x2b: {  	s6 =	sld [smem:$0x3FB3]  }
0x2c: {  	s7 =	sld [smem:$0x3FB4]  }
0x2d: {  	s3 =	simm.s32 $0x108;
	s8 =	sld [smem:$0x3FB5]  }
0x2e: {  	s3 =	simm.s32 @!p0 $0x1082;
	s9 =	sld [smem:$0x3FB6]  }
0x2f: {  	lr =	sadd.s32 s0, s3;
	s0 =	sld [smem:$0x3FAD]  }
0x30: {  	s3 =	sld [smem:$0x3FB0]  }
0x31: {  	[smem:$0x3FB9] =	sst s10  }
0x32: {  	s10 =	sld [smem:$0x3FB7];
	_ =	sdelay $0x3  }
0x33: {  	p0 =	seq.s32 s10, $0x1;
	s10 =	sld [smem:$0x3FB9];
	_ =	sdelay $0x3  }
0x34: {  	[smem:$0x3FB9] =	sst s10  }
0x35: {  	s10 =	sld [smem:$0x3FB8];
	_ =	sdelay $0x3  }
0x36: {  	p1 =	seq.s32 s10, $0x1;
	s10 =	sld [smem:$0x3FB9];
	_ =	sdelay $0x3  }
0x37: {  	[smem:$0x3FB9] =	sst s10  }
0x38: {  	s10 =	sld [smem:$0x3FBA]  }
0x39: {  	_ = 	snop;
	(pc) =	sbr.ind lr, $3  }
0x3a: {  	_ = 	snop  }
0x3b: {  	_ = 	snop  }
0x3c: {  	p2 =	seq.s32 s10, $0x1;
	s10 =	sld [smem:$0x3FB9]  }
0x3d: {  	_ =	shalt  }
0x3e: {  	_ =	shalt  }
0x3f: {  	_ =	shalt  }
0x40: {  	_ =	shalt  }
0x41: {  	_ =	shalt  }
0x42: {  	_ =	shalt  }
0x43: {  	_ =	shalt  }
0x44: {  	_ =	shalt  }
0x45: {  	_ =	shalt  }
0x46: {  	_ =	shalt  }
0x47: {  	_ =	shalt  }
0x48: {  	_ =	shalt  }
0x49: {  	_ =	shalt  }
0x4a: {  	_ =	shalt  }
0x4b: {  	_ =	shalt  }
0x4c: {  	_ =	shalt  }
0x4d: {  	_ =	shalt  }
0x4e: {  	_ =	shalt  }
0x4f: {  	_ =	shalt  }
0x50: {  	_ =	shalt  }
0x51: {  	_ =	shalt  }
0x52: {  	_ =	shalt  }
0x53: {  	_ =	shalt  }
0x54: {  	_ =	shalt  }
0x55: {  	_ =	shalt  }
0x56: {  	_ =	shalt  }
0x57: {  	_ =	shalt  }
0x58: {  	_ =	shalt  }
0x59: {  	_ =	shalt  }
0x5a: {  	_ =	shalt  }
0x5b: {  	_ =	shalt  }
0x5c: {  	_ =	shalt  }
0x5d: {  	_ =	shalt  }
0x5e: {  	_ =	shalt  }
0x5f: {  	_ =	shalt  }
0x60: {  	_ =	shalt  }
0x61: {  	_ =	shalt  }
0x62: {  	_ =	shalt  }
0x63: {  	_ =	shalt  }
0x64: {  	_ =	shalt  }
0x65: {  	_ =	shalt  }
0x66: {  	_ =	shalt  }
0x67: {  	_ =	shalt  }
0x68: {  	_ =	shalt  }
0x69: {  	_ =	shalt  }
0x6a: {  	_ =	shalt  }
0x6b: {  	_ =	shalt  }
0x6c: {  	_ =	shalt  }
0x6d: {  	_ =	shalt  }
0x6e: {  	_ =	shalt  }
0x6f: {  	_ =	shalt  }
0x70: {  	_ =	shalt  }
0x71: {  	_ =	shalt  }
0x72: {  	_ =	shalt  }
0x73: {  	_ =	shalt  }
0x74: {  	_ =	shalt  }
0x75: {  	_ =	shalt  }
0x76: {  	_ =	shalt  }
0x77: {  	_ =	shalt  }
0x78: {  	_ =	shalt  }
0x79: {  	_ =	shalt  }
0x7a: {  	_ =	shalt  }
0x7b: {  	_ =	shalt  }
0x7c: {  	_ =	shalt  }
0x7d: {  	_ =	shalt  }
0x7e: {  	_ =	shalt  }
0x7f: {  	_ =	shalt  }
0x80: {  	_ =	shalt  }
0x81: {  	_ =	shalt  }
0x82: {  	_ =	shalt  }
0x83: {  	_ =	shalt  }
0x84: {  	_ =	shalt  }
0x85: {  	_ =	shalt  }
0x86: {  	_ =	shalt  }
0x87: {  	_ =	shalt  }
.Lfunc_end0:
.L_simem_size_0:
called_computation_lowered:
.L_overlay_start_0:
0x88: {  	s2 =	sld [smem:$0x3FD9]  }
0x89: {  	s3 =	sld [smem:$0x3FFE];
	_ =	sdelay $0x1  }
0x8a: {  	s1 =	srdreg.scid  }
0x8b: {  	s0 =	sand.u32 $0x1, s1  }
0x8c: {  	s17 =	sshll.u32 s0, $0xA;
	s2 =	sadd.s32 s3, s2  }
0x8d: {  	s2 =	sadd.s32 s2, s17  }
0x8e: {  	[smem:$0x3FC5] =	sst s2  }
0x8f: {  	_ = 	snop  }
0x90: {  	s2 =	sld [smem:$0x3FC8]  }
0x91: {  	s18 =	sld [smem:$0x3FC7]  }
0x92: {  	s4 =	sld [smem:$0x3FD0];
	(tm) =	ssettm $0x1  }
0x93: {  	s5 =	sld [smem:$0x3FFB];
	_ =	sdelay $0x3  }
0x94: {  	_ =	strace s5  }
0x95: {  	s5 =	sld [smem:$0x3FFC];
	_ =	sdelay $0x3  }
0x96: {  	_ =	strace s5  }
0x97: {  	s5 =	sld [smem:$0x3FFD];
	_ =	sdelay $0x3  }
0x98: {  	_ =	strace s5  }
0x99: {  	_ =	strace $0x8FFFFFFF  }
0x9a: {  	s19 =	sld [smem:$0x3FDB];
	_ =	sdelay $0x1  }
0x9b: {  	s6 =	simm.s32 $_scs_section_size  }
0x9c: {  	s7 =	simm.s32 $_size__tile_overlayer_lowered;
	s8 =	simm.s32 $_tile_overlayer_lowered  }
0x9d: {  	s22 =	simm.s32 $0x1BFF;
	s21 =	sshll.u32 s8, $0x1;
	s5 =	sadd.s32 s6, s19  }
0x9e: {  	s9 =	simm.s32 $0x0;
	s20 =	sshll.u32 s7, $0x1;
	s7 =	sadd.s32 s21, s5  }
0x9f: {  	[timem:s9], [sflag:s22] =	dma.local [hbm:s7], s20  }
0xa0: {  	_ =	swait.ge [sflag:s22], s20  }
0xa1: {  	s6 =	ssub.s32 $0x0, s20;
	[sflag:s22] =	ssyncset.done $0x0  }
0xa2: {  	[sflag:s22] =	ssyncadd.s32 s6;
	_ =	sdelay $0x1  }
0xa3: {  	s23 =	simm.s32 $0x1B8B  }
0xa4: {  	_ =	swait.ge [sflag:s23], $0x1  }
0xa5: {  	[sflag:s23] =	ssyncset.done $0x0  }
0xa6: {  	s25 =	simm.s32 $0x1B8E;
	s24 =	sld [smem:$0x3FFE];
	[sflag:s23] =	ssyncadd.s32 $0xFFFFFFFF  }
0xa7: {  	s26 =	simm.s32 $execute0_lowered;
	[smem:$0x3FD2] =	sst s25  }
0xa8: {  	s7 =	sshll.u32 s26, $0x1;
	_ =	strace $0x80000046;
	[dreg:$0x1] =	wrdreg $0xFFFFFFFF  }
0xa9: {  	s28 =	simm.s32 $_size_execute0_lowered;
	s5 =	sadd.s32 s5, s7;
	[dreg:$0x0] =	wrdreg $0x0  }
0xaa: {  	s7 =	sshll.u32 s28, $0x1;
	[dreg:$0x2] =	wrdreg s5  }
0xab: {  	[dreg:$0x3] =	wrdreg s7  }
0xac: {  	[dreg:$0x4] =	wrdreg $0xC0  }
0xad: {  	_ =	task [dreg:s9], $0x5FFFF  }
0xae: {  	[dreg:$0x1] =	wrdreg $0xFFFFFFFF  }
0xaf: {  	[dreg:$0x0] =	wrdreg $0x60  }
0xb0: {  	[dreg:$0x2] =	wrdreg s24  }
0xb1: {  	[dreg:$0x3] =	wrdreg s2  }
0xb2: {  	[dreg:$0x4] =	wrdreg s18  }
0xb3: {  	[dreg:$0x5] =	wrdreg s4  }
0xb4: {  	[dreg:$0x6] =	wrdreg $0x9  }
0xb5: {  	_ =	task.clear_ibuf [dreg:s9], $0x7FFFF;
	_ =	strace $0x90000046  }
0xb6: {  	s29 =	simm.s32 $0x9;
	_ =	strace $0x80000048  }
0xb7: {  	_ =	swait.ge [sflag:s29], $0x1  }
0xb8: {  	[sflag:s29] =	ssyncadd.s32 $0xFFFFFFFF  }
0xb9: {  	_ =	strace $0x90000048  }
0xba: {  	_ =	sfence  }
0xbb: {  	s30 =	sld [smem:$0x0];
	_ =	sdelay $0x2  }
0xbc: {  	s31 =	sshll.u32 s1, $0xD;
	s1 =	sshrl.u32 s1, $0x2  }
0xbd: {  	s3 =	sand.u32 $0x4000, s31;
	s1 =	sadd.s32 s1, s30  }
0xbe: {  	s0 =	sor.u32 s3, s0;
	s1 =	sshll.u32 s1, $0x11  }
0xbf: {  	s0 =	sor.u32 s1, s0  }
0xc0: {  	s0 =	sadd.s32 $0x8F2B, s0  }
0xc1: {  	[sflag:s0] =	ssyncadd.remote.s32 $0x1  }
0xc2: {  	_ =	sfence.sel $0xFFFF  }
0xc3: {  	[dreg:$0x0] =	wrdreg $0xFFFFFFFF;
	(pc) =	sbr.abs _section_cstart, $3  }
0xc4: {  	[dreg:$0x1] =	wrdreg $0xFFFFFFFF  }
0xc5: {  	_ =	task.clear_ibuf [dreg:s9], $0x2FFFF;
	_ =	strace $0x9FFFFFFF  }
0xc6: {  	(tm) =	ssettm $0x7FFFFFFF  }
0xc7: {  	_ =	shalt  }
tec
execute0_lowered:
.L_overlay_start_1:
0x0: {  	(tag) =	ssettag $0x1  }
0x1: {  	s0 =	rddreg [dreg:$0x0]  }
0x2: {  	s3 =	rddreg [dreg:$0x2]  }
0x3: {  	s4 =	rddreg [dreg:$0x3]  }
0x4: {  	s1 =	srdreg.scid;
	s2 =	stileid.u32;
	s5 =	simm.s32 $0x0  }
0x5: {  	s18 =	simm.s32 $0x6600;
	s20 =	simm.s32 $0x64;
	s21 =	simm.s32 $0x6800  }
0x6: {  	s25 =	simm.s32 $0xCC00;
	s30 =	simm.s32 $0x6700;
	s31 =	simm.s32 $0xB  }
0x7: {  	s22 =	simm.s32 $0x1;
	s23 =	simm.s32 $0xC;
	s26 =	simm.s32 $0x19400  }
0x8: {  	s16 =	simm.s32 $0x1C600;
	s17 =	simm.s32 $0x2;
	s9 =	simm.s32 $0x3  }
0x9: {  	s10 =	simm.s32 $0x4;
	s8 =	simm.s32 $0x8;
	s1 =	sand.u32 $0x1, s1  }
0xa: {  	s2 =	sshll.u32 s2, $0x6;
	[smem:$0x7FF] =	sst s5;
	s6 =	sshll.u32 s1, $0x5  }
0xb: {  	s7 =	sadd.s32 $0x400, s0;
	s1 =	ssub.s32 $0x2, s1;
	s6 =	sor.u32 s6, s2  }
0xc: {  	_ =	strace $0x80000047;
	s28 =	sshrl.u32 s1, $0x1;
	s2 =	sshll.u32 s6, $0x5  }
0xd: {  	s0 =	ssub.s32 s1, s28;
	s11 =	sor.u32 $0x4, s6;
	s29 =	sadd.s32 s7, s2  }
0xe: {  	s12 =	sor.u32 $0x5, s6;
	s0 =	smax.u32 s0, $0x1;
	[dreg:$0x5] =	wrdreg s29  }
0xf: {  	s13 =	sor.u32 $0x6, s6;
	s2 =	sadd.s32 $0x20, s29;
	[dreg:$0x8] =	wrdreg s0  }
0x10: {  	s15 =	sor.u32 $0x3, s6;
	s1 =	sadd.s32 $0x40, s29;
	[dreg:$0x6] =	wrdreg s2  }
0x11: {  	s0 =	simm.s32 $0x13000;
	[dreg:$0x7] =	wrdreg s1;
	s2 =	simm.s32 $0x0  }
.LBB2_1:
0x12: {  	[dreg:$0x9] =	wrdreg s2  }
0x13: {  	s1 =	rddreg [dreg:$0x5];
	s2 =	simm.s32 $0x6400  }
0x14: {  	[tilespmem:s2], [sflag:$0x9] =	stream.linear.gather [hbm4b:s1+s5], $0x100, $0x38;
	[tilespmem:$0x1F800] =	vst v63  }
0x15: {  	s28 =	rddreg [dreg:$0x6];
	s14 =	simm.s32 $0x6500  }
0x16: {  	[tilespmem:s14], [sflag:$0xA] =	stream.linear.gather [hbm4b:s28+s5], $0x100, $0x38;
	[tilespmem:$0x1F800] =	vst v63  }
0x17: {  	s29 =	rddreg [dreg:$0x7]  }
0x18: {  	[tilespmem:s18], [sflag:$0xB] =	stream.linear.gather [hbm4b:s29+s5], $0x100, $0x38;
	[tilespmem:$0x1F800] =	vst v63  }
0x19: {  	s19 =	rddreg [dreg:$0x1];
	s24 =	simm.s32 $0x9  }
0x1a: {  	[tilespmem:s5], [sflag:$0xD] =	stream.linear.gather [hbm4b:s19+s5], $0x6400, $0x38;
	[tilespmem:$0x1F800] =	vst v63  }
0x1b: {  	_ =	swait.ge [sflag:s24], $0x100  }
0x1c: {  	[sflag:s24] =	ssyncset.done $0x0  }
0x1d: {  	[sflag:s24] =	ssyncadd.s32 $0xFFFFFF00  }
0x1e: {  	[tilespmem:s21], [sflag:$0x1] =	stream.indirect.gather [hbm4b:s3+s20], $0x80, s2, s20, $0xb8;
	[tilespmem:$0x1F800] =	vst v63  }
0x1f: {  	s28 =	simm.s32 $0x6480;
	s29 =	simm.s32 $0x9A00;
	s19 =	simm.s32 $0xA  }
0x20: {  	[tilespmem:s29], [sflag:$0x1] =	stream.indirect.gather [hbm4b:s3+s20], $0x80, s28, s20, $0xb8;
	[tilespmem:$0x1F800] =	vst v63  }
0x21: {  	_ =	swait.ge [sflag:s19], $0x100  }
0x22: {  	[sflag:s19] =	ssyncset.done $0x0  }
0x23: {  	[sflag:s19] =	ssyncadd.s32 $0xFFFFFF00  }
0x24: {  	[tilespmem:s25], [sflag:$0x2] =	stream.indirect.gather [hbm4b:s3+s20], $0x80, s14, s20, $0xb8;
	[tilespmem:$0x1F800] =	vst v63  }
0x25: {  	s24 =	simm.s32 $0x6580;
	s28 =	simm.s32 $0xFE00;
	s29 =	simm.s32 $0xD  }
0x26: {  	[tilespmem:s28], [sflag:$0x2] =	stream.indirect.gather [hbm4b:s3+s20], $0x80, s24, s20, $0xb8;
	[tilespmem:$0x1F800] =	vst v63  }
0x27: {  	_ =	swait.ge [sflag:s29], $0x6400  }
0x28: {  	[sflag:s29] =	ssyncset.done $0x0  }
0x29: {  	s24 =	simm.s32 $0x0;
	[sflag:s29] =	ssyncadd.s32 $0xFFFF9C00  }
.LBB2_2:
0x2a: {  	s14 =	sshll.u32 s24, $0x2  }
0x2b: {  	s29 =	sor.u32 s15, s14  }
0x2c: {  	s1 =	sshll.u32 s29, $0x5  }
0x2d: {  	p0 =	seq.s32 s24, $0x0;
	s1 =	sadd.s32 s7, s1  }
0x2e: {  	[tilespmem:s30], [sflag:$0xC] =	stream.linear.gather [hbm4b:s1+s5], $0x100, $0x38;
	[tilespmem:$0x1F800] =	vst v63  }
0x2f: {  	s1 =	simm.s32 @!p0 $0x7  }
0x30: {  	_ =	swait.ge @!p0 [sflag:s1], $0x6400  }
0x31: {  	[sflag:s1] =	ssyncset.done @!p0 $0x0  }
0x32: {  	[sflag:s1] =	ssyncadd.s32 @!p0 $0xFFFF9C00  }
0x33: {  	_ =	swait.ge [sflag:s31], $0x100  }
0x34: {  	[sflag:s31] =	ssyncset.done $0x0  }
0x35: {  	[sflag:s31] =	ssyncadd.s32 $0xFFFFFF00  }
0x36: {  	[tilespmem:s0], [sflag:$0x3] =	stream.indirect.gather [hbm4b:s3+s20], $0x80, s18, s20, $0xb8;
	[tilespmem:$0x1F800] =	vst v63  }
0x37: {  	s28 =	simm.s32 $0x6680;
	s2 =	simm.s32 $0x16200  }
0x38: {  	[tilespmem:s2], [sflag:$0x3] =	stream.indirect.gather [hbm4b:s3+s20], $0x80, s28, s20, $0xb8;
	[tilespmem:$0x1F800] =	vst v63  }
0x39: {  	_ =	swait.ge [sflag:s22], $0x3200  }
0x3a: {  	[sflag:s22] =	ssyncset.done $0x0  }
0x3b: {  	[sflag:s22] =	ssyncadd.s32 $0xFFFFCE00  }
0x3c: {  	_ =	swait.ge [sflag:s22], $0x3200  }
0x3d: {  	s19 =	sor.u32 $0x2, s14;
	[sflag:s22] =	ssyncset.done $0x0  }
0x3e: {  	s1 =	simm.s32 $0x800;
	s2 =	simm.s32 $0x0;
	[sflag:s22] =	ssyncadd.s32 $0xFFFFCE00  }
.LBB2_3:
0x3f: {  	p0 =	sne.s32 s1, $0x18800;
	v0 =	vld [tilespmem:s2+$0x1F0]  }
0x40: {  	v1 =	vld [tilespmem:s2+$0x0]  }
0x41: {  	v2 =	vld [tilespmem:s2+$0x10]  }
0x42: {  	v3 =	vld [tilespmem:s2+$0x20]  }
0x43: {  	v4 =	vld [tilespmem:s2+$0x30]  }
0x44: {  	[tilespmem:s2+$0x69F0] =	vst.add.f32.msk $0xffff, v0  }
0x45: {  	v0 =	vld [tilespmem:s2+$0x40]  }
0x46: {  	v5 =	vld [tilespmem:s2+$0x50]  }
0x47: {  	v6 =	vld [tilespmem:s2+$0x60]  }
0x48: {  	v7 =	vld [tilespmem:s2+$0x70]  }
0x49: {  	v8 =	vld [tilespmem:s2+$0x80]  }
0x4a: {  	v9 =	vld [tilespmem:s2+$0x90]  }
0x4b: {  	v10 =	vld [tilespmem:s2+$0xA0]  }
0x4c: {  	v11 =	vld [tilespmem:s2+$0xB0]  }
0x4d: {  	v12 =	vld [tilespmem:s2+$0xC0]  }
0x4e: {  	v13 =	vld [tilespmem:s2+$0xD0]  }
0x4f: {  	v14 =	vld [tilespmem:s2+$0xE0]  }
0x50: {  	v15 =	vld [tilespmem:s2+$0xF0]  }
0x51: {  	v16 =	vld [tilespmem:s2+$0x100]  }
0x52: {  	v17 =	vld [tilespmem:s2+$0x110]  }
0x53: {  	v18 =	vld [tilespmem:s2+$0x120]  }
0x54: {  	v19 =	vld [tilespmem:s2+$0x130]  }
0x55: {  	v20 =	vld [tilespmem:s2+$0x140]  }
0x56: {  	v21 =	vld [tilespmem:s2+$0x150]  }
0x57: {  	v22 =	vld [tilespmem:s2+$0x160]  }
0x58: {  	v23 =	vld [tilespmem:s2+$0x170]  }
0x59: {  	v24 =	vld [tilespmem:s2+$0x180]  }
0x5a: {  	v25 =	vld [tilespmem:s2+$0x190]  }
0x5b: {  	v26 =	vld [tilespmem:s2+$0x1A0]  }
0x5c: {  	v27 =	vld [tilespmem:s2+$0x1B0]  }
0x5d: {  	v28 =	vld [tilespmem:s2+$0x1C0]  }
0x5e: {  	v29 =	vld [tilespmem:s2+$0x1D0]  }
0x5f: {  	v30 =	vld [tilespmem:s2+$0x1E0]  }
0x60: {  	[tilespmem:s2+$0x6800] =	vst.add.f32.msk $0xffff, v1  }
0x61: {  	[tilespmem:s2+$0x6810] =	vst.add.f32.msk $0xffff, v2  }
0x62: {  	[tilespmem:s2+$0x6820] =	vst.add.f32.msk $0xffff, v3  }
0x63: {  	[tilespmem:s2+$0x6830] =	vst.add.f32.msk $0xffff, v4  }
0x64: {  	[tilespmem:s2+$0x6840] =	vst.add.f32.msk $0xffff, v0  }
0x65: {  	[tilespmem:s2+$0x6850] =	vst.add.f32.msk $0xffff, v5  }
0x66: {  	[tilespmem:s2+$0x6860] =	vst.add.f32.msk $0xffff, v6  }
0x67: {  	[tilespmem:s2+$0x6870] =	vst.add.f32.msk $0xffff, v7  }
0x68: {  	[tilespmem:s2+$0x6880] =	vst.add.f32.msk $0xffff, v8  }
0x69: {  	[tilespmem:s2+$0x6890] =	vst.add.f32.msk $0xffff, v9  }
0x6a: {  	[tilespmem:s2+$0x68A0] =	vst.add.f32.msk $0xffff, v10  }
0x6b: {  	[tilespmem:s2+$0x68B0] =	vst.add.f32.msk $0xffff, v11  }
0x6c: {  	[tilespmem:s2+$0x68C0] =	vst.add.f32.msk $0xffff, v12  }
0x6d: {  	[tilespmem:s2+$0x68D0] =	vst.add.f32.msk $0xffff, v13  }
0x6e: {  	[tilespmem:s2+$0x68E0] =	vst.add.f32.msk $0xffff, v14  }
0x6f: {  	[tilespmem:s2+$0x68F0] =	vst.add.f32.msk $0xffff, v15  }
0x70: {  	[tilespmem:s2+$0x6900] =	vst.add.f32.msk $0xffff, v16  }
0x71: {  	[tilespmem:s2+$0x6910] =	vst.add.f32.msk $0xffff, v17  }
0x72: {  	[tilespmem:s2+$0x6920] =	vst.add.f32.msk $0xffff, v18  }
0x73: {  	[tilespmem:s2+$0x6930] =	vst.add.f32.msk $0xffff, v19  }
0x74: {  	[tilespmem:s2+$0x6940] =	vst.add.f32.msk $0xffff, v20  }
0x75: {  	[tilespmem:s2+$0x6950] =	vst.add.f32.msk $0xffff, v21  }
0x76: {  	[tilespmem:s2+$0x6960] =	vst.add.f32.msk $0xffff, v22  }
0x77: {  	[tilespmem:s2+$0x6970] =	vst.add.f32.msk $0xffff, v23  }
0x78: {  	[tilespmem:s2+$0x6980] =	vst.add.f32.msk $0xffff, v24  }
0x79: {  	[tilespmem:s2+$0x6990] =	vst.add.f32.msk $0xffff, v25  }
.Ltmp0:
0x7a: {  	[tilespmem:s2+$0x69A0] =	vst.add.f32.msk $0xffff, v26;
	(pc) =	sbr.rel @p0 .LBB2_3-.Ltmp0, $4  }
0x7b: {  	[tilespmem:s2+$0x69B0] =	vst.add.f32.msk $0xffff, v27  }
0x7c: {  	[tilespmem:s2+$0x69C0] =	vst.add.f32.msk $0xffff, v28  }
0x7d: {  	[tilespmem:s2+$0x69D0] =	vst.add.f32.msk $0xffff, v29  }
0x7e: {  	[tilespmem:s2+$0x69E0] =	vst.add.f32.msk $0xffff, v30;
	s2 =	sshra.s32 s1, $0x2;
	s1 =	sadd.s32 $0x800, s1  }
0x7f: {  	v0 =	vld [tilespmem:s2+$0x1F0]  }
0x80: {  	v1 =	vld [tilespmem:s2+$0x0]  }
0x81: {  	v2 =	vld [tilespmem:s2+$0x10]  }
0x82: {  	v3 =	vld [tilespmem:s2+$0x20]  }
0x83: {  	v4 =	vld [tilespmem:s2+$0x30]  }
0x84: {  	v63 =	vld [tilespmem:s2+$0x40]  }
0x85: {  	v5 =	vld [tilespmem:s2+$0x50]  }
0x86: {  	v6 =	vld [tilespmem:s2+$0x60]  }
0x87: {  	v7 =	vld [tilespmem:s2+$0x70]  }
0x88: {  	v8 =	vld [tilespmem:s2+$0x80]  }
0x89: {  	v9 =	vld [tilespmem:s2+$0x90]  }
0x8a: {  	v10 =	vld [tilespmem:s2+$0xA0]  }
0x8b: {  	v11 =	vld [tilespmem:s2+$0xB0]  }
0x8c: {  	v12 =	vld [tilespmem:s2+$0xC0]  }
0x8d: {  	v13 =	vld [tilespmem:s2+$0xD0]  }
0x8e: {  	v14 =	vld [tilespmem:s2+$0xE0]  }
0x8f: {  	v15 =	vld [tilespmem:s2+$0xF0]  }
0x90: {  	v16 =	vld [tilespmem:s2+$0x100]  }
0x91: {  	v17 =	vld [tilespmem:s2+$0x110]  }
0x92: {  	v18 =	vld [tilespmem:s2+$0x120]  }
0x93: {  	v19 =	vld [tilespmem:s2+$0x130]  }
0x94: {  	v20 =	vld [tilespmem:s2+$0x140]  }
0x95: {  	v21 =	vld [tilespmem:s2+$0x150]  }
0x96: {  	v22 =	vld [tilespmem:s2+$0x160]  }
0x97: {  	v23 =	vld [tilespmem:s2+$0x170]  }
0x98: {  	v24 =	vld [tilespmem:s2+$0x180]  }
0x99: {  	v25 =	vld [tilespmem:s2+$0x190]  }
0x9a: {  	v26 =	vld [tilespmem:s2+$0x1A0]  }
0x9b: {  	v27 =	vld [tilespmem:s2+$0x1B0]  }
0x9c: {  	v28 =	vld [tilespmem:s2+$0x1C0]  }
0x9d: {  	v29 =	vld [tilespmem:s2+$0x1D0]  }
0x9e: {  	v30 =	vld [tilespmem:s2+$0x1E0]  }
0x9f: {  	[tilespmem:s2+$0x69F0] =	vst.add.f32.msk $0xffff, v0  }
0xa0: {  	[tilespmem:s2+$0x6800] =	vst.add.f32.msk $0xffff, v1  }
0xa1: {  	[tilespmem:s2+$0x6810] =	vst.add.f32.msk $0xffff, v2  }
0xa2: {  	[tilespmem:s2+$0x6820] =	vst.add.f32.msk $0xffff, v3  }
0xa3: {  	[tilespmem:s2+$0x6830] =	vst.add.f32.msk $0xffff, v4  }
0xa4: {  	[tilespmem:s2+$0x6840] =	vst.add.f32.msk $0xffff, v63  }
0xa5: {  	[tilespmem:s2+$0x6850] =	vst.add.f32.msk $0xffff, v5  }
0xa6: {  	[tilespmem:s2+$0x6860] =	vst.add.f32.msk $0xffff, v6  }
0xa7: {  	[tilespmem:s2+$0x6870] =	vst.add.f32.msk $0xffff, v7  }
0xa8: {  	[tilespmem:s2+$0x6880] =	vst.add.f32.msk $0xffff, v8  }
0xa9: {  	[tilespmem:s2+$0x6890] =	vst.add.f32.msk $0xffff, v9  }
0xaa: {  	[tilespmem:s2+$0x68A0] =	vst.add.f32.msk $0xffff, v10  }
0xab: {  	[tilespmem:s2+$0x68B0] =	vst.add.f32.msk $0xffff, v11  }
0xac: {  	[tilespmem:s2+$0x68C0] =	vst.add.f32.msk $0xffff, v12  }
0xad: {  	[tilespmem:s2+$0x68D0] =	vst.add.f32.msk $0xffff, v13  }
0xae: {  	[tilespmem:s2+$0x68E0] =	vst.add.f32.msk $0xffff, v14  }
0xaf: {  	[tilespmem:s2+$0x68F0] =	vst.add.f32.msk $0xffff, v15  }
0xb0: {  	[tilespmem:s2+$0x6900] =	vst.add.f32.msk $0xffff, v16  }
0xb1: {  	[tilespmem:s2+$0x6910] =	vst.add.f32.msk $0xffff, v17  }
0xb2: {  	[tilespmem:s2+$0x6920] =	vst.add.f32.msk $0xffff, v18  }
0xb3: {  	[tilespmem:s2+$0x6930] =	vst.add.f32.msk $0xffff, v19  }
0xb4: {  	[tilespmem:s2+$0x6940] =	vst.add.f32.msk $0xffff, v20  }
0xb5: {  	[tilespmem:s2+$0x6950] =	vst.add.f32.msk $0xffff, v21  }
0xb6: {  	[tilespmem:s2+$0x6960] =	vst.add.f32.msk $0xffff, v22  }
0xb7: {  	[tilespmem:s2+$0x6970] =	vst.add.f32.msk $0xffff, v23  }
0xb8: {  	[tilespmem:s2+$0x6980] =	vst.add.f32.msk $0xffff, v24  }
0xb9: {  	[tilespmem:s2+$0x6990] =	vst.add.f32.msk $0xffff, v25  }
0xba: {  	[tilespmem:s2+$0x69A0] =	vst.add.f32.msk $0xffff, v26  }
0xbb: {  	s1 =	sadd.s32 s6, s14;
	[tilespmem:s2+$0x69B0] =	vst.add.f32.msk $0xffff, v27  }
0xbc: {  	s1 =	smul.u32 $0xC80, s1;
	[tilespmem:s2+$0x69C0] =	vst.add.f32.msk $0xffff, v28  }
0xbd: {  	[tilespmem:s2+$0x69D0] =	vst.add.f32.msk $0xffff, v29  }
0xbe: {  	p0 =	seq.s32 s24, $0x7;
	s1 =	sadd.s32 s4, s1;
	[tilespmem:s2+$0x69E0] =	vst.add.f32.msk $0xffff, v30  }
0xbf: {  	[hbm4b:s1+s5] =	stream.linear.scatter [tilespmem:s21], [sflag:$0x5], $0x6400, $0x38;
	[tilespmem:$0x1F800] =	vst v63  }
0xc0: {  	s1 =	sadd.s32 @!p0 s14, s11  }
0xc1: {  	p1 =	seq.s32 @!p0 s24, $0x0;
	s28 =	simm.s32 @!p0 $0x6400;
	s1 =	sshll.u32 @!p0 s1, $0x5  }
0xc2: {  	p1 =	por p0, !p1;
	s2 =	simm.s32 @!p0 $0x0;
	s1 =	sadd.s32 @!p0 s7, s1  }
0xc3: {  	[tilespmem:s28], [sflag:$0x9] =	stream.linear.gather @!p0 [hbm4b:s1+s2], $0x100, $0x38;
	[tilespmem:$0x1F800] =	vst v63  }
0xc4: {  	_ =	swait.ge @p1 [sflag:s8], $0x6400  }
0xc5: {  	[sflag:s8] =	ssyncset.done @p1 $0x0  }
0xc6: {  	[sflag:s8] =	ssyncadd.s32 @p1 $0xFFFF9C00  }
0xc7: {  	_ =	swait.ge [sflag:s23], $0x100  }
0xc8: {  	[sflag:s23] =	ssyncset.done $0x0  }
0xc9: {  	[sflag:s23] =	ssyncadd.s32 $0xFFFFFF00  }
0xca: {  	[tilespmem:s26], [sflag:$0x4] =	stream.indirect.gather [hbm4b:s3+s20], $0x80, s30, s20, $0xb8;
	[tilespmem:$0x1F800] =	vst v63  }
0xcb: {  	s2 =	simm.s32 $0x6780  }
0xcc: {  	[tilespmem:s16], [sflag:$0x4] =	stream.indirect.gather [hbm4b:s3+s20], $0x80, s2, s20, $0xb8;
	[tilespmem:$0x1F800] =	vst v63  }
0xcd: {  	_ =	swait.ge [sflag:s17], $0x3200  }
0xce: {  	[sflag:s17] =	ssyncset.done $0x0  }
0xcf: {  	[sflag:s17] =	ssyncadd.s32 $0xFFFFCE00  }
0xd0: {  	_ =	swait.ge [sflag:s17], $0x3200  }
0xd1: {  	s1 =	simm.s32 $0x0;
	[sflag:s17] =	ssyncset.done $0x0  }
0xd2: {  	s28 =	simm.s32 $0x800;
	s2 =	sor.u32 $0x1, s14;
	[sflag:s17] =	ssyncadd.s32 $0xFFFFCE00  }
.LBB2_5:
0xd3: {  	p1 =	sne.s32 s28, $0x18800;
	v0 =	vld [tilespmem:s1+$0x1F0]  }
0xd4: {  	v1 =	vld [tilespmem:s1+$0x0]  }
0xd5: {  	v2 =	vld [tilespmem:s1+$0x10]  }
0xd6: {  	v3 =	vld [tilespmem:s1+$0x20]  }
0xd7: {  	v4 =	vld [tilespmem:s1+$0x30]  }
0xd8: {  	[tilespmem:s1+$0xCDF0] =	vst.add.f32.msk $0xffff, v0  }
0xd9: {  	v0 =	vld [tilespmem:s1+$0x40]  }
0xda: {  	v5 =	vld [tilespmem:s1+$0x50]  }
0xdb: {  	v6 =	vld [tilespmem:s1+$0x60]  }
0xdc: {  	v7 =	vld [tilespmem:s1+$0x70]  }
0xdd: {  	v8 =	vld [tilespmem:s1+$0x80]  }
0xde: {  	v9 =	vld [tilespmem:s1+$0x90]  }
0xdf: {  	v10 =	vld [tilespmem:s1+$0xA0]  }
0xe0: {  	v11 =	vld [tilespmem:s1+$0xB0]  }
0xe1: {  	v12 =	vld [tilespmem:s1+$0xC0]  }
0xe2: {  	v13 =	vld [tilespmem:s1+$0xD0]  }
0xe3: {  	v14 =	vld [tilespmem:s1+$0xE0]  }
0xe4: {  	v15 =	vld [tilespmem:s1+$0xF0]  }
0xe5: {  	v16 =	vld [tilespmem:s1+$0x100]  }
0xe6: {  	v17 =	vld [tilespmem:s1+$0x110]  }
0xe7: {  	v18 =	vld [tilespmem:s1+$0x120]  }
0xe8: {  	v19 =	vld [tilespmem:s1+$0x130]  }
0xe9: {  	v20 =	vld [tilespmem:s1+$0x140]  }
0xea: {  	v21 =	vld [tilespmem:s1+$0x150]  }
0xeb: {  	v22 =	vld [tilespmem:s1+$0x160]  }
0xec: {  	v23 =	vld [tilespmem:s1+$0x170]  }
0xed: {  	v24 =	vld [tilespmem:s1+$0x180]  }
0xee: {  	v25 =	vld [tilespmem:s1+$0x190]  }
0xef: {  	v26 =	vld [tilespmem:s1+$0x1A0]  }
0xf0: {  	v27 =	vld [tilespmem:s1+$0x1B0]  }
0xf1: {  	v28 =	vld [tilespmem:s1+$0x1C0]  }
0xf2: {  	v29 =	vld [tilespmem:s1+$0x1D0]  }
0xf3: {  	v30 =	vld [tilespmem:s1+$0x1E0]  }
0xf4: {  	[tilespmem:s1+$0xCC00] =	vst.add.f32.msk $0xffff, v1  }
0xf5: {  	[tilespmem:s1+$0xCC10] =	vst.add.f32.msk $0xffff, v2  }
0xf6: {  	[tilespmem:s1+$0xCC20] =	vst.add.f32.msk $0xffff, v3  }
0xf7: {  	[tilespmem:s1+$0xCC30] =	vst.add.f32.msk $0xffff, v4  }
0xf8: {  	[tilespmem:s1+$0xCC40] =	vst.add.f32.msk $0xffff, v0  }
0xf9: {  	[tilespmem:s1+$0xCC50] =	vst.add.f32.msk $0xffff, v5  }
0xfa: {  	[tilespmem:s1+$0xCC60] =	vst.add.f32.msk $0xffff, v6  }
0xfb: {  	[tilespmem:s1+$0xCC70] =	vst.add.f32.msk $0xffff, v7  }
0xfc: {  	[tilespmem:s1+$0xCC80] =	vst.add.f32.msk $0xffff, v8  }
0xfd: {  	[tilespmem:s1+$0xCC90] =	vst.add.f32.msk $0xffff, v9  }
0xfe: {  	[tilespmem:s1+$0xCCA0] =	vst.add.f32.msk $0xffff, v10  }
0xff: {  	[tilespmem:s1+$0xCCB0] =	vst.add.f32.msk $0xffff, v11  }
0x100: {  	[tilespmem:s1+$0xCCC0] =	vst.add.f32.msk $0xffff, v12  }
0x101: {  	[tilespmem:s1+$0xCCD0] =	vst.add.f32.msk $0xffff, v13  }
0x102: {  	[tilespmem:s1+$0xCCE0] =	vst.add.f32.msk $0xffff, v14  }
0x103: {  	[tilespmem:s1+$0xCCF0] =	vst.add.f32.msk $0xffff, v15  }
0x104: {  	[tilespmem:s1+$0xCD00] =	vst.add.f32.msk $0xffff, v16  }
0x105: {  	[tilespmem:s1+$0xCD10] =	vst.add.f32.msk $0xffff, v17  }
0x106: {  	[tilespmem:s1+$0xCD20] =	vst.add.f32.msk $0xffff, v18  }
0x107: {  	[tilespmem:s1+$0xCD30] =	vst.add.f32.msk $0xffff, v19  }
0x108: {  	[tilespmem:s1+$0xCD40] =	vst.add.f32.msk $0xffff, v20  }
0x109: {  	[tilespmem:s1+$0xCD50] =	vst.add.f32.msk $0xffff, v21  }
0x10a: {  	[tilespmem:s1+$0xCD60] =	vst.add.f32.msk $0xffff, v22  }
0x10b: {  	[tilespmem:s1+$0xCD70] =	vst.add.f32.msk $0xffff, v23  }
0x10c: {  	[tilespmem:s1+$0xCD80] =	vst.add.f32.msk $0xffff, v24  }
0x10d: {  	[tilespmem:s1+$0xCD90] =	vst.add.f32.msk $0xffff, v25  }
.Ltmp1:
0x10e: {  	[tilespmem:s1+$0xCDA0] =	vst.add.f32.msk $0xffff, v26;
	(pc) =	sbr.rel @p1 .LBB2_5-.Ltmp1, $4  }
0x10f: {  	[tilespmem:s1+$0xCDB0] =	vst.add.f32.msk $0xffff, v27  }
0x110: {  	[tilespmem:s1+$0xCDC0] =	vst.add.f32.msk $0xffff, v28  }
0x111: {  	[tilespmem:s1+$0xCDD0] =	vst.add.f32.msk $0xffff, v29  }
0x112: {  	[tilespmem:s1+$0xCDE0] =	vst.add.f32.msk $0xffff, v30;
	s1 =	sshra.s32 s28, $0x2;
	s28 =	sadd.s32 $0x800, s28  }
0x113: {  	v0 =	vld [tilespmem:s1+$0x1F0]  }
0x114: {  	v1 =	vld [tilespmem:s1+$0x0]  }
0x115: {  	v2 =	vld [tilespmem:s1+$0x10]  }
0x116: {  	v3 =	vld [tilespmem:s1+$0x20]  }
0x117: {  	v4 =	vld [tilespmem:s1+$0x30]  }
0x118: {  	v63 =	vld [tilespmem:s1+$0x40]  }
0x119: {  	v5 =	vld [tilespmem:s1+$0x50]  }
0x11a: {  	v6 =	vld [tilespmem:s1+$0x60]  }
0x11b: {  	v7 =	vld [tilespmem:s1+$0x70]  }
0x11c: {  	v8 =	vld [tilespmem:s1+$0x80]  }
0x11d: {  	v9 =	vld [tilespmem:s1+$0x90]  }
0x11e: {  	v10 =	vld [tilespmem:s1+$0xA0]  }
0x11f: {  	v11 =	vld [tilespmem:s1+$0xB0]  }
0x120: {  	v12 =	vld [tilespmem:s1+$0xC0]  }
0x121: {  	v13 =	vld [tilespmem:s1+$0xD0]  }
0x122: {  	v14 =	vld [tilespmem:s1+$0xE0]  }
0x123: {  	v15 =	vld [tilespmem:s1+$0xF0]  }
0x124: {  	v16 =	vld [tilespmem:s1+$0x100]  }
0x125: {  	v17 =	vld [tilespmem:s1+$0x110]  }
0x126: {  	v18 =	vld [tilespmem:s1+$0x120]  }
0x127: {  	v19 =	vld [tilespmem:s1+$0x130]  }
0x128: {  	v20 =	vld [tilespmem:s1+$0x140]  }
0x129: {  	v21 =	vld [tilespmem:s1+$0x150]  }
0x12a: {  	v22 =	vld [tilespmem:s1+$0x160]  }
0x12b: {  	v23 =	vld [tilespmem:s1+$0x170]  }
0x12c: {  	v24 =	vld [tilespmem:s1+$0x180]  }
0x12d: {  	v25 =	vld [tilespmem:s1+$0x190]  }
0x12e: {  	v26 =	vld [tilespmem:s1+$0x1A0]  }
0x12f: {  	v27 =	vld [tilespmem:s1+$0x1B0]  }
0x130: {  	v28 =	vld [tilespmem:s1+$0x1C0]  }
0x131: {  	v29 =	vld [tilespmem:s1+$0x1D0]  }
0x132: {  	v30 =	vld [tilespmem:s1+$0x1E0]  }
0x133: {  	[tilespmem:s1+$0xCDF0] =	vst.add.f32.msk $0xffff, v0  }
0x134: {  	[tilespmem:s1+$0xCC00] =	vst.add.f32.msk $0xffff, v1  }
0x135: {  	[tilespmem:s1+$0xCC10] =	vst.add.f32.msk $0xffff, v2  }
0x136: {  	[tilespmem:s1+$0xCC20] =	vst.add.f32.msk $0xffff, v3  }
0x137: {  	[tilespmem:s1+$0xCC30] =	vst.add.f32.msk $0xffff, v4  }
0x138: {  	[tilespmem:s1+$0xCC40] =	vst.add.f32.msk $0xffff, v63  }
0x139: {  	[tilespmem:s1+$0xCC50] =	vst.add.f32.msk $0xffff, v5  }
0x13a: {  	[tilespmem:s1+$0xCC60] =	vst.add.f32.msk $0xffff, v6  }
0x13b: {  	[tilespmem:s1+$0xCC70] =	vst.add.f32.msk $0xffff, v7  }
0x13c: {  	[tilespmem:s1+$0xCC80] =	vst.add.f32.msk $0xffff, v8  }
0x13d: {  	[tilespmem:s1+$0xCC90] =	vst.add.f32.msk $0xffff, v9  }
0x13e: {  	[tilespmem:s1+$0xCCA0] =	vst.add.f32.msk $0xffff, v10  }
0x13f: {  	[tilespmem:s1+$0xCCB0] =	vst.add.f32.msk $0xffff, v11  }
0x140: {  	[tilespmem:s1+$0xCCC0] =	vst.add.f32.msk $0xffff, v12  }
0x141: {  	[tilespmem:s1+$0xCCD0] =	vst.add.f32.msk $0xffff, v13  }
0x142: {  	[tilespmem:s1+$0xCCE0] =	vst.add.f32.msk $0xffff, v14  }
0x143: {  	[tilespmem:s1+$0xCCF0] =	vst.add.f32.msk $0xffff, v15  }
0x144: {  	[tilespmem:s1+$0xCD00] =	vst.add.f32.msk $0xffff, v16  }
0x145: {  	[tilespmem:s1+$0xCD10] =	vst.add.f32.msk $0xffff, v17  }
0x146: {  	[tilespmem:s1+$0xCD20] =	vst.add.f32.msk $0xffff, v18  }
0x147: {  	[tilespmem:s1+$0xCD30] =	vst.add.f32.msk $0xffff, v19  }
0x148: {  	[tilespmem:s1+$0xCD40] =	vst.add.f32.msk $0xffff, v20  }
0x149: {  	[tilespmem:s1+$0xCD50] =	vst.add.f32.msk $0xffff, v21  }
0x14a: {  	[tilespmem:s1+$0xCD60] =	vst.add.f32.msk $0xffff, v22  }
0x14b: {  	[tilespmem:s1+$0xCD70] =	vst.add.f32.msk $0xffff, v23  }
0x14c: {  	[tilespmem:s1+$0xCD80] =	vst.add.f32.msk $0xffff, v24  }
0x14d: {  	[tilespmem:s1+$0xCD90] =	vst.add.f32.msk $0xffff, v25  }
0x14e: {  	[tilespmem:s1+$0xCDA0] =	vst.add.f32.msk $0xffff, v26  }
0x14f: {  	s2 =	sadd.s32 s6, s2;
	[tilespmem:s1+$0xCDB0] =	vst.add.f32.msk $0xffff, v27  }
0x150: {  	s2 =	smul.u32 $0xC80, s2;
	[tilespmem:s1+$0xCDC0] =	vst.add.f32.msk $0xffff, v28  }
0x151: {  	[tilespmem:s1+$0xCDD0] =	vst.add.f32.msk $0xffff, v29  }
0x152: {  	s28 =	sadd.s32 s4, s2;
	[tilespmem:s1+$0xCDE0] =	vst.add.f32.msk $0xffff, v30;
	s1 =	sadd.s32 @!p0 s14, s12  }
0x153: {  	[hbm4b:s28+s5] =	stream.linear.scatter [tilespmem:s25], [sflag:$0x6], $0x6400, $0x38;
	[tilespmem:$0x1F800] =	vst v63  }
0x154: {  	s1 =	sshll.u32 @!p0 s1, $0x5  }
0x155: {  	s2 =	simm.s32 @!p0 $0x0;
	s28 =	simm.s32 @!p0 $0x6500;
	s1 =	sadd.s32 @!p0 s7, s1  }
0x156: {  	[tilespmem:s28], [sflag:$0xA] =	stream.linear.gather @!p0 [hbm4b:s1+s2], $0x100, $0x38;
	[tilespmem:$0x1F800] =	vst v63  }
0x157: {  	s1 =	simm.s32 @!p0 $0x5  }
0x158: {  	_ =	swait.ge @!p0 [sflag:s1], $0x6400  }
0x159: {  	[sflag:s1] =	ssyncset.done @!p0 $0x0  }
0x15a: {  	[sflag:s1] =	ssyncadd.s32 @!p0 $0xFFFF9C00;
	s1 =	simm.s32 @!p0 $0x9  }
0x15b: {  	_ =	swait.ge @!p0 [sflag:s1], $0x100  }
0x15c: {  	s2 =	simm.s32 @!p0 $0x6400;
	[sflag:s1] =	ssyncset.done @!p0 $0x0  }
0x15d: {  	s28 =	simm.s32 @!p0 $0x6800;
	[sflag:s1] =	ssyncadd.s32 @!p0 $0xFFFFFF00;
	s1 =	simm.s32 @!p0 $0x64  }
0x15e: {  	[tilespmem:s28], [sflag:$0x1] =	stream.indirect.gather @!p0 [hbm4b:s3+s1], $0x80, s2, s1, $0xb8;
	[tilespmem:$0x1F800] =	vst v63  }
0x15f: {  	s2 =	simm.s32 @!p0 $0x6480;
	s28 =	simm.s32 @!p0 $0x9A00  }
0x160: {  	[tilespmem:s28], [sflag:$0x1] =	stream.indirect.gather @!p0 [hbm4b:s3+s1], $0x80, s2, s1, $0xb8;
	[tilespmem:$0x1F800] =	vst v63  }
0x161: {  	_ =	swait.ge [sflag:s9], $0x3200  }
0x162: {  	[sflag:s9] =	ssyncset.done $0x0  }
0x163: {  	[sflag:s9] =	ssyncadd.s32 $0xFFFFCE00  }
0x164: {  	_ =	swait.ge [sflag:s9], $0x3200  }
0x165: {  	[sflag:s9] =	ssyncset.done $0x0  }
0x166: {  	s1 =	simm.s32 $0x0;
	s2 =	simm.s32 $0x800;
	[sflag:s9] =	ssyncadd.s32 $0xFFFFCE00  }
.LBB2_7:
0x167: {  	p1 =	sne.s32 s2, $0x18800;
	v0 =	vld [tilespmem:s1+$0x1F0]  }
0x168: {  	v1 =	vld [tilespmem:s1+$0x0]  }
0x169: {  	v2 =	vld [tilespmem:s1+$0x10]  }
0x16a: {  	v3 =	vld [tilespmem:s1+$0x20]  }
0x16b: {  	v4 =	vld [tilespmem:s1+$0x30]  }
0x16c: {  	[tilespmem:s1+$0x131F0] =	vst.add.f32.msk $0xffff, v0  }
0x16d: {  	v0 =	vld [tilespmem:s1+$0x40]  }
0x16e: {  	v5 =	vld [tilespmem:s1+$0x50]  }
0x16f: {  	v6 =	vld [tilespmem:s1+$0x60]  }
0x170: {  	v7 =	vld [tilespmem:s1+$0x70]  }
0x171: {  	v8 =	vld [tilespmem:s1+$0x80]  }
0x172: {  	v9 =	vld [tilespmem:s1+$0x90]  }
0x173: {  	v10 =	vld [tilespmem:s1+$0xA0]  }
0x174: {  	v11 =	vld [tilespmem:s1+$0xB0]  }
0x175: {  	v12 =	vld [tilespmem:s1+$0xC0]  }
0x176: {  	v13 =	vld [tilespmem:s1+$0xD0]  }
0x177: {  	v14 =	vld [tilespmem:s1+$0xE0]  }
0x178: {  	v15 =	vld [tilespmem:s1+$0xF0]  }
0x179: {  	v16 =	vld [tilespmem:s1+$0x100]  }
0x17a: {  	v17 =	vld [tilespmem:s1+$0x110]  }
0x17b: {  	v18 =	vld [tilespmem:s1+$0x120]  }
0x17c: {  	v19 =	vld [tilespmem:s1+$0x130]  }
0x17d: {  	v20 =	vld [tilespmem:s1+$0x140]  }
0x17e: {  	v21 =	vld [tilespmem:s1+$0x150]  }
0x17f: {  	v22 =	vld [tilespmem:s1+$0x160]  }
0x180: {  	v23 =	vld [tilespmem:s1+$0x170]  }
0x181: {  	v24 =	vld [tilespmem:s1+$0x180]  }
0x182: {  	v25 =	vld [tilespmem:s1+$0x190]  }
0x183: {  	v26 =	vld [tilespmem:s1+$0x1A0]  }
0x184: {  	v27 =	vld [tilespmem:s1+$0x1B0]  }
0x185: {  	v28 =	vld [tilespmem:s1+$0x1C0]  }
0x186: {  	v29 =	vld [tilespmem:s1+$0x1D0]  }
0x187: {  	v30 =	vld [tilespmem:s1+$0x1E0]  }
0x188: {  	[tilespmem:s1+$0x13000] =	vst.add.f32.msk $0xffff, v1  }
0x189: {  	[tilespmem:s1+$0x13010] =	vst.add.f32.msk $0xffff, v2  }
0x18a: {  	[tilespmem:s1+$0x13020] =	vst.add.f32.msk $0xffff, v3  }
0x18b: {  	[tilespmem:s1+$0x13030] =	vst.add.f32.msk $0xffff, v4  }
0x18c: {  	[tilespmem:s1+$0x13040] =	vst.add.f32.msk $0xffff, v0  }
0x18d: {  	[tilespmem:s1+$0x13050] =	vst.add.f32.msk $0xffff, v5  }
0x18e: {  	[tilespmem:s1+$0x13060] =	vst.add.f32.msk $0xffff, v6  }
0x18f: {  	[tilespmem:s1+$0x13070] =	vst.add.f32.msk $0xffff, v7  }
0x190: {  	[tilespmem:s1+$0x13080] =	vst.add.f32.msk $0xffff, v8  }
0x191: {  	[tilespmem:s1+$0x13090] =	vst.add.f32.msk $0xffff, v9  }
0x192: {  	[tilespmem:s1+$0x130A0] =	vst.add.f32.msk $0xffff, v10  }
0x193: {  	[tilespmem:s1+$0x130B0] =	vst.add.f32.msk $0xffff, v11  }
0x194: {  	[tilespmem:s1+$0x130C0] =	vst.add.f32.msk $0xffff, v12  }
0x195: {  	[tilespmem:s1+$0x130D0] =	vst.add.f32.msk $0xffff, v13  }
0x196: {  	[tilespmem:s1+$0x130E0] =	vst.add.f32.msk $0xffff, v14  }
0x197: {  	[tilespmem:s1+$0x130F0] =	vst.add.f32.msk $0xffff, v15  }
0x198: {  	[tilespmem:s1+$0x13100] =	vst.add.f32.msk $0xffff, v16  }
0x199: {  	[tilespmem:s1+$0x13110] =	vst.add.f32.msk $0xffff, v17  }
0x19a: {  	[tilespmem:s1+$0x13120] =	vst.add.f32.msk $0xffff, v18  }
0x19b: {  	[tilespmem:s1+$0x13130] =	vst.add.f32.msk $0xffff, v19  }
0x19c: {  	[tilespmem:s1+$0x13140] =	vst.add.f32.msk $0xffff, v20  }
0x19d: {  	[tilespmem:s1+$0x13150] =	vst.add.f32.msk $0xffff, v21  }
0x19e: {  	[tilespmem:s1+$0x13160] =	vst.add.f32.msk $0xffff, v22  }
0x19f: {  	[tilespmem:s1+$0x13170] =	vst.add.f32.msk $0xffff, v23  }
0x1a0: {  	[tilespmem:s1+$0x13180] =	vst.add.f32.msk $0xffff, v24  }
0x1a1: {  	[tilespmem:s1+$0x13190] =	vst.add.f32.msk $0xffff, v25  }
.Ltmp2:
0x1a2: {  	[tilespmem:s1+$0x131A0] =	vst.add.f32.msk $0xffff, v26;
	(pc) =	sbr.rel @p1 .LBB2_7-.Ltmp2, $4  }
0x1a3: {  	[tilespmem:s1+$0x131B0] =	vst.add.f32.msk $0xffff, v27  }
0x1a4: {  	[tilespmem:s1+$0x131C0] =	vst.add.f32.msk $0xffff, v28  }
0x1a5: {  	[tilespmem:s1+$0x131D0] =	vst.add.f32.msk $0xffff, v29  }
0x1a6: {  	[tilespmem:s1+$0x131E0] =	vst.add.f32.msk $0xffff, v30;
	s1 =	sshra.s32 s2, $0x2;
	s2 =	sadd.s32 $0x800, s2  }
0x1a7: {  	v0 =	vld [tilespmem:s1+$0x1F0]  }
0x1a8: {  	v1 =	vld [tilespmem:s1+$0x0]  }
0x1a9: {  	v2 =	vld [tilespmem:s1+$0x10]  }
0x1aa: {  	v3 =	vld [tilespmem:s1+$0x20]  }
0x1ab: {  	v4 =	vld [tilespmem:s1+$0x30]  }
0x1ac: {  	v63 =	vld [tilespmem:s1+$0x40]  }
0x1ad: {  	v5 =	vld [tilespmem:s1+$0x50]  }
0x1ae: {  	v6 =	vld [tilespmem:s1+$0x60]  }
0x1af: {  	v7 =	vld [tilespmem:s1+$0x70]  }
0x1b0: {  	v8 =	vld [tilespmem:s1+$0x80]  }
0x1b1: {  	v9 =	vld [tilespmem:s1+$0x90]  }
0x1b2: {  	v10 =	vld [tilespmem:s1+$0xA0]  }
0x1b3: {  	v11 =	vld [tilespmem:s1+$0xB0]  }
0x1b4: {  	v12 =	vld [tilespmem:s1+$0xC0]  }
0x1b5: {  	v13 =	vld [tilespmem:s1+$0xD0]  }
0x1b6: {  	v14 =	vld [tilespmem:s1+$0xE0]  }
0x1b7: {  	v15 =	vld [tilespmem:s1+$0xF0]  }
0x1b8: {  	v16 =	vld [tilespmem:s1+$0x100]  }
0x1b9: {  	v17 =	vld [tilespmem:s1+$0x110]  }
0x1ba: {  	v18 =	vld [tilespmem:s1+$0x120]  }
0x1bb: {  	v19 =	vld [tilespmem:s1+$0x130]  }
0x1bc: {  	v20 =	vld [tilespmem:s1+$0x140]  }
0x1bd: {  	v21 =	vld [tilespmem:s1+$0x150]  }
0x1be: {  	v22 =	vld [tilespmem:s1+$0x160]  }
0x1bf: {  	v23 =	vld [tilespmem:s1+$0x170]  }
0x1c0: {  	v24 =	vld [tilespmem:s1+$0x180]  }
0x1c1: {  	v25 =	vld [tilespmem:s1+$0x190]  }
0x1c2: {  	v26 =	vld [tilespmem:s1+$0x1A0]  }
0x1c3: {  	v27 =	vld [tilespmem:s1+$0x1B0]  }
0x1c4: {  	v28 =	vld [tilespmem:s1+$0x1C0]  }
0x1c5: {  	v29 =	vld [tilespmem:s1+$0x1D0]  }
0x1c6: {  	v30 =	vld [tilespmem:s1+$0x1E0]  }
0x1c7: {  	[tilespmem:s1+$0x131F0] =	vst.add.f32.msk $0xffff, v0  }
0x1c8: {  	[tilespmem:s1+$0x13000] =	vst.add.f32.msk $0xffff, v1  }
0x1c9: {  	[tilespmem:s1+$0x13010] =	vst.add.f32.msk $0xffff, v2  }
0x1ca: {  	[tilespmem:s1+$0x13020] =	vst.add.f32.msk $0xffff, v3  }
0x1cb: {  	[tilespmem:s1+$0x13030] =	vst.add.f32.msk $0xffff, v4  }
0x1cc: {  	[tilespmem:s1+$0x13040] =	vst.add.f32.msk $0xffff, v63  }
0x1cd: {  	[tilespmem:s1+$0x13050] =	vst.add.f32.msk $0xffff, v5  }
0x1ce: {  	[tilespmem:s1+$0x13060] =	vst.add.f32.msk $0xffff, v6  }
0x1cf: {  	[tilespmem:s1+$0x13070] =	vst.add.f32.msk $0xffff, v7  }
0x1d0: {  	[tilespmem:s1+$0x13080] =	vst.add.f32.msk $0xffff, v8  }
0x1d1: {  	[tilespmem:s1+$0x13090] =	vst.add.f32.msk $0xffff, v9  }
0x1d2: {  	[tilespmem:s1+$0x130A0] =	vst.add.f32.msk $0xffff, v10  }
0x1d3: {  	[tilespmem:s1+$0x130B0] =	vst.add.f32.msk $0xffff, v11  }
0x1d4: {  	[tilespmem:s1+$0x130C0] =	vst.add.f32.msk $0xffff, v12  }
0x1d5: {  	[tilespmem:s1+$0x130D0] =	vst.add.f32.msk $0xffff, v13  }
0x1d6: {  	[tilespmem:s1+$0x130E0] =	vst.add.f32.msk $0xffff, v14  }
0x1d7: {  	[tilespmem:s1+$0x130F0] =	vst.add.f32.msk $0xffff, v15  }
0x1d8: {  	[tilespmem:s1+$0x13100] =	vst.add.f32.msk $0xffff, v16  }
0x1d9: {  	[tilespmem:s1+$0x13110] =	vst.add.f32.msk $0xffff, v17  }
0x1da: {  	[tilespmem:s1+$0x13120] =	vst.add.f32.msk $0xffff, v18  }
0x1db: {  	[tilespmem:s1+$0x13130] =	vst.add.f32.msk $0xffff, v19  }
0x1dc: {  	[tilespmem:s1+$0x13140] =	vst.add.f32.msk $0xffff, v20  }
0x1dd: {  	[tilespmem:s1+$0x13150] =	vst.add.f32.msk $0xffff, v21  }
0x1de: {  	[tilespmem:s1+$0x13160] =	vst.add.f32.msk $0xffff, v22  }
0x1df: {  	[tilespmem:s1+$0x13170] =	vst.add.f32.msk $0xffff, v23  }
0x1e0: {  	[tilespmem:s1+$0x13180] =	vst.add.f32.msk $0xffff, v24  }
0x1e1: {  	[tilespmem:s1+$0x13190] =	vst.add.f32.msk $0xffff, v25  }
0x1e2: {  	[tilespmem:s1+$0x131A0] =	vst.add.f32.msk $0xffff, v26  }
0x1e3: {  	s2 =	sadd.s32 s6, s19;
	[tilespmem:s1+$0x131B0] =	vst.add.f32.msk $0xffff, v27  }
0x1e4: {  	s2 =	smul.u32 $0xC80, s2;
	[tilespmem:s1+$0x131C0] =	vst.add.f32.msk $0xffff, v28  }
0x1e5: {  	[tilespmem:s1+$0x131D0] =	vst.add.f32.msk $0xffff, v29  }
0x1e6: {  	s28 =	sadd.s32 s4, s2;
	[tilespmem:s1+$0x131E0] =	vst.add.f32.msk $0xffff, v30;
	s1 =	sadd.s32 @!p0 s14, s13  }
0x1e7: {  	[hbm4b:s28+s5] =	stream.linear.scatter [tilespmem:s0], [sflag:$0x7], $0x6400, $0x38;
	[tilespmem:$0x1F800] =	vst v63  }
0x1e8: {  	s1 =	sshll.u32 @!p0 s1, $0x5  }
0x1e9: {  	s2 =	simm.s32 @!p0 $0x0;
	s14 =	simm.s32 @!p0 $0x6600;
	s1 =	sadd.s32 @!p0 s7, s1  }
0x1ea: {  	[tilespmem:s14], [sflag:$0xB] =	stream.linear.gather @!p0 [hbm4b:s1+s2], $0x100, $0x38;
	[tilespmem:$0x1F800] =	vst v63  }
0x1eb: {  	s1 =	simm.s32 @!p0 $0x6  }
0x1ec: {  	_ =	swait.ge @!p0 [sflag:s1], $0x6400  }
0x1ed: {  	[sflag:s1] =	ssyncset.done @!p0 $0x0  }
0x1ee: {  	[sflag:s1] =	ssyncadd.s32 @!p0 $0xFFFF9C00;
	s1 =	simm.s32 @!p0 $0xA  }
0x1ef: {  	_ =	swait.ge @!p0 [sflag:s1], $0x100  }
0x1f0: {  	s2 =	simm.s32 @!p0 $0x6500;
	[sflag:s1] =	ssyncset.done @!p0 $0x0  }
0x1f1: {  	s14 =	simm.s32 @!p0 $0xCC00;
	[sflag:s1] =	ssyncadd.s32 @!p0 $0xFFFFFF00;
	s1 =	simm.s32 @!p0 $0x64  }
0x1f2: {  	[tilespmem:s14], [sflag:$0x2] =	stream.indirect.gather @!p0 [hbm4b:s3+s1], $0x80, s2, s1, $0xb8;
	[tilespmem:$0x1F800] =	vst v63  }
0x1f3: {  	s2 =	simm.s32 @!p0 $0x6580;
	s14 =	simm.s32 @!p0 $0xFE00  }
0x1f4: {  	[tilespmem:s14], [sflag:$0x2] =	stream.indirect.gather @!p0 [hbm4b:s3+s1], $0x80, s2, s1, $0xb8;
	[tilespmem:$0x1F800] =	vst v63  }
0x1f5: {  	_ =	swait.ge [sflag:s10], $0x3200  }
0x1f6: {  	[sflag:s10] =	ssyncset.done $0x0  }
0x1f7: {  	[sflag:s10] =	ssyncadd.s32 $0xFFFFCE00  }
0x1f8: {  	_ =	swait.ge [sflag:s10], $0x3200  }
0x1f9: {  	[sflag:s10] =	ssyncset.done $0x0  }
0x1fa: {  	s1 =	simm.s32 $0x0;
	s2 =	simm.s32 $0x800;
	[sflag:s10] =	ssyncadd.s32 $0xFFFFCE00  }
.LBB2_9:
0x1fb: {  	p0 =	sne.s32 s2, $0x18800;
	v0 =	vld [tilespmem:s1+$0x1F0]  }
0x1fc: {  	v1 =	vld [tilespmem:s1+$0x0]  }
0x1fd: {  	v2 =	vld [tilespmem:s1+$0x10]  }
0x1fe: {  	v3 =	vld [tilespmem:s1+$0x20]  }
0x1ff: {  	v4 =	vld [tilespmem:s1+$0x30]  }
0x200: {  	[tilespmem:s1+$0x195F0] =	vst.add.f32.msk $0xffff, v0  }
0x201: {  	v0 =	vld [tilespmem:s1+$0x40]  }
0x202: {  	v5 =	vld [tilespmem:s1+$0x50]  }
0x203: {  	v6 =	vld [tilespmem:s1+$0x60]  }
0x204: {  	v7 =	vld [tilespmem:s1+$0x70]  }
0x205: {  	v8 =	vld [tilespmem:s1+$0x80]  }
0x206: {  	v9 =	vld [tilespmem:s1+$0x90]  }
0x207: {  	v10 =	vld [tilespmem:s1+$0xA0]  }
0x208: {  	v11 =	vld [tilespmem:s1+$0xB0]  }
0x209: {  	v12 =	vld [tilespmem:s1+$0xC0]  }
0x20a: {  	v13 =	vld [tilespmem:s1+$0xD0]  }
0x20b: {  	v14 =	vld [tilespmem:s1+$0xE0]  }
0x20c: {  	v15 =	vld [tilespmem:s1+$0xF0]  }
0x20d: {  	v16 =	vld [tilespmem:s1+$0x100]  }
0x20e: {  	v17 =	vld [tilespmem:s1+$0x110]  }
0x20f: {  	v18 =	vld [tilespmem:s1+$0x120]  }
0x210: {  	v19 =	vld [tilespmem:s1+$0x130]  }
0x211: {  	v20 =	vld [tilespmem:s1+$0x140]  }
0x212: {  	v21 =	vld [tilespmem:s1+$0x150]  }
0x213: {  	v22 =	vld [tilespmem:s1+$0x160]  }
0x214: {  	v23 =	vld [tilespmem:s1+$0x170]  }
0x215: {  	v24 =	vld [tilespmem:s1+$0x180]  }
0x216: {  	v25 =	vld [tilespmem:s1+$0x190]  }
0x217: {  	v26 =	vld [tilespmem:s1+$0x1A0]  }
0x218: {  	v27 =	vld [tilespmem:s1+$0x1B0]  }
0x219: {  	v28 =	vld [tilespmem:s1+$0x1C0]  }
0x21a: {  	v29 =	vld [tilespmem:s1+$0x1D0]  }
0x21b: {  	v30 =	vld [tilespmem:s1+$0x1E0]  }
0x21c: {  	[tilespmem:s1+$0x19400] =	vst.add.f32.msk $0xffff, v1  }
0x21d: {  	[tilespmem:s1+$0x19410] =	vst.add.f32.msk $0xffff, v2  }
0x21e: {  	[tilespmem:s1+$0x19420] =	vst.add.f32.msk $0xffff, v3  }
0x21f: {  	[tilespmem:s1+$0x19430] =	vst.add.f32.msk $0xffff, v4  }
0x220: {  	[tilespmem:s1+$0x19440] =	vst.add.f32.msk $0xffff, v0  }
0x221: {  	[tilespmem:s1+$0x19450] =	vst.add.f32.msk $0xffff, v5  }
0x222: {  	[tilespmem:s1+$0x19460] =	vst.add.f32.msk $0xffff, v6  }
0x223: {  	[tilespmem:s1+$0x19470] =	vst.add.f32.msk $0xffff, v7  }
0x224: {  	[tilespmem:s1+$0x19480] =	vst.add.f32.msk $0xffff, v8  }
0x225: {  	[tilespmem:s1+$0x19490] =	vst.add.f32.msk $0xffff, v9  }
0x226: {  	[tilespmem:s1+$0x194A0] =	vst.add.f32.msk $0xffff, v10  }
0x227: {  	[tilespmem:s1+$0x194B0] =	vst.add.f32.msk $0xffff, v11  }
0x228: {  	[tilespmem:s1+$0x194C0] =	vst.add.f32.msk $0xffff, v12  }
0x229: {  	[tilespmem:s1+$0x194D0] =	vst.add.f32.msk $0xffff, v13  }
0x22a: {  	[tilespmem:s1+$0x194E0] =	vst.add.f32.msk $0xffff, v14  }
0x22b: {  	[tilespmem:s1+$0x194F0] =	vst.add.f32.msk $0xffff, v15  }
0x22c: {  	[tilespmem:s1+$0x19500] =	vst.add.f32.msk $0xffff, v16  }
0x22d: {  	[tilespmem:s1+$0x19510] =	vst.add.f32.msk $0xffff, v17  }
0x22e: {  	[tilespmem:s1+$0x19520] =	vst.add.f32.msk $0xffff, v18  }
0x22f: {  	[tilespmem:s1+$0x19530] =	vst.add.f32.msk $0xffff, v19  }
0x230: {  	[tilespmem:s1+$0x19540] =	vst.add.f32.msk $0xffff, v20  }
0x231: {  	[tilespmem:s1+$0x19550] =	vst.add.f32.msk $0xffff, v21  }
0x232: {  	[tilespmem:s1+$0x19560] =	vst.add.f32.msk $0xffff, v22  }
0x233: {  	[tilespmem:s1+$0x19570] =	vst.add.f32.msk $0xffff, v23  }
0x234: {  	[tilespmem:s1+$0x19580] =	vst.add.f32.msk $0xffff, v24  }
0x235: {  	[tilespmem:s1+$0x19590] =	vst.add.f32.msk $0xffff, v25  }
.Ltmp3:
0x236: {  	[tilespmem:s1+$0x195A0] =	vst.add.f32.msk $0xffff, v26;
	(pc) =	sbr.rel @p0 .LBB2_9-.Ltmp3, $4  }
0x237: {  	[tilespmem:s1+$0x195B0] =	vst.add.f32.msk $0xffff, v27  }
0x238: {  	[tilespmem:s1+$0x195C0] =	vst.add.f32.msk $0xffff, v28  }
0x239: {  	[tilespmem:s1+$0x195D0] =	vst.add.f32.msk $0xffff, v29  }
0x23a: {  	[tilespmem:s1+$0x195E0] =	vst.add.f32.msk $0xffff, v30;
	s1 =	sshra.s32 s2, $0x2;
	s2 =	sadd.s32 $0x800, s2  }
0x23b: {  	v0 =	vld [tilespmem:s1+$0x1F0]  }
0x23c: {  	v1 =	vld [tilespmem:s1+$0x0]  }
0x23d: {  	v2 =	vld [tilespmem:s1+$0x10]  }
0x23e: {  	v3 =	vld [tilespmem:s1+$0x20]  }
0x23f: {  	v4 =	vld [tilespmem:s1+$0x30]  }
0x240: {  	v63 =	vld [tilespmem:s1+$0x40]  }
0x241: {  	v5 =	vld [tilespmem:s1+$0x50]  }
0x242: {  	v6 =	vld [tilespmem:s1+$0x60]  }
0x243: {  	v7 =	vld [tilespmem:s1+$0x70]  }
0x244: {  	v8 =	vld [tilespmem:s1+$0x80]  }
0x245: {  	v9 =	vld [tilespmem:s1+$0x90]  }
0x246: {  	v10 =	vld [tilespmem:s1+$0xA0]  }
0x247: {  	v11 =	vld [tilespmem:s1+$0xB0]  }
0x248: {  	v12 =	vld [tilespmem:s1+$0xC0]  }
0x249: {  	v13 =	vld [tilespmem:s1+$0xD0]  }
0x24a: {  	v14 =	vld [tilespmem:s1+$0xE0]  }
0x24b: {  	v15 =	vld [tilespmem:s1+$0xF0]  }
0x24c: {  	v16 =	vld [tilespmem:s1+$0x100]  }
0x24d: {  	v17 =	vld [tilespmem:s1+$0x110]  }
0x24e: {  	v18 =	vld [tilespmem:s1+$0x120]  }
0x24f: {  	v19 =	vld [tilespmem:s1+$0x130]  }
0x250: {  	v20 =	vld [tilespmem:s1+$0x140]  }
0x251: {  	v21 =	vld [tilespmem:s1+$0x150]  }
0x252: {  	v22 =	vld [tilespmem:s1+$0x160]  }
0x253: {  	v23 =	vld [tilespmem:s1+$0x170]  }
0x254: {  	v24 =	vld [tilespmem:s1+$0x180]  }
0x255: {  	v25 =	vld [tilespmem:s1+$0x190]  }
0x256: {  	v26 =	vld [tilespmem:s1+$0x1A0]  }
0x257: {  	v27 =	vld [tilespmem:s1+$0x1B0]  }
0x258: {  	v28 =	vld [tilespmem:s1+$0x1C0]  }
0x259: {  	v29 =	vld [tilespmem:s1+$0x1D0]  }
0x25a: {  	v30 =	vld [tilespmem:s1+$0x1E0]  }
0x25b: {  	[tilespmem:s1+$0x195F0] =	vst.add.f32.msk $0xffff, v0  }
0x25c: {  	[tilespmem:s1+$0x19400] =	vst.add.f32.msk $0xffff, v1  }
0x25d: {  	[tilespmem:s1+$0x19410] =	vst.add.f32.msk $0xffff, v2  }
0x25e: {  	[tilespmem:s1+$0x19420] =	vst.add.f32.msk $0xffff, v3  }
0x25f: {  	[tilespmem:s1+$0x19430] =	vst.add.f32.msk $0xffff, v4  }
0x260: {  	[tilespmem:s1+$0x19440] =	vst.add.f32.msk $0xffff, v63  }
0x261: {  	[tilespmem:s1+$0x19450] =	vst.add.f32.msk $0xffff, v5  }
0x262: {  	[tilespmem:s1+$0x19460] =	vst.add.f32.msk $0xffff, v6  }
0x263: {  	[tilespmem:s1+$0x19470] =	vst.add.f32.msk $0xffff, v7  }
0x264: {  	[tilespmem:s1+$0x19480] =	vst.add.f32.msk $0xffff, v8  }
0x265: {  	[tilespmem:s1+$0x19490] =	vst.add.f32.msk $0xffff, v9  }
0x266: {  	[tilespmem:s1+$0x194A0] =	vst.add.f32.msk $0xffff, v10  }
0x267: {  	[tilespmem:s1+$0x194B0] =	vst.add.f32.msk $0xffff, v11  }
0x268: {  	[tilespmem:s1+$0x194C0] =	vst.add.f32.msk $0xffff, v12  }
0x269: {  	[tilespmem:s1+$0x194D0] =	vst.add.f32.msk $0xffff, v13  }
0x26a: {  	[tilespmem:s1+$0x194E0] =	vst.add.f32.msk $0xffff, v14  }
0x26b: {  	[tilespmem:s1+$0x194F0] =	vst.add.f32.msk $0xffff, v15  }
0x26c: {  	[tilespmem:s1+$0x19500] =	vst.add.f32.msk $0xffff, v16  }
0x26d: {  	[tilespmem:s1+$0x19510] =	vst.add.f32.msk $0xffff, v17  }
0x26e: {  	[tilespmem:s1+$0x19520] =	vst.add.f32.msk $0xffff, v18  }
0x26f: {  	[tilespmem:s1+$0x19530] =	vst.add.f32.msk $0xffff, v19  }
0x270: {  	[tilespmem:s1+$0x19540] =	vst.add.f32.msk $0xffff, v20  }
0x271: {  	[tilespmem:s1+$0x19550] =	vst.add.f32.msk $0xffff, v21  }
0x272: {  	[tilespmem:s1+$0x19560] =	vst.add.f32.msk $0xffff, v22  }
0x273: {  	[tilespmem:s1+$0x19570] =	vst.add.f32.msk $0xffff, v23  }
0x274: {  	[tilespmem:s1+$0x19580] =	vst.add.f32.msk $0xffff, v24  }
0x275: {  	s24 =	sadd.s32 $0x1, s24;
	[tilespmem:s1+$0x19590] =	vst.add.f32.msk $0xffff, v25  }
0x276: {  	p0 =	sne.s32 s24, $0x8;
	[tilespmem:s1+$0x195A0] =	vst.add.f32.msk $0xffff, v26  }
.Ltmp4:
0x277: {  	[tilespmem:s1+$0x195B0] =	vst.add.f32.msk $0xffff, v27;
	(pc) =	sbr.rel @p0 .LBB2_2-.Ltmp4, $4  }
0x278: {  	s2 =	smul.u32 $0xC80, s29;
	[tilespmem:s1+$0x195C0] =	vst.add.f32.msk $0xffff, v28  }
0x279: {  	[tilespmem:s1+$0x195D0] =	vst.add.f32.msk $0xffff, v29  }
0x27a: {  	s29 =	sadd.s32 s4, s2;
	[tilespmem:s1+$0x195E0] =	vst.add.f32.msk $0xffff, v30  }
0x27b: {  	[hbm4b:s29+s5] =	stream.linear.scatter [tilespmem:s26], [sflag:$0x8], $0x6400, $0x38;
	[tilespmem:$0x1F800] =	vst v63  }
0x27c: {  	s1 =	simm.s32 $0x7  }
0x27d: {  	_ =	swait.ge [sflag:s1], $0x6400  }
0x27e: {  	[sflag:s1] =	ssyncset.done $0x0  }
0x27f: {  	[sflag:s1] =	ssyncadd.s32 $0xFFFF9C00  }
0x280: {  	_ =	swait.ge [sflag:s8], $0x6400  }
0x281: {  	s2 =	rddreg [dreg:$0x9]  }
0x282: {  	s29 =	rddreg [dreg:$0x8];
	s2 =	sadd.s32 $0x1, s2  }
0x283: {  	p0 =	sne.s32 s2, s29  }
.Ltmp5:
0x284: {  	_ = 	snop;
	(pc) =	sbr.rel @p0 .LBB2_1-.Ltmp5, $3  }
0x285: {  	_ =	sdelay $0x1  }
0x286: {  	[sflag:s8] =	ssyncset.done $0x0  }
0x287: {  	[sflag:s8] =	ssyncadd.s32 $0xFFFF9C00  }
0x288: {  	_ =	sfence.sel $0x180000  }
0x289: {  	[bflag:$0x0] =	sbarrier.arrive $0xFFFF  }
0x28a: {  	_ =	strace $0x90000047  }
0x28b: {  	s0 =	stileid.u32;
	[bflag:$0x2] =	sbarrier.arrive $0xFFFF  }
0x28c: {  	p0 =	sne.s32 s0, $0x0;
	s0 =	rddreg [dreg:$0x4]  }
0x28d: {  	s0 =	sadd.s32 @!p0 $0x100000, s0  }
0x28e: {  	[sflag:s0] =	ssyncadd.tile.s32 @!p0 $0x1;
	_ =	shalt  }
.Lfunc_end2:
_tile_overlayer_lowered:
.L_overlay_start_2:
0x28f: {  	(tag) =	ssettag $0x2  }
0x290: {  	s0 =	rddreg [dreg:$0x0];
	s2 =	stileid.u32  }
0x291: {  	s1 =	rddreg [dreg:$0x1];
	p0 =	sne.s32 s2, $0x0  }
0x292: {  	s3 =	rddreg [dreg:$0x2];
	[bflag:$0x3] =	sbarrier.arrive $0xFFFF;
	s2 =	simm.s32 @!p0 $0x1C0E  }
0x293: {  	[timem:s3], [sflag:s2] =	dma.local @!p0 [hbm:s0], s1  }
0x294: {  	s0 =	simm.s32 @!p0 $0xE  }
0x295: {  	_ =	swait.ge @!p0 [sflag:s0], s1  }
0x296: {  	s1 =	ssub.s32 @!p0 $0x0, s1;
	[sflag:s0] =	ssyncset.done @!p0 $0x0  }
0x297: {  	[sflag:s0] =	ssyncadd.s32 @!p0 s1  }
0x298: {  	[bflag:$0x3] =	sbarrier.arrive $0xFFFF  }
0x299: {  	_ =	shalt  }

</sc_bundles>
